<compile_context>
chip_gen: v7x
topology: tpu7x:2x2x1
jax: 0.10.2.dev20260603
libtpu: 0.0.44.dev20260713+nightly
codegen_flags: <defaults>
</compile_context>

<pallas_src>
import functools

import jax
import jax.numpy as jnp
from jax import lax
from jax.experimental import pallas as pl
from jax.experimental.pallas import tpu as pltpu
from jax.experimental.pallas import tpu_sc as plsc

_T = 4096
_L = 64
_D = 256
_H = _T // 2
_MT = 128
_NT = _H // _MT
_NW = 16
_CK = _T // _NW


def _crf_tc_body(feats_ref, w_ref, b_row_ref, start_ref,
                 t_ref, tt_ref, end_col_ref,
                 score_ref, last_ref, bpsa_ref, bpsb_ref,
                 em_ref, srows_ref, emodd_ref, st_ref, tb_ref, mxat_ref,
                 bpat_ref, bpbt_ref):
    f32 = jnp.float32
    i32 = jnp.int32

    em_ref[...] = (
        jnp.dot(feats_ref[...], w_ref[...], preferred_element_type=f32)
        + b_row_ref[...]
    )

    siota_c = lax.broadcasted_iota(i32, (_L, 1), 0).astype(f32)

    tmat = t_ref[...]
    ttmat = tt_ref[...]

    s0 = start_ref[...] + em_ref[0:1, :]

    def fwd_pair(it, s_row):
        srows_ref[pl.ds(it, 1), :] = s_row
        swt = s_row + tmat
        mxa = jnp.max(swt, axis=1, keepdims=True)
        em_row = em_ref[pl.ds(2 * it + 1, 1), :]
        emodd_ref[pl.ds(it, 1), :] = em_row
        em_colb = jnp.broadcast_to(em_row.reshape(_L, 1), (_L, _L))
        s_colb = em_colb + mxa
        swt2 = s_colb + ttmat
        mxb = jnp.max(swt2, axis=0, keepdims=True)
        return em_ref[pl.ds(2 * it + 2, 1), :] + mxb

    s_row = lax.fori_loop(0, _H - 1, fwd_pair, s0)
    srows_ref[_H - 1:_H, :] = s_row
    emodd_ref[_H - 1:_H, :] = em_ref[_T - 1:_T, :]

    swt = s_row + tmat
    mxa = jnp.max(swt, axis=1, keepdims=True)
    em_col = em_ref[_T - 1:_T, :].reshape(_L, 1)
    final = (em_col + mxa) + end_col_ref[...]
    vs = jnp.max(final)
    score_ref[...] = jnp.full((1, 1), vs, f32)
    last = jnp.min(jnp.where(final == vs, siota_c, float(_L)),
                   axis=0, keepdims=True).astype(i32)
    last_ref[...] = jnp.broadcast_to(last, (1, 16))

    for j in range(_L):
        tb_ref[64 * j:64 * j + 64, :] = jnp.broadcast_to(
            t_ref[:, j:j + 1], (_L, _MT))

    def argmax_pass(state_t_ref, out_idx_ref, out_mx_ref):
        def tile_body(t, _):
            base = pl.multiple_of(t * _MT, _MT)
            acc = jnp.full((_L, _MT), -jnp.inf, f32)
            idx = jnp.zeros((_L, _MT), i32)
            for j in range(_L):
                c = tb_ref[64 * j:64 * j + 64, :] + \
                    state_t_ref[j:j + 1, pl.ds(base, _MT)]
                gt = c > acc
                acc = jnp.where(gt, c, acc)
                idx = jnp.where(gt, j, idx)
            out_idx_ref[:, pl.ds(base, _MT)] = idx
            if out_mx_ref is not None:
                out_mx_ref[:, pl.ds(base, _MT)] = acc
            return 0
        lax.fori_loop(0, _NT, tile_body, 0)

    st_ref[...] = srows_ref[...].T
    argmax_pass(st_ref, bpat_ref, mxat_ref)
    st_ref[...] = emodd_ref[...].T + mxat_ref[...]
    argmax_pass(st_ref, bpbt_ref, None)

    bpsa_ref[...] = bpat_ref[...].T
    bpsb_ref[...] = bpbt_ref[...].T
    bpsb_ref[_H - 1:_H, :] = lax.broadcasted_iota(i32, (1, _L), 1)


@functools.cache
def _sc_backtrace_kernel():
    mesh = plsc.VectorSubcoreMesh(core_axis_name="c", subcore_axis_name="s",
                                  num_cores=1)
    return functools.partial(
        pl.kernel, mesh=mesh,
        compiler_params=pltpu.CompilerParams(needs_layout_passes=False),
        out_type=jax.ShapeDtypeStruct((_T,), jnp.int32),
        scratch_types=[
            pltpu.VMEM((_CK * _L,), jnp.int32),
            pltpu.VMEM((_CK * _L,), jnp.int32),
            pltpu.VMEM((_L,), jnp.int32),
            pltpu.VMEM((16,), jnp.int32),
            pltpu.VMEM((_NW * _L,), jnp.int32),
            pltpu.VMEM((_NW * 16,), jnp.int32),
            pltpu.VMEM((_CK,), jnp.int32),
            pltpu.VMEM_SHARED((_NW * _L,), jnp.int32),
            pltpu.VMEM_SHARED((_NW * 16,), jnp.int32),
        ],
    )(_sc_backtrace)


def _sc_backtrace(bps_hbm, last_hbm, out_hbm,
                  chunk_v, seg_v, exit_v, lastent_v, exall_v, entries_v,
                  path_v, sh_exits, sh_entries):
    i32 = jnp.int32
    wid = lax.axis_index("s")
    base = wid * _CK

    pltpu.sync_copy(bps_hbm.at[pl.ds(base * _L, _CK * _L)], chunk_v)
    pltpu.sync_copy(last_hbm, lastent_v)

    lane = lax.broadcasted_iota(i32, (16,), 0)

    def body(i, ptrs):
        r = _CK - 1 - i
        new_ptrs = []
        for g in range(_L // 16):
            p = plsc.load_gather(chunk_v, [r * _L + ptrs[g]])
            seg_v[pl.ds(r * _L + 16 * g, 16)] = p
            new_ptrs.append(p)
        return tuple(new_ptrs)

    pfin = lax.fori_loop(0, _CK, body,
                         tuple(lane + 16 * g for g in range(_L // 16)))
    for g in range(_L // 16):
        exit_v[pl.ds(16 * g, 16)] = pfin[g]

    pltpu.sync_copy(exit_v, sh_exits.at[pl.ds(wid * _L, _L)])
    plsc.subcore_barrier()

    @pl.when(wid == 0)
    def _():
        pltpu.sync_copy(sh_exits, exall_v)
        c0 = lastent_v[...]

        def chase(i, c):
            w = _NW - 1 - i
            entries_v[pl.ds(w * 16, 16)] = c
            return plsc.load_gather(exall_v, [w * _L + c])

        lax.fori_loop(0, _NW, chase, c0)
        pltpu.sync_copy(entries_v, sh_entries)

    plsc.subcore_barrier()

    pltpu.sync_copy(sh_entries.at[pl.ds(wid * 16, 16)], lastent_v)
    evec = lastent_v[...]
    for g in range(_CK // 16):
        rvec = lane + 16 * g
        pv = plsc.load_gather(seg_v, [rvec * _L + evec])
        path_v[pl.ds(16 * g, 16)] = pv
    pltpu.sync_copy(path_v, out_hbm.at[pl.ds(base, _CK)])


def kernel(feats, batch_sizes, W, b, start_transition, transitions,
           end_transition):
    del batch_sizes
    score, last16, bpsa, bpsb = pl.pallas_call(
        _crf_tc_body,
        out_shape=[
            jax.ShapeDtypeStruct((1, 1), jnp.float32),
            jax.ShapeDtypeStruct((1, 16), jnp.int32),
            jax.ShapeDtypeStruct((_H, _L), jnp.int32),
            jax.ShapeDtypeStruct((_H, _L), jnp.int32),
        ],
        scratch_shapes=[
            pltpu.VMEM((_T, _L), jnp.float32),
            pltpu.VMEM((_H, _L), jnp.float32),
            pltpu.VMEM((_H, _L), jnp.float32),
            pltpu.VMEM((_L, _H), jnp.float32),
            pltpu.VMEM((_L * _L, _MT), jnp.float32),
            pltpu.VMEM((_L, _H), jnp.float32),
            pltpu.VMEM((_L, _H), jnp.int32),
            pltpu.VMEM((_L, _H), jnp.int32),
        ],
    )(
        feats,
        W,
        b.reshape(1, _L),
        start_transition.reshape(1, _L),
        transitions,
        transitions.T,
        end_transition.reshape(_L, 1),
    )
    bps_full = jnp.stack([bpsa, bpsb], axis=1).reshape(_T * _L)
    path = _sc_backtrace_kernel()(bps_full, last16.reshape(16))
    return score[0, 0], path

# --- scband reference (transcript-rebuilt; emitter-appended) ---
"""Pipeline reference for scband-crflayer-23948737642760 (READ-ONLY COPY).

The authoritative reference and input builder live on the scoring server;
editing this copy changes nothing except your own understanding.
"""

import jax, jax.numpy as jnp
import numpy as np
from jax import lax

T = 4096
D = 256
L = 64

def setup_inputs(seed: int = 0) -> dict:
    key = jax.random.key(seed)
    ks = jax.random.split(key, 6)
    feats = jax.random.normal(ks[0], (T, D), dtype=jnp.float32)
    # PackedSequence batch_sizes: all ones -> batch of 1 sequence of length T
    batch_sizes = jnp.ones((T,), dtype=jnp.int32)
    W = jax.random.normal(ks[1], (D, L), dtype=jnp.float32) * 0.05
    b = jnp.zeros((L,), dtype=jnp.float32)
    start_transition = jax.random.normal(ks[2], (L,), dtype=jnp.float32)
    transitions = jax.random.normal(ks[3], (L, L), dtype=jnp.float32)
    end_transition = jax.random.normal(ks[4], (L,), dtype=jnp.float32)
    return {"feats": feats, "batch_sizes": batch_sizes, "W": W, "b": b,
            "start_transition": start_transition, "transitions": transitions,
            "end_transition": end_transition}

def reference(feats, batch_sizes, W, b, start_transition, transitions, end_transition):
    # dropout p=0.0 -> identity; feature2labels linear
    emissions = feats @ W + b  # [T, L]
    # batch_sizes are all ones => single unpacked sentence of length T; viterbi decode
    first = start_transition + emissions[0]
    def step(scores, em):
        # torch: scores_with_transitions = scores + transitions  (broadcast over prev axis j)
        swt = scores[None, :] + transitions  # [L_curr, L_prev]
        mx = jnp.max(swt, axis=-1)
        bp = jnp.argmax(swt, axis=-1)
        return em + mx, bp
    final, bps = lax.scan(step, first, emissions[1:])
    final = final + end_transition
    last = jnp.argmax(final)
    viterbi_score = jnp.max(final)
    def back(carry, bp):
        prev = bp[carry]
        return prev, prev
    _, ys = lax.scan(back, last, bps, reverse=True)
    path = jnp.concatenate([ys, last[None]])  # [T] best tag sequence
    return viterbi_score, path

if __name__ == "__main__":
    import jax
    _d = setup_inputs()
    print(jax.jit(kernel)(*tuple(_d.values())))

</pallas_src>

<mosaic_0001>
#map = affine_map<(d0, d1) -> (0)>
module attributes {stable_mosaic.version = 14 : i64} {
  func.func @_sc_backtrace(%arg0: i32, %arg1: i32, %arg2: memref<262144xi32, #tpu.memory_space<hbm>>, %arg3: memref<16xi32, #tpu.memory_space<hbm>>, %arg4: memref<4096xi32, #tpu.memory_space<hbm>>, %arg5: memref<16384xi32, #tpu.memory_space<vmem>>, %arg6: memref<16384xi32, #tpu.memory_space<vmem>>, %arg7: memref<64xi32, #tpu.memory_space<vmem>>, %arg8: memref<16xi32, #tpu.memory_space<vmem>>, %arg9: memref<1024xi32, #tpu.memory_space<vmem>>, %arg10: memref<256xi32, #tpu.memory_space<vmem>>, %arg11: memref<256xi32, #tpu.memory_space<vmem>>, %arg12: memref<1024xi32, #tpu.memory_space<vmem_shared>>, %arg13: memref<256xi32, #tpu.memory_space<vmem_shared>>) attributes {dimension_semantics = [#tpu.dimension_semantics<core_parallel>, #tpu.dimension_semantics<subcore_parallel>], iteration_bounds = array<i64: 1, 16>, scalar_prefetch = 0 : i64, scratch_operands = 9 : i64, tpu.core_type = #tpu.core_type<sc_vector_subcore>, window_params = [{transform_indices = #map}, {transform_indices = #map}, {transform_indices = #map}]} {
    %mul3A = arith.constant 256 : i32
    %mul3A_0 = arith.muli %arg1, %mul3A : i32
    %mul3A_1 = arith.constant 64 : i32
    %mul3A_2 = arith.muli %mul3A_0, %mul3A_1 : i32
    "tpu.region"() ({
      %run_scoped3A = tpu.sem_alloc : memref<!tpu.dma_semaphore, #tpu.memory_space<semaphore_mem>>
      %dma_start3A = tpu.memref_slice %arg2[%mul3A_2] : memref<262144xi32, #tpu.memory_space<hbm>> -> memref<16384xi32, #tpu.memory_space<hbm>>
      %dma_start3A_193 = tpu.memref_slice %arg2[%mul3A_2] : memref<262144xi32, #tpu.memory_space<hbm>> -> memref<16384xi32, #tpu.memory_space<hbm>>
      tpu.enqueue_dma source(%dma_start3A_193 : memref<16384xi32, #tpu.memory_space<hbm>>) target(%arg5 : memref<16384xi32, #tpu.memory_space<vmem>>) target_semaphore(%run_scoped3A : memref<!tpu.dma_semaphore, #tpu.memory_space<semaphore_mem>>)
      %dma_wait3A = tpu.memref_slice %arg2[%mul3A_2] : memref<262144xi32, #tpu.memory_space<hbm>> -> memref<16384xi32, #tpu.memory_space<hbm>>
      %dma_wait3A_194 = tpu.memref_slice %arg2[%mul3A_2] : memref<262144xi32, #tpu.memory_space<hbm>> -> memref<16384xi32, #tpu.memory_space<hbm>>
      tpu.wait_dma2 semaphore(%run_scoped3A : memref<!tpu.dma_semaphore, #tpu.memory_space<semaphore_mem>>) src(%dma_wait3A_194 : memref<16384xi32, #tpu.memory_space<hbm>>) dst(%arg5 : memref<16384xi32, #tpu.memory_space<vmem>>)
      tpu.yield
    }) : () -> ()
    "tpu.region"() ({
      %run_scoped3A = tpu.sem_alloc : memref<!tpu.dma_semaphore, #tpu.memory_space<semaphore_mem>>
      tpu.enqueue_dma source(%arg3 : memref<16xi32, #tpu.memory_space<hbm>>) target(%arg8 : memref<16xi32, #tpu.memory_space<vmem>>) target_semaphore(%run_scoped3A : memref<!tpu.dma_semaphore, #tpu.memory_space<semaphore_mem>>)
      tpu.wait_dma2 semaphore(%run_scoped3A : memref<!tpu.dma_semaphore, #tpu.memory_space<semaphore_mem>>) src(%arg3 : memref<16xi32, #tpu.memory_space<hbm>>) dst(%arg8 : memref<16xi32, #tpu.memory_space<vmem>>)
      tpu.yield
    }) : () -> ()
    %iota3A = tpu.iota {dimensions = array<i32: 0>} : vector<16xi32>
    %add3A = arith.constant 0 : i32
    %add3A_3 = vector.broadcast %add3A : i32 to vector<16xi32>
    %add3A_4 = arith.addi %iota3A, %add3A_3 : vector<16xi32>
    %add3A_5 = arith.constant 16 : i32
    %add3A_6 = vector.broadcast %add3A_5 : i32 to vector<16xi32>
    %add3A_7 = arith.addi %iota3A, %add3A_6 : vector<16xi32>
    %add3A_8 = arith.constant 32 : i32
    %add3A_9 = vector.broadcast %add3A_8 : i32 to vector<16xi32>
    %add3A_10 = arith.addi %iota3A, %add3A_9 : vector<16xi32>
    %add3A_11 = arith.constant 48 : i32
    %add3A_12 = vector.broadcast %add3A_11 : i32 to vector<16xi32>
    %add3A_13 = arith.addi %iota3A, %add3A_12 : vector<16xi32>
    %scan3A = arith.constant 0 : i32
    %scan3A_14 = arith.constant 256 : i32
    %scan3A_15 = arith.addi %scan3A, %scan3A_14 : i32
    %scan3A_16 = arith.constant 1 : i32
    %scan3A_17:4 = scf.for %scan3A_193 = %scan3A to %scan3A_15 step %scan3A_16 iter_args(%scan3A_194 = %add3A_4, %scan3A_195 = %add3A_7, %scan3A_196 = %add3A_10, %scan3A_197 = %add3A_13) -> (vector<16xi32>, vector<16xi32>, vector<16xi32>, vector<16xi32>)  : i32 {
      %sub3A = arith.constant 255 : i32
      %sub3A_198 = arith.subi %sub3A, %scan3A_193 : i32
      %mul3A_199 = arith.constant 64 : i32
      %mul3A_200 = arith.muli %sub3A_198, %mul3A_199 : i32
      %add3A_201 = vector.broadcast %mul3A_200 : i32 to vector<16xi32>
      %add3A_202 = arith.addi %add3A_201, %scan3A_194 : vector<16xi32>
      %gather3A_203 = tpu.vector_load_idx %arg5[%add3A_202] : memref<16384xi32, #tpu.memory_space<vmem>>[vector<16xi32>], vector<16xi32>,
      %mul3A_204 = arith.constant 64 : i32
      %mul3A_205 = arith.muli %sub3A_198, %mul3A_204 : i32
      %add3A_206 = arith.constant 0 : i32
      %add3A_207 = arith.addi %mul3A_205, %add3A_206 : i32
      %swap3A_208 = arith.index_cast %add3A_207 : i32 to index
      %swap3A_209 = tpu.vector_load %arg6[%swap3A_208] {strides = array<i32>} : memref<16384xi32, #tpu.memory_space<vmem>>, vector<16xi32>,
      tpu.vector_store %arg6[%swap3A_208], %gather3A_203 {strides = array<i32>} : memref<16384xi32, #tpu.memory_space<vmem>>, vector<16xi32>,
      %mul3A_210 = arith.constant 64 : i32
      %mul3A_211 = arith.muli %sub3A_198, %mul3A_210 : i32
      %add3A_212 = vector.broadcast %mul3A_211 : i32 to vector<16xi32>
      %add3A_213 = arith.addi %add3A_212, %scan3A_195 : vector<16xi32>
      %gather3A_214 = tpu.vector_load_idx %arg5[%add3A_213] : memref<16384xi32, #tpu.memory_space<vmem>>[vector<16xi32>], vector<16xi32>,
      %mul3A_215 = arith.constant 64 : i32
      %mul3A_216 = arith.muli %sub3A_198, %mul3A_215 : i32
      %add3A_217 = arith.constant 16 : i32
      %add3A_218 = arith.addi %mul3A_216, %add3A_217 : i32
      %swap3A_219 = arith.index_cast %add3A_218 : i32 to index
      %swap3A_220 = tpu.vector_load %arg6[%swap3A_219] {strides = array<i32>} : memref<16384xi32, #tpu.memory_space<vmem>>, vector<16xi32>,
      tpu.vector_store %arg6[%swap3A_219], %gather3A_214 {strides = array<i32>} : memref<16384xi32, #tpu.memory_space<vmem>>, vector<16xi32>,
      %mul3A_221 = arith.constant 64 : i32
      %mul3A_222 = arith.muli %sub3A_198, %mul3A_221 : i32
      %add3A_223 = vector.broadcast %mul3A_222 : i32 to vector<16xi32>
      %add3A_224 = arith.addi %add3A_223, %scan3A_196 : vector<16xi32>
      %gather3A_225 = tpu.vector_load_idx %arg5[%add3A_224] : memref<16384xi32, #tpu.memory_space<vmem>>[vector<16xi32>], vector<16xi32>,
      %mul3A_226 = arith.constant 64 : i32
      %mul3A_227 = arith.muli %sub3A_198, %mul3A_226 : i32
      %add3A_228 = arith.constant 32 : i32
      %add3A_229 = arith.addi %mul3A_227, %add3A_228 : i32
      %swap3A_230 = arith.index_cast %add3A_229 : i32 to index
      %swap3A_231 = tpu.vector_load %arg6[%swap3A_230] {strides = array<i32>} : memref<16384xi32, #tpu.memory_space<vmem>>, vector<16xi32>,
      tpu.vector_store %arg6[%swap3A_230], %gather3A_225 {strides = array<i32>} : memref<16384xi32, #tpu.memory_space<vmem>>, vector<16xi32>,
      %mul3A_232 = arith.constant 64 : i32
      %mul3A_233 = arith.muli %sub3A_198, %mul3A_232 : i32
      %add3A_234 = vector.broadcast %mul3A_233 : i32 to vector<16xi32>
      %add3A_235 = arith.addi %add3A_234, %scan3A_197 : vector<16xi32>
      %gather3A_236 = tpu.vector_load_idx %arg5[%add3A_235] : memref<16384xi32, #tpu.memory_space<vmem>>[vector<16xi32>], vector<16xi32>,
      %mul3A_237 = arith.constant 64 : i32
      %mul3A_238 = arith.muli %sub3A_198, %mul3A_237 : i32
      %add3A_239 = arith.constant 48 : i32
      %add3A_240 = arith.addi %mul3A_238, %add3A_239 : i32
      %swap3A_241 = arith.index_cast %add3A_240 : i32 to index
      %swap3A_242 = tpu.vector_load %arg6[%swap3A_241] {strides = array<i32>} : memref<16384xi32, #tpu.memory_space<vmem>>, vector<16xi32>,
      tpu.vector_store %arg6[%swap3A_241], %gather3A_236 {strides = array<i32>} : memref<16384xi32, #tpu.memory_space<vmem>>, vector<16xi32>,
      scf.yield %gather3A_203, %gather3A_214, %gather3A_225, %gather3A_236 : vector<16xi32>, vector<16xi32>, vector<16xi32>, vector<16xi32>
    }
    %scan3A_18 = arith.constant 256 : i32
    %swap3A = arith.constant 0 : index
    %swap3A_19 = tpu.vector_load %arg7[%swap3A] {strides = array<i32>} : memref<64xi32, #tpu.memory_space<vmem>>, vector<16xi32>,
    tpu.vector_store %arg7[%swap3A], %scan3A_17#0 {strides = array<i32>} : memref<64xi32, #tpu.memory_space<vmem>>, vector<16xi32>,
    %swap3A_20 = arith.constant 16 : index
    %swap3A_21 = tpu.vector_load %arg7[%swap3A_20] {strides = array<i32>} : memref<64xi32, #tpu.memory_space<vmem>>, vector<16xi32>,
    tpu.vector_store %arg7[%swap3A_20], %scan3A_17#1 {strides = array<i32>} : memref<64xi32, #tpu.memory_space<vmem>>, vector<16xi32>,
    %swap3A_22 = arith.constant 32 : index
    %swap3A_23 = tpu.vector_load %arg7[%swap3A_22] {strides = array<i32>} : memref<64xi32, #tpu.memory_space<vmem>>, vector<16xi32>,
    tpu.vector_store %arg7[%swap3A_22], %scan3A_17#2 {strides = array<i32>} : memref<64xi32, #tpu.memory_space<vmem>>, vector<16xi32>,
    %swap3A_24 = arith.constant 48 : index
    %swap3A_25 = tpu.vector_load %arg7[%swap3A_24] {strides = array<i32>} : memref<64xi32, #tpu.memory_space<vmem>>, vector<16xi32>,
    tpu.vector_store %arg7[%swap3A_24], %scan3A_17#3 {strides = array<i32>} : memref<64xi32, #tpu.memory_space<vmem>>, vector<16xi32>,
    %mul3A_26 = arith.constant 64 : i32
    %mul3A_27 = arith.muli %arg1, %mul3A_26 : i32
    "tpu.region"() ({
      %run_scoped3A = tpu.sem_alloc : memref<!tpu.dma_semaphore, #tpu.memory_space<semaphore_mem>>
      %dma_start3A = tpu.memref_slice %arg12[%mul3A_27] : memref<1024xi32, #tpu.memory_space<vmem_shared>> -> memref<64xi32, #tpu.memory_space<vmem_shared>>
      %dma_start3A_193 = tpu.memref_slice %arg12[%mul3A_27] : memref<1024xi32, #tpu.memory_space<vmem_shared>> -> memref<64xi32, #tpu.memory_space<vmem_shared>>
      tpu.enqueue_dma source(%arg7 : memref<64xi32, #tpu.memory_space<vmem>>) target(%dma_start3A_193 : memref<64xi32, #tpu.memory_space<vmem_shared>>) target_semaphore(%run_scoped3A : memref<!tpu.dma_semaphore, #tpu.memory_space<semaphore_mem>>)
      %dma_wait3A = tpu.memref_slice %arg12[%mul3A_27] : memref<1024xi32, #tpu.memory_space<vmem_shared>> -> memref<64xi32, #tpu.memory_space<vmem_shared>>
      %dma_wait3A_194 = tpu.memref_slice %arg12[%mul3A_27] : memref<1024xi32, #tpu.memory_space<vmem_shared>> -> memref<64xi32, #tpu.memory_space<vmem_shared>>
      tpu.wait_dma2 semaphore(%run_scoped3A : memref<!tpu.dma_semaphore, #tpu.memory_space<semaphore_mem>>) src(%arg7 : memref<64xi32, #tpu.memory_space<vmem>>) dst(%dma_wait3A_194 : memref<64xi32, #tpu.memory_space<vmem_shared>>)
      tpu.yield
    }) : () -> ()
    %barrier3A = arith.constant 0 : index
    tpu.barrier barrier_id(%barrier3A)
    %eq3A = arith.constant 0 : i32
    %eq3A_28 = arith.cmpi eq, %arg1, %eq3A : i32
    %convert_element_type3A = arith.extui %eq3A_28 : i1 to i32
    %cond3A = arith.constant 0 : i32
    %cond3A_29 = arith.cmpi ne, %convert_element_type3A, %cond3A : i32
    scf.if %cond3A_29 {
      "tpu.region"() ({
        %run_scoped3A = tpu.sem_alloc : memref<!tpu.dma_semaphore, #tpu.memory_space<semaphore_mem>>
        tpu.enqueue_dma source(%arg12 : memref<1024xi32, #tpu.memory_space<vmem_shared>>) target(%arg9 : memref<1024xi32, #tpu.memory_space<vmem>>) target_semaphore(%run_scoped3A : memref<!tpu.dma_semaphore, #tpu.memory_space<semaphore_mem>>)
        tpu.wait_dma2 semaphore(%run_scoped3A : memref<!tpu.dma_semaphore, #tpu.memory_space<semaphore_mem>>) src(%arg12 : memref<1024xi32, #tpu.memory_space<vmem_shared>>) dst(%arg9 : memref<1024xi32, #tpu.memory_space<vmem>>)
        tpu.yield
      }) : () -> ()
      %get3A_193 = arith.constant 0 : index
      %get3A_194 = tpu.vector_load %arg8[%get3A_193] {strides = array<i32>} : memref<16xi32, #tpu.memory_space<vmem>>, vector<16xi32>,
      %scan3A_195 = arith.constant 0 : i32
      %scan3A_196 = arith.constant 16 : i32
      %scan3A_197 = arith.addi %scan3A_195, %scan3A_196 : i32
      %scan3A_198 = arith.constant 1 : i32
      %scan3A_199 = scf.for %scan3A_201 = %scan3A_195 to %scan3A_197 step %scan3A_198 iter_args(%scan3A_202 = %get3A_194) -> (vector<16xi32>)  : i32 {
        %sub3A = arith.constant 15 : i32
        %sub3A_203 = arith.subi %sub3A, %scan3A_201 : i32
        %mul3A_204 = arith.constant 16 : i32
        %mul3A_205 = arith.muli %sub3A_203, %mul3A_204 : i32
        %swap3A_206 = arith.index_cast %mul3A_205 : i32 to index
        %swap3A_207 = tpu.vector_load %arg10[%swap3A_206] {strides = array<i32>} : memref<256xi32, #tpu.memory_space<vmem>>, vector<16xi32>,
        tpu.vector_store %arg10[%swap3A_206], %scan3A_202 {strides = array<i32>} : memref<256xi32, #tpu.memory_space<vmem>>, vector<16xi32>,
        %mul3A_208 = arith.constant 64 : i32
        %mul3A_209 = arith.muli %sub3A_203, %mul3A_208 : i32
        %add3A_210 = vector.broadcast %mul3A_209 : i32 to vector<16xi32>
        %add3A_211 = arith.addi %add3A_210, %scan3A_202 : vector<16xi32>
        %gather3A_212 = tpu.vector_load_idx %arg9[%add3A_211] : memref<1024xi32, #tpu.memory_space<vmem>>[vector<16xi32>], vector<16xi32>,
        scf.yield %gather3A_212 : vector<16xi32>
      }
      %scan3A_200 = arith.constant 16 : i32
      "tpu.region"() ({
        %run_scoped3A = tpu.sem_alloc : memref<!tpu.dma_semaphore, #tpu.memory_space<semaphore_mem>>
        tpu.enqueue_dma source(%arg10 : memref<256xi32, #tpu.memory_space<vmem>>) target(%arg13 : memref<256xi32, #tpu.memory_space<vmem_shared>>) target_semaphore(%run_scoped3A : memref<!tpu.dma_semaphore, #tpu.memory_space<semaphore_mem>>)
        tpu.wait_dma2 semaphore(%run_scoped3A : memref<!tpu.dma_semaphore, #tpu.memory_space<semaphore_mem>>) src(%arg10 : memref<256xi32, #tpu.memory_space<vmem>>) dst(%arg13 : memref<256xi32, #tpu.memory_space<vmem_shared>>)
        tpu.yield
      }) : () -> ()
    } else {
    }
    %barrier3A_30 = arith.constant 0 : index
    tpu.barrier barrier_id(%barrier3A_30)
    %mul3A_31 = arith.constant 16 : i32
    %mul3A_32 = arith.muli %arg1, %mul3A_31 : i32
    "tpu.region"() ({
      %run_scoped3A = tpu.sem_alloc : memref<!tpu.dma_semaphore, #tpu.memory_space<semaphore_mem>>
      %dma_start3A = tpu.memref_slice %arg13[%mul3A_32] : memref<256xi32, #tpu.memory_space<vmem_shared>> -> memref<16xi32, #tpu.memory_space<vmem_shared>>
      %dma_start3A_193 = tpu.memref_slice %arg13[%mul3A_32] : memref<256xi32, #tpu.memory_space<vmem_shared>> -> memref<16xi32, #tpu.memory_space<vmem_shared>>
      tpu.enqueue_dma source(%dma_start3A_193 : memref<16xi32, #tpu.memory_space<vmem_shared>>) target(%arg8 : memref<16xi32, #tpu.memory_space<vmem>>) target_semaphore(%run_scoped3A : memref<!tpu.dma_semaphore, #tpu.memory_space<semaphore_mem>>)
      %dma_wait3A = tpu.memref_slice %arg13[%mul3A_32] : memref<256xi32, #tpu.memory_space<vmem_shared>> -> memref<16xi32, #tpu.memory_space<vmem_shared>>
      %dma_wait3A_194 = tpu.memref_slice %arg13[%mul3A_32] : memref<256xi32, #tpu.memory_space<vmem_shared>> -> memref<16xi32, #tpu.memory_space<vmem_shared>>
      tpu.wait_dma2 semaphore(%run_scoped3A : memref<!tpu.dma_semaphore, #tpu.memory_space<semaphore_mem>>) src(%dma_wait3A_194 : memref<16xi32, #tpu.memory_space<vmem_shared>>) dst(%arg8 : memref<16xi32, #tpu.memory_space<vmem>>)
      tpu.yield
    }) : () -> ()
    %get3A = arith.constant 0 : index
    %get3A_33 = tpu.vector_load %arg8[%get3A] {strides = array<i32>} : memref<16xi32, #tpu.memory_space<vmem>>, vector<16xi32>,
    %add3A_34 = arith.constant 0 : i32
    %add3A_35 = vector.broadcast %add3A_34 : i32 to vector<16xi32>
    %add3A_36 = arith.addi %iota3A, %add3A_35 : vector<16xi32>
    %mul3A_37 = arith.constant 64 : i32
    %mul3A_38 = vector.broadcast %mul3A_37 : i32 to vector<16xi32>
    %mul3A_39 = arith.muli %add3A_36, %mul3A_38 : vector<16xi32>
    %add3A_40 = arith.addi %mul3A_39, %get3A_33 : vector<16xi32>
    %gather3A = tpu.vector_load_idx %arg6[%add3A_40] : memref<16384xi32, #tpu.memory_space<vmem>>[vector<16xi32>], vector<16xi32>,
    %swap3A_41 = arith.constant 0 : index
    %swap3A_42 = tpu.vector_load %arg11[%swap3A_41] {strides = array<i32>} : memref<256xi32, #tpu.memory_space<vmem>>, vector<16xi32>,
    tpu.vector_store %arg11[%swap3A_41], %gather3A {strides = array<i32>} : memref<256xi32, #tpu.memory_space<vmem>>, vector<16xi32>,
    %add3A_43 = arith.constant 16 : i32
    %add3A_44 = vector.broadcast %add3A_43 : i32 to vector<16xi32>
    %add3A_45 = arith.addi %iota3A, %add3A_44 : vector<16xi32>
    %mul3A_46 = arith.constant 64 : i32
    %mul3A_47 = vector.broadcast %mul3A_46 : i32 to vector<16xi32>
    %mul3A_48 = arith.muli %add3A_45, %mul3A_47 : vector<16xi32>
    %add3A_49 = arith.addi %mul3A_48, %get3A_33 : vector<16xi32>
    %gather3A_50 = tpu.vector_load_idx %arg6[%add3A_49] : memref<16384xi32, #tpu.memory_space<vmem>>[vector<16xi32>], vector<16xi32>,
    %swap3A_51 = arith.constant 16 : index
    %swap3A_52 = tpu.vector_load %arg11[%swap3A_51] {strides = array<i32>} : memref<256xi32, #tpu.memory_space<vmem>>, vector<16xi32>,
    tpu.vector_store %arg11[%swap3A_51], %gather3A_50 {strides = array<i32>} : memref<256xi32, #tpu.memory_space<vmem>>, vector<16xi32>,
    %add3A_53 = arith.constant 32 : i32
    %add3A_54 = vector.broadcast %add3A_53 : i32 to vector<16xi32>
    %add3A_55 = arith.addi %iota3A, %add3A_54 : vector<16xi32>
    %mul3A_56 = arith.constant 64 : i32
    %mul3A_57 = vector.broadcast %mul3A_56 : i32 to vector<16xi32>
    %mul3A_58 = arith.muli %add3A_55, %mul3A_57 : vector<16xi32>
    %add3A_59 = arith.addi %mul3A_58, %get3A_33 : vector<16xi32>
    %gather3A_60 = tpu.vector_load_idx %arg6[%add3A_59] : memref<16384xi32, #tpu.memory_space<vmem>>[vector<16xi32>], vector<16xi32>,
    %swap3A_61 = arith.constant 32 : index
    %swap3A_62 = tpu.vector_load %arg11[%swap3A_61] {strides = array<i32>} : memref<256xi32, #tpu.memory_space<vmem>>, vector<16xi32>,
    tpu.vector_store %arg11[%swap3A_61], %gather3A_60 {strides = array<i32>} : memref<256xi32, #tpu.memory_space<vmem>>, vector<16xi32>,
    %add3A_63 = arith.constant 48 : i32
    %add3A_64 = vector.broadcast %add3A_63 : i32 to vector<16xi32>
    %add3A_65 = arith.addi %iota3A, %add3A_64 : vector<16xi32>
    %mul3A_66 = arith.constant 64 : i32
    %mul3A_67 = vector.broadcast %mul3A_66 : i32 to vector<16xi32>
    %mul3A_68 = arith.muli %add3A_65, %mul3A_67 : vector<16xi32>
    %add3A_69 = arith.addi %mul3A_68, %get3A_33 : vector<16xi32>
    %gather3A_70 = tpu.vector_load_idx %arg6[%add3A_69] : memref<16384xi32, #tpu.memory_space<vmem>>[vector<16xi32>], vector<16xi32>,
    %swap3A_71 = arith.constant 48 : index
    %swap3A_72 = tpu.vector_load %arg11[%swap3A_71] {strides = array<i32>} : memref<256xi32, #tpu.memory_space<vmem>>, vector<16xi32>,
    tpu.vector_store %arg11[%swap3A_71], %gather3A_70 {strides = array<i32>} : memref<256xi32, #tpu.memory_space<vmem>>, vector<16xi32>,
    %add3A_73 = arith.constant 64 : i32
    %add3A_74 = vector.broadcast %add3A_73 : i32 to vector<16xi32>
    %add3A_75 = arith.addi %iota3A, %add3A_74 : vector<16xi32>
    %mul3A_76 = arith.constant 64 : i32
    %mul3A_77 = vector.broadcast %mul3A_76 : i32 to vector<16xi32>
    %mul3A_78 = arith.muli %add3A_75, %mul3A_77 : vector<16xi32>
    %add3A_79 = arith.addi %mul3A_78, %get3A_33 : vector<16xi32>
    %gather3A_80 = tpu.vector_load_idx %arg6[%add3A_79] : memref<16384xi32, #tpu.memory_space<vmem>>[vector<16xi32>], vector<16xi32>,
    %swap3A_81 = arith.constant 64 : index
    %swap3A_82 = tpu.vector_load %arg11[%swap3A_81] {strides = array<i32>} : memref<256xi32, #tpu.memory_space<vmem>>, vector<16xi32>,
    tpu.vector_store %arg11[%swap3A_81], %gather3A_80 {strides = array<i32>} : memref<256xi32, #tpu.memory_space<vmem>>, vector<16xi32>,
    %add3A_83 = arith.constant 80 : i32
    %add3A_84 = vector.broadcast %add3A_83 : i32 to vector<16xi32>
    %add3A_85 = arith.addi %iota3A, %add3A_84 : vector<16xi32>
    %mul3A_86 = arith.constant 64 : i32
    %mul3A_87 = vector.broadcast %mul3A_86 : i32 to vector<16xi32>
    %mul3A_88 = arith.muli %add3A_85, %mul3A_87 : vector<16xi32>
    %add3A_89 = arith.addi %mul3A_88, %get3A_33 : vector<16xi32>
    %gather3A_90 = tpu.vector_load_idx %arg6[%add3A_89] : memref<16384xi32, #tpu.memory_space<vmem>>[vector<16xi32>], vector<16xi32>,
    %swap3A_91 = arith.constant 80 : index
    %swap3A_92 = tpu.vector_load %arg11[%swap3A_91] {strides = array<i32>} : memref<256xi32, #tpu.memory_space<vmem>>, vector<16xi32>,
    tpu.vector_store %arg11[%swap3A_91], %gather3A_90 {strides = array<i32>} : memref<256xi32, #tpu.memory_space<vmem>>, vector<16xi32>,
    %add3A_93 = arith.constant 96 : i32
    %add3A_94 = vector.broadcast %add3A_93 : i32 to vector<16xi32>
    %add3A_95 = arith.addi %iota3A, %add3A_94 : vector<16xi32>
    %mul3A_96 = arith.constant 64 : i32
    %mul3A_97 = vector.broadcast %mul3A_96 : i32 to vector<16xi32>
    %mul3A_98 = arith.muli %add3A_95, %mul3A_97 : vector<16xi32>
    %add3A_99 = arith.addi %mul3A_98, %get3A_33 : vector<16xi32>
    %gather3A_100 = tpu.vector_load_idx %arg6[%add3A_99] : memref<16384xi32, #tpu.memory_space<vmem>>[vector<16xi32>], vector<16xi32>,
    %swap3A_101 = arith.constant 96 : index
    %swap3A_102 = tpu.vector_load %arg11[%swap3A_101] {strides = array<i32>} : memref<256xi32, #tpu.memory_space<vmem>>, vector<16xi32>,
    tpu.vector_store %arg11[%swap3A_101], %gather3A_100 {strides = array<i32>} : memref<256xi32, #tpu.memory_space<vmem>>, vector<16xi32>,
    %add3A_103 = arith.constant 112 : i32
    %add3A_104 = vector.broadcast %add3A_103 : i32 to vector<16xi32>
    %add3A_105 = arith.addi %iota3A, %add3A_104 : vector<16xi32>
    %mul3A_106 = arith.constant 64 : i32
    %mul3A_107 = vector.broadcast %mul3A_106 : i32 to vector<16xi32>
    %mul3A_108 = arith.muli %add3A_105, %mul3A_107 : vector<16xi32>
    %add3A_109 = arith.addi %mul3A_108, %get3A_33 : vector<16xi32>
    %gather3A_110 = tpu.vector_load_idx %arg6[%add3A_109] : memref<16384xi32, #tpu.memory_space<vmem>>[vector<16xi32>], vector<16xi32>,
    %swap3A_111 = arith.constant 112 : index
    %swap3A_112 = tpu.vector_load %arg11[%swap3A_111] {strides = array<i32>} : memref<256xi32, #tpu.memory_space<vmem>>, vector<16xi32>,
    tpu.vector_store %arg11[%swap3A_111], %gather3A_110 {strides = array<i32>} : memref<256xi32, #tpu.memory_space<vmem>>, vector<16xi32>,
    %add3A_113 = arith.constant 128 : i32
    %add3A_114 = vector.broadcast %add3A_113 : i32 to vector<16xi32>
    %add3A_115 = arith.addi %iota3A, %add3A_114 : vector<16xi32>
    %mul3A_116 = arith.constant 64 : i32
    %mul3A_117 = vector.broadcast %mul3A_116 : i32 to vector<16xi32>
    %mul3A_118 = arith.muli %add3A_115, %mul3A_117 : vector<16xi32>
    %add3A_119 = arith.addi %mul3A_118, %get3A_33 : vector<16xi32>
    %gather3A_120 = tpu.vector_load_idx %arg6[%add3A_119] : memref<16384xi32, #tpu.memory_space<vmem>>[vector<16xi32>], vector<16xi32>,
    %swap3A_121 = arith.constant 128 : index
    %swap3A_122 = tpu.vector_load %arg11[%swap3A_121] {strides = array<i32>} : memref<256xi32, #tpu.memory_space<vmem>>, vector<16xi32>,
    tpu.vector_store %arg11[%swap3A_121], %gather3A_120 {strides = array<i32>} : memref<256xi32, #tpu.memory_space<vmem>>, vector<16xi32>,
    %add3A_123 = arith.constant 144 : i32
    %add3A_124 = vector.broadcast %add3A_123 : i32 to vector<16xi32>
    %add3A_125 = arith.addi %iota3A, %add3A_124 : vector<16xi32>
    %mul3A_126 = arith.constant 64 : i32
    %mul3A_127 = vector.broadcast %mul3A_126 : i32 to vector<16xi32>
    %mul3A_128 = arith.muli %add3A_125, %mul3A_127 : vector<16xi32>
    %add3A_129 = arith.addi %mul3A_128, %get3A_33 : vector<16xi32>
    %gather3A_130 = tpu.vector_load_idx %arg6[%add3A_129] : memref<16384xi32, #tpu.memory_space<vmem>>[vector<16xi32>], vector<16xi32>,
    %swap3A_131 = arith.constant 144 : index
    %swap3A_132 = tpu.vector_load %arg11[%swap3A_131] {strides = array<i32>} : memref<256xi32, #tpu.memory_space<vmem>>, vector<16xi32>,
    tpu.vector_store %arg11[%swap3A_131], %gather3A_130 {strides = array<i32>} : memref<256xi32, #tpu.memory_space<vmem>>, vector<16xi32>,
    %add3A_133 = arith.constant 160 : i32
    %add3A_134 = vector.broadcast %add3A_133 : i32 to vector<16xi32>
    %add3A_135 = arith.addi %iota3A, %add3A_134 : vector<16xi32>
    %mul3A_136 = arith.constant 64 : i32
    %mul3A_137 = vector.broadcast %mul3A_136 : i32 to vector<16xi32>
    %mul3A_138 = arith.muli %add3A_135, %mul3A_137 : vector<16xi32>
    %add3A_139 = arith.addi %mul3A_138, %get3A_33 : vector<16xi32>
    %gather3A_140 = tpu.vector_load_idx %arg6[%add3A_139] : memref<16384xi32, #tpu.memory_space<vmem>>[vector<16xi32>], vector<16xi32>,
    %swap3A_141 = arith.constant 160 : index
    %swap3A_142 = tpu.vector_load %arg11[%swap3A_141] {strides = array<i32>} : memref<256xi32, #tpu.memory_space<vmem>>, vector<16xi32>,
    tpu.vector_store %arg11[%swap3A_141], %gather3A_140 {strides = array<i32>} : memref<256xi32, #tpu.memory_space<vmem>>, vector<16xi32>,
    %add3A_143 = arith.constant 176 : i32
    %add3A_144 = vector.broadcast %add3A_143 : i32 to vector<16xi32>
    %add3A_145 = arith.addi %iota3A, %add3A_144 : vector<16xi32>
    %mul3A_146 = arith.constant 64 : i32
    %mul3A_147 = vector.broadcast %mul3A_146 : i32 to vector<16xi32>
    %mul3A_148 = arith.muli %add3A_145, %mul3A_147 : vector<16xi32>
    %add3A_149 = arith.addi %mul3A_148, %get3A_33 : vector<16xi32>
    %gather3A_150 = tpu.vector_load_idx %arg6[%add3A_149] : memref<16384xi32, #tpu.memory_space<vmem>>[vector<16xi32>], vector<16xi32>,
    %swap3A_151 = arith.constant 176 : index
    %swap3A_152 = tpu.vector_load %arg11[%swap3A_151] {strides = array<i32>} : memref<256xi32, #tpu.memory_space<vmem>>, vector<16xi32>,
    tpu.vector_store %arg11[%swap3A_151], %gather3A_150 {strides = array<i32>} : memref<256xi32, #tpu.memory_space<vmem>>, vector<16xi32>,
    %add3A_153 = arith.constant 192 : i32
    %add3A_154 = vector.broadcast %add3A_153 : i32 to vector<16xi32>
    %add3A_155 = arith.addi %iota3A, %add3A_154 : vector<16xi32>
    %mul3A_156 = arith.constant 64 : i32
    %mul3A_157 = vector.broadcast %mul3A_156 : i32 to vector<16xi32>
    %mul3A_158 = arith.muli %add3A_155, %mul3A_157 : vector<16xi32>
    %add3A_159 = arith.addi %mul3A_158, %get3A_33 : vector<16xi32>
    %gather3A_160 = tpu.vector_load_idx %arg6[%add3A_159] : memref<16384xi32, #tpu.memory_space<vmem>>[vector<16xi32>], vector<16xi32>,
    %swap3A_161 = arith.constant 192 : index
    %swap3A_162 = tpu.vector_load %arg11[%swap3A_161] {strides = array<i32>} : memref<256xi32, #tpu.memory_space<vmem>>, vector<16xi32>,
    tpu.vector_store %arg11[%swap3A_161], %gather3A_160 {strides = array<i32>} : memref<256xi32, #tpu.memory_space<vmem>>, vector<16xi32>,
    %add3A_163 = arith.constant 208 : i32
    %add3A_164 = vector.broadcast %add3A_163 : i32 to vector<16xi32>
    %add3A_165 = arith.addi %iota3A, %add3A_164 : vector<16xi32>
    %mul3A_166 = arith.constant 64 : i32
    %mul3A_167 = vector.broadcast %mul3A_166 : i32 to vector<16xi32>
    %mul3A_168 = arith.muli %add3A_165, %mul3A_167 : vector<16xi32>
    %add3A_169 = arith.addi %mul3A_168, %get3A_33 : vector<16xi32>
    %gather3A_170 = tpu.vector_load_idx %arg6[%add3A_169] : memref<16384xi32, #tpu.memory_space<vmem>>[vector<16xi32>], vector<16xi32>,
    %swap3A_171 = arith.constant 208 : index
    %swap3A_172 = tpu.vector_load %arg11[%swap3A_171] {strides = array<i32>} : memref<256xi32, #tpu.memory_space<vmem>>, vector<16xi32>,
    tpu.vector_store %arg11[%swap3A_171], %gather3A_170 {strides = array<i32>} : memref<256xi32, #tpu.memory_space<vmem>>, vector<16xi32>,
    %add3A_173 = arith.constant 224 : i32
    %add3A_174 = vector.broadcast %add3A_173 : i32 to vector<16xi32>
    %add3A_175 = arith.addi %iota3A, %add3A_174 : vector<16xi32>
    %mul3A_176 = arith.constant 64 : i32
    %mul3A_177 = vector.broadcast %mul3A_176 : i32 to vector<16xi32>
    %mul3A_178 = arith.muli %add3A_175, %mul3A_177 : vector<16xi32>
    %add3A_179 = arith.addi %mul3A_178, %get3A_33 : vector<16xi32>
    %gather3A_180 = tpu.vector_load_idx %arg6[%add3A_179] : memref<16384xi32, #tpu.memory_space<vmem>>[vector<16xi32>], vector<16xi32>,
    %swap3A_181 = arith.constant 224 : index
    %swap3A_182 = tpu.vector_load %arg11[%swap3A_181] {strides = array<i32>} : memref<256xi32, #tpu.memory_space<vmem>>, vector<16xi32>,
    tpu.vector_store %arg11[%swap3A_181], %gather3A_180 {strides = array<i32>} : memref<256xi32, #tpu.memory_space<vmem>>, vector<16xi32>,
    %add3A_183 = arith.constant 240 : i32
    %add3A_184 = vector.broadcast %add3A_183 : i32 to vector<16xi32>
    %add3A_185 = arith.addi %iota3A, %add3A_184 : vector<16xi32>
    %mul3A_186 = arith.constant 64 : i32
    %mul3A_187 = vector.broadcast %mul3A_186 : i32 to vector<16xi32>
    %mul3A_188 = arith.muli %add3A_185, %mul3A_187 : vector<16xi32>
    %add3A_189 = arith.addi %mul3A_188, %get3A_33 : vector<16xi32>
    %gather3A_190 = tpu.vector_load_idx %arg6[%add3A_189] : memref<16384xi32, #tpu.memory_space<vmem>>[vector<16xi32>], vector<16xi32>,
    %swap3A_191 = arith.constant 240 : index
    %swap3A_192 = tpu.vector_load %arg11[%swap3A_191] {strides = array<i32>} : memref<256xi32, #tpu.memory_space<vmem>>, vector<16xi32>,
    tpu.vector_store %arg11[%swap3A_191], %gather3A_190 {strides = array<i32>} : memref<256xi32, #tpu.memory_space<vmem>>, vector<16xi32>,
    "tpu.region"() ({
      %run_scoped3A = tpu.sem_alloc : memref<!tpu.dma_semaphore, #tpu.memory_space<semaphore_mem>>
      %dma_start3A = tpu.memref_slice %arg4[%mul3A_0] : memref<4096xi32, #tpu.memory_space<hbm>> -> memref<256xi32, #tpu.memory_space<hbm>>
      %dma_start3A_193 = tpu.memref_slice %arg4[%mul3A_0] : memref<4096xi32, #tpu.memory_space<hbm>> -> memref<256xi32, #tpu.memory_space<hbm>>
      tpu.enqueue_dma source(%arg11 : memref<256xi32, #tpu.memory_space<vmem>>) target(%dma_start3A_193 : memref<256xi32, #tpu.memory_space<hbm>>) target_semaphore(%run_scoped3A : memref<!tpu.dma_semaphore, #tpu.memory_space<semaphore_mem>>)
      %dma_wait3A = tpu.memref_slice %arg4[%mul3A_0] : memref<4096xi32, #tpu.memory_space<hbm>> -> memref<256xi32, #tpu.memory_space<hbm>>
      %dma_wait3A_194 = tpu.memref_slice %arg4[%mul3A_0] : memref<4096xi32, #tpu.memory_space<hbm>> -> memref<256xi32, #tpu.memory_space<hbm>>
      tpu.wait_dma2 semaphore(%run_scoped3A : memref<!tpu.dma_semaphore, #tpu.memory_space<semaphore_mem>>) src(%arg11 : memref<256xi32, #tpu.memory_space<vmem>>) dst(%dma_wait3A_194 : memref<256xi32, #tpu.memory_space<hbm>>)
      tpu.yield
    }) : () -> ()
    return
  }
}

module attributes {stable_mosaic.version = 14 : i64} {
  func.func @_crf_tc_body(%arg0: memref<4096x256xf32, #tpu.memory_space<vmem>>, %arg1: memref<256x64xf32, #tpu.memory_space<vmem>>, %arg2: memref<1x64xf32, #tpu.memory_space<vmem>>, %arg3: memref<1x64xf32, #tpu.memory_space<vmem>>, %arg4: memref<64x64xf32, #tpu.memory_space<vmem>>, %arg5: memref<64x64xf32, #tpu.memory_space<vmem>>, %arg6: memref<64x1xf32, #tpu.memory_space<vmem>>, %arg7: memref<1x1xf32, #tpu.memory_space<vmem>>, %arg8: memref<1x16xi32, #tpu.memory_space<vmem>>, %arg9: memref<2048x64xi32, #tpu.memory_space<vmem>>, %arg10: memref<2048x64xi32, #tpu.memory_space<vmem>>, %arg11: memref<4096x64xf32, #tpu.memory_space<vmem>>, %arg12: memref<2048x64xf32, #tpu.memory_space<vmem>>, %arg13: memref<2048x64xf32, #tpu.memory_space<vmem>>, %arg14: memref<64x2048xf32, #tpu.memory_space<vmem>>, %arg15: memref<4096x128xf32, #tpu.memory_space<vmem>>, %arg16: memref<64x2048xf32, #tpu.memory_space<vmem>>, %arg17: memref<64x2048xi32, #tpu.memory_space<vmem>>, %arg18: memref<64x2048xi32, #tpu.memory_space<vmem>>) attributes {dimension_semantics = [], scalar_prefetch = 0 : i64, scratch_operands = 8 : i64, tpu.core_type = #tpu.core_type<tc>} {
    %get3A = arith.constant 0 : index
    %get3A_0 = arith.constant 0 : index
    %get3A_1 = vector.load %arg0[%get3A, %get3A_0] : memref<4096x256xf32, #tpu.memory_space<vmem>>, vector<4096x256xf32>
    %get3A_2 = arith.constant 0 : index
    %get3A_3 = arith.constant 0 : index
    %get3A_4 = vector.load %arg1[%get3A_2, %get3A_3] : memref<256x64xf32, #tpu.memory_space<vmem>>, vector<256x64xf32>
    %dot_general3A = arith.constant dense<0.000000e+00> : vector<4096x64xf32>
    %dot_general3A_5 = tpu.matmul %get3A_1, %get3A_4, %dot_general3A {dimension_numbers = #tpu.dot_dimension_numbers<[1], [0], [0], [1], [0, 0, 1, 1], [], []>, transpose_lhs_hint = false} : vector<4096x256xf32>, vector<256x64xf32>, vector<4096x64xf32> -> vector<4096x64xf32>
    %get3A_6 = arith.constant 0 : index
    %get3A_7 = arith.constant 0 : index
    %get3A_8 = vector.load %arg2[%get3A_6, %get3A_7] : memref<1x64xf32, #tpu.memory_space<vmem>>, vector<1x64xf32>
    %add3A = vector.broadcast %get3A_8 : vector<1x64xf32> to vector<4096x64xf32>
    %add3A_9 = arith.addf %dot_general3A_5, %add3A : vector<4096x64xf32>
    %swap3A = arith.constant 0 : index
    %swap3A_10 = arith.constant 0 : index
    %swap3A_11 = vector.load %arg11[%swap3A, %swap3A_10] : memref<4096x64xf32, #tpu.memory_space<vmem>>, vector<4096x64xf32>
    tpu.vector_store %arg11[%swap3A, %swap3A_10], %add3A_9 {strides = array<i32>} : memref<4096x64xf32, #tpu.memory_space<vmem>>, vector<4096x64xf32>,
    %iota3A = tpu.iota {dimensions = array<i32: 0>} : vector<64x1xi32>
    %convert_element_type3A = arith.sitofp %iota3A : vector<64x1xi32> to vector<64x1xf32>
    %get3A_12 = arith.constant 0 : index
    %get3A_13 = arith.constant 0 : index
    %get3A_14 = vector.load %arg4[%get3A_12, %get3A_13] : memref<64x64xf32, #tpu.memory_space<vmem>>, vector<64x64xf32>
    %get3A_15 = arith.constant 0 : index
    %get3A_16 = arith.constant 0 : index
    %get3A_17 = vector.load %arg5[%get3A_15, %get3A_16] : memref<64x64xf32, #tpu.memory_space<vmem>>, vector<64x64xf32>
    %get3A_18 = arith.constant 0 : index
    %get3A_19 = arith.constant 0 : index
    %get3A_20 = vector.load %arg3[%get3A_18, %get3A_19] : memref<1x64xf32, #tpu.memory_space<vmem>>, vector<1x64xf32>
    %get3A_21 = arith.constant 0 : index
    %get3A_22 = arith.constant 0 : index
    %get3A_23 = vector.load %arg11[%get3A_21, %get3A_22] : memref<4096x64xf32, #tpu.memory_space<vmem>>, vector<1x64xf32>
    %add3A_24 = arith.addf %get3A_20, %get3A_23 : vector<1x64xf32>
    %scan3A = arith.constant 0 : i32
    %scan3A_25 = arith.constant 2047 : i32
    %scan3A_26 = arith.addi %scan3A, %scan3A_25 : i32
    %scan3A_27 = arith.constant 1 : i32
    %scan3A_28 = scf.for %scan3A_626 = %scan3A to %scan3A_26 step %scan3A_27 iter_args(%scan3A_627 = %add3A_24) -> (vector<1x64xf32>)  : i32 {
      %swap3A_628 = arith.index_cast %scan3A_626 : i32 to index
      %swap3A_629 = arith.constant 0 : index
      %swap3A_630 = vector.load %arg12[%swap3A_628, %swap3A_629] : memref<2048x64xf32, #tpu.memory_space<vmem>>, vector<1x64xf32>
      tpu.vector_store %arg12[%swap3A_628, %swap3A_629], %scan3A_627 {strides = array<i32>} : memref<2048x64xf32, #tpu.memory_space<vmem>>, vector<1x64xf32>,
      %add3A_631 = vector.broadcast %scan3A_627 : vector<1x64xf32> to vector<64x64xf32>
      %add3A_632 = arith.addf %add3A_631, %get3A_14 : vector<64x64xf32>
      %reduce_max3A_633 = arith.constant dense<0xFF800000> : vector<64xf32>
      %reduce_max3A_634 = vector.multi_reduction <maximumf>, %add3A_632, %reduce_max3A_633 [1] : vector<64x64xf32> to vector<64xf32>
      %broadcast_in_dim3A_635 = vector.shape_cast %reduce_max3A_634 : vector<64xf32> to vector<64x1xf32>
      %mul3A = arith.constant 2 : i32
      %mul3A_636 = arith.muli %mul3A, %scan3A_626 : i32
      %add3A_637 = arith.constant 1 : i32
      %add3A_638 = arith.addi %mul3A_636, %add3A_637 : i32
      %get3A_639 = arith.index_cast %add3A_638 : i32 to index
      %get3A_640 = arith.constant 0 : index
      %get3A_641 = vector.load %arg11[%get3A_639, %get3A_640] : memref<4096x64xf32, #tpu.memory_space<vmem>>, vector<1x64xf32>
      %swap3A_642 = arith.index_cast %scan3A_626 : i32 to index
      %swap3A_643 = arith.constant 0 : index
      %swap3A_644 = vector.load %arg13[%swap3A_642, %swap3A_643] : memref<2048x64xf32, #tpu.memory_space<vmem>>, vector<1x64xf32>
      tpu.vector_store %arg13[%swap3A_642, %swap3A_643], %get3A_641 {strides = array<i32>} : memref<2048x64xf32, #tpu.memory_space<vmem>>, vector<1x64xf32>,
      %reshape3A_645 = vector.shape_cast %get3A_641 : vector<1x64xf32> to vector<64x1xf32>
      %broadcast_in_dim3A_646 = vector.shape_cast %reshape3A_645 : vector<64x1xf32> to vector<64x1xf32>
      %broadcast_in_dim3A_647 = vector.broadcast %broadcast_in_dim3A_646 : vector<64x1xf32> to vector<64x64xf32>
      %add3A_648 = vector.broadcast %broadcast_in_dim3A_635 : vector<64x1xf32> to vector<64x64xf32>
      %add3A_649 = arith.addf %broadcast_in_dim3A_647, %add3A_648 : vector<64x64xf32>
      %add3A_650 = arith.addf %add3A_649, %get3A_17 : vector<64x64xf32>
      %reduce_max3A_651 = arith.constant dense<0xFF800000> : vector<64xf32>
      %reduce_max3A_652 = vector.multi_reduction <maximumf>, %add3A_650, %reduce_max3A_651 [0] : vector<64x64xf32> to vector<64xf32>
      %broadcast_in_dim3A_653 = vector.shape_cast %reduce_max3A_652 : vector<64xf32> to vector<1x64xf32>
      %mul3A_654 = arith.constant 2 : i32
      %mul3A_655 = arith.muli %mul3A_654, %scan3A_626 : i32
      %add3A_656 = arith.constant 2 : i32
      %add3A_657 = arith.addi %mul3A_655, %add3A_656 : i32
      %get3A_658 = arith.index_cast %add3A_657 : i32 to index
      %get3A_659 = arith.constant 0 : index
      %get3A_660 = vector.load %arg11[%get3A_658, %get3A_659] : memref<4096x64xf32, #tpu.memory_space<vmem>>, vector<1x64xf32>
      %add3A_661 = arith.addf %get3A_660, %broadcast_in_dim3A_653 : vector<1x64xf32>
      scf.yield %add3A_661 : vector<1x64xf32>
    }
    %scan3A_29 = arith.constant 2047 : i32
    %swap3A_30 = arith.constant 2047 : index
    %swap3A_31 = arith.constant 0 : index
    %swap3A_32 = vector.load %arg12[%swap3A_30, %swap3A_31] : memref<2048x64xf32, #tpu.memory_space<vmem>>, vector<1x64xf32>
    tpu.vector_store %arg12[%swap3A_30, %swap3A_31], %scan3A_28 {strides = array<i32>} : memref<2048x64xf32, #tpu.memory_space<vmem>>, vector<1x64xf32>,
    %get3A_33 = arith.constant 4095 : index
    %get3A_34 = arith.constant 0 : index
    %get3A_35 = vector.load %arg11[%get3A_33, %get3A_34] : memref<4096x64xf32, #tpu.memory_space<vmem>>, vector<1x64xf32>
    %swap3A_36 = arith.constant 2047 : index
    %swap3A_37 = arith.constant 0 : index
    %swap3A_38 = vector.load %arg13[%swap3A_36, %swap3A_37] : memref<2048x64xf32, #tpu.memory_space<vmem>>, vector<1x64xf32>
    tpu.vector_store %arg13[%swap3A_36, %swap3A_37], %get3A_35 {strides = array<i32>} : memref<2048x64xf32, #tpu.memory_space<vmem>>, vector<1x64xf32>,
    %add3A_39 = vector.broadcast %scan3A_28 : vector<1x64xf32> to vector<64x64xf32>
    %add3A_40 = arith.addf %add3A_39, %get3A_14 : vector<64x64xf32>
    %reduce_max3A = arith.constant dense<0xFF800000> : vector<64xf32>
    %reduce_max3A_41 = vector.multi_reduction <maximumf>, %add3A_40, %reduce_max3A [1] : vector<64x64xf32> to vector<64xf32>
    %broadcast_in_dim3A = vector.shape_cast %reduce_max3A_41 : vector<64xf32> to vector<64x1xf32>
    %get3A_42 = arith.constant 4095 : index
    %get3A_43 = arith.constant 0 : index
    %get3A_44 = vector.load %arg11[%get3A_42, %get3A_43] : memref<4096x64xf32, #tpu.memory_space<vmem>>, vector<1x64xf32>
    %reshape3A = vector.shape_cast %get3A_44 : vector<1x64xf32> to vector<64x1xf32>
    %add3A_45 = arith.addf %reshape3A, %broadcast_in_dim3A : vector<64x1xf32>
    %get3A_46 = arith.constant 0 : index
    %get3A_47 = arith.constant 0 : index
    %get3A_48 = vector.load %arg6[%get3A_46, %get3A_47] : memref<64x1xf32, #tpu.memory_space<vmem>>, vector<64x1xf32>
    %add3A_49 = arith.addf %add3A_45, %get3A_48 : vector<64x1xf32>
    %reduce_max3A_50 = vector.shape_cast %add3A_49 : vector<64x1xf32> to vector<1x64x1xf32>
    %reduce_max3A_51 = arith.constant dense<0xFF800000> : vector<1xf32>
    %reduce_max3A_52 = vector.multi_reduction <maximumf>, %reduce_max3A_50, %reduce_max3A_51 [1, 2] : vector<1x64x1xf32> to vector<1xf32>
    %reduce_max3A_53 = vector.shape_cast %reduce_max3A_52 : vector<1xf32> to vector<1x1x1xf32>
    %reduce_max3A_54 = vector.extract %reduce_max3A_53[0, 0, 0] : f32 from vector<1x1x1xf32>
    %broadcast_in_dim3A_55 = vector.broadcast %reduce_max3A_54 : f32 to vector<1x1xf32>
    %swap3A_56 = arith.constant 0 : index
    %swap3A_57 = arith.constant 0 : index
    %swap3A_58 = vector.load %arg7[%swap3A_56, %swap3A_57] : memref<1x1xf32, #tpu.memory_space<vmem>>, vector<1x1xf32>
    tpu.vector_store %arg7[%swap3A_56, %swap3A_57], %broadcast_in_dim3A_55 {strides = array<i32>} : memref<1x1xf32, #tpu.memory_space<vmem>>, vector<1x1xf32>,
    %eq3A = vector.broadcast %reduce_max3A_54 : f32 to vector<64x1xf32>
    %eq3A_59 = arith.cmpf oeq, %add3A_49, %eq3A : vector<64x1xf32>
    %jit3A = arith.constant 6.400000e+01 : f32
    %broadcast_in_dim3A_60 = vector.broadcast %jit3A : f32 to vector<64x1xf32>
    %select_n3A = arith.select %eq3A_59, %convert_element_type3A, %broadcast_in_dim3A_60 : vector<64x1xi1>, vector<64x1xf32>
    %reduce_min3A = arith.constant dense<0x7F800000> : vector<1xf32>
    %reduce_min3A_61 = vector.multi_reduction <minimumf>, %select_n3A, %reduce_min3A [0] : vector<64x1xf32> to vector<1xf32>
    %broadcast_in_dim3A_62 = vector.shape_cast %reduce_min3A_61 : vector<1xf32> to vector<1x1xf32>
    %convert_element_type3A_63 = arith.fptosi %broadcast_in_dim3A_62 : vector<1x1xf32> to vector<1x1xi32>
    %broadcast_in_dim3A_64 = vector.shape_cast %convert_element_type3A_63 : vector<1x1xi32> to vector<1x1xi32>
    %broadcast_in_dim3A_65 = vector.broadcast %broadcast_in_dim3A_64 : vector<1x1xi32> to vector<1x16xi32>
    %swap3A_66 = arith.constant 0 : index
    %swap3A_67 = arith.constant 0 : index
    %swap3A_68 = vector.load %arg8[%swap3A_66, %swap3A_67] : memref<1x16xi32, #tpu.memory_space<vmem>>, vector<1x16xi32>
    tpu.vector_store %arg8[%swap3A_66, %swap3A_67], %broadcast_in_dim3A_65 {strides = array<i32>} : memref<1x16xi32, #tpu.memory_space<vmem>>, vector<1x16xi32>,
    %get3A_69 = arith.constant 0 : index
    %get3A_70 = arith.constant 0 : index
    %get3A_71 = vector.load %arg4[%get3A_69, %get3A_70] : memref<64x64xf32, #tpu.memory_space<vmem>>, vector<64x1xf32>
    %broadcast_in_dim3A_72 = vector.shape_cast %get3A_71 : vector<64x1xf32> to vector<64x1xf32>
    %broadcast_in_dim3A_73 = vector.broadcast %broadcast_in_dim3A_72 : vector<64x1xf32> to vector<64x128xf32>
    %swap3A_74 = arith.constant 0 : index
    %swap3A_75 = arith.constant 0 : index
    %swap3A_76 = vector.load %arg15[%swap3A_74, %swap3A_75] : memref<4096x128xf32, #tpu.memory_space<vmem>>, vector<64x128xf32>
    tpu.vector_store %arg15[%swap3A_74, %swap3A_75], %broadcast_in_dim3A_73 {strides = array<i32>} : memref<4096x128xf32, #tpu.memory_space<vmem>>, vector<64x128xf32>,
    %get3A_77 = arith.constant 0 : index
    %get3A_78 = arith.constant 1 : index
    %get3A_79 = vector.load %arg4[%get3A_77, %get3A_78] : memref<64x64xf32, #tpu.memory_space<vmem>>, vector<64x1xf32>
    %broadcast_in_dim3A_80 = vector.shape_cast %get3A_79 : vector<64x1xf32> to vector<64x1xf32>
    %broadcast_in_dim3A_81 = vector.broadcast %broadcast_in_dim3A_80 : vector<64x1xf32> to vector<64x128xf32>
    %swap3A_82 = arith.constant 64 : index
    %swap3A_83 = arith.constant 0 : index
    %swap3A_84 = vector.load %arg15[%swap3A_82, %swap3A_83] : memref<4096x128xf32, #tpu.memory_space<vmem>>, vector<64x128xf32>
    tpu.vector_store %arg15[%swap3A_82, %swap3A_83], %broadcast_in_dim3A_81 {strides = array<i32>} : memref<4096x128xf32, #tpu.memory_space<vmem>>, vector<64x128xf32>,
    %get3A_85 = arith.constant 0 : index
    %get3A_86 = arith.constant 2 : index
    %get3A_87 = vector.load %arg4[%get3A_85, %get3A_86] : memref<64x64xf32, #tpu.memory_space<vmem>>, vector<64x1xf32>
    %broadcast_in_dim3A_88 = vector.shape_cast %get3A_87 : vector<64x1xf32> to vector<64x1xf32>
    %broadcast_in_dim3A_89 = vector.broadcast %broadcast_in_dim3A_88 : vector<64x1xf32> to vector<64x128xf32>
    %swap3A_90 = arith.constant 128 : index
    %swap3A_91 = arith.constant 0 : index
    %swap3A_92 = vector.load %arg15[%swap3A_90, %swap3A_91] : memref<4096x128xf32, #tpu.memory_space<vmem>>, vector<64x128xf32>
    tpu.vector_store %arg15[%swap3A_90, %swap3A_91], %broadcast_in_dim3A_89 {strides = array<i32>} : memref<4096x128xf32, #tpu.memory_space<vmem>>, vector<64x128xf32>,
    %get3A_93 = arith.constant 0 : index
    %get3A_94 = arith.constant 3 : index
    %get3A_95 = vector.load %arg4[%get3A_93, %get3A_94] : memref<64x64xf32, #tpu.memory_space<vmem>>, vector<64x1xf32>
    %broadcast_in_dim3A_96 = vector.shape_cast %get3A_95 : vector<64x1xf32> to vector<64x1xf32>
    %broadcast_in_dim3A_97 = vector.broadcast %broadcast_in_dim3A_96 : vector<64x1xf32> to vector<64x128xf32>
    %swap3A_98 = arith.constant 192 : index
    %swap3A_99 = arith.constant 0 : index
    %swap3A_100 = vector.load %arg15[%swap3A_98, %swap3A_99] : memref<4096x128xf32, #tpu.memory_space<vmem>>, vector<64x128xf32>
    tpu.vector_store %arg15[%swap3A_98, %swap3A_99], %broadcast_in_dim3A_97 {strides = array<i32>} : memref<4096x128xf32, #tpu.memory_space<vmem>>, vector<64x128xf32>,
    %get3A_101 = arith.constant 0 : index
    %get3A_102 = arith.constant 4 : index
    %get3A_103 = vector.load %arg4[%get3A_101, %get3A_102] : memref<64x64xf32, #tpu.memory_space<vmem>>, vector<64x1xf32>
    %broadcast_in_dim3A_104 = vector.shape_cast %get3A_103 : vector<64x1xf32> to vector<64x1xf32>
    %broadcast_in_dim3A_105 = vector.broadcast %broadcast_in_dim3A_104 : vector<64x1xf32> to vector<64x128xf32>
    %swap3A_106 = arith.constant 256 : index
    %swap3A_107 = arith.constant 0 : index
    %swap3A_108 = vector.load %arg15[%swap3A_106, %swap3A_107] : memref<4096x128xf32, #tpu.memory_space<vmem>>, vector<64x128xf32>
    tpu.vector_store %arg15[%swap3A_106, %swap3A_107], %broadcast_in_dim3A_105 {strides = array<i32>} : memref<4096x128xf32, #tpu.memory_space<vmem>>, vector<64x128xf32>,
    %get3A_109 = arith.constant 0 : index
    %get3A_110 = arith.constant 5 : index
    %get3A_111 = vector.load %arg4[%get3A_109, %get3A_110] : memref<64x64xf32, #tpu.memory_space<vmem>>, vector<64x1xf32>
    %broadcast_in_dim3A_112 = vector.shape_cast %get3A_111 : vector<64x1xf32> to vector<64x1xf32>
    %broadcast_in_dim3A_113 = vector.broadcast %broadcast_in_dim3A_112 : vector<64x1xf32> to vector<64x128xf32>
    %swap3A_114 = arith.constant 320 : index
    %swap3A_115 = arith.constant 0 : index
    %swap3A_116 = vector.load %arg15[%swap3A_114, %swap3A_115] : memref<4096x128xf32, #tpu.memory_space<vmem>>, vector<64x128xf32>
    tpu.vector_store %arg15[%swap3A_114, %swap3A_115], %broadcast_in_dim3A_113 {strides = array<i32>} : memref<4096x128xf32, #tpu.memory_space<vmem>>, vector<64x128xf32>,
    %get3A_117 = arith.constant 0 : index
    %get3A_118 = arith.constant 6 : index
    %get3A_119 = vector.load %arg4[%get3A_117, %get3A_118] : memref<64x64xf32, #tpu.memory_space<vmem>>, vector<64x1xf32>
    %broadcast_in_dim3A_120 = vector.shape_cast %get3A_119 : vector<64x1xf32> to vector<64x1xf32>
    %broadcast_in_dim3A_121 = vector.broadcast %broadcast_in_dim3A_120 : vector<64x1xf32> to vector<64x128xf32>
    %swap3A_122 = arith.constant 384 : index
    %swap3A_123 = arith.constant 0 : index
    %swap3A_124 = vector.load %arg15[%swap3A_122, %swap3A_123] : memref<4096x128xf32, #tpu.memory_space<vmem>>, vector<64x128xf32>
    tpu.vector_store %arg15[%swap3A_122, %swap3A_123], %broadcast_in_dim3A_121 {strides = array<i32>} : memref<4096x128xf32, #tpu.memory_space<vmem>>, vector<64x128xf32>,
    %get3A_125 = arith.constant 0 : index
    %get3A_126 = arith.constant 7 : index
    %get3A_127 = vector.load %arg4[%get3A_125, %get3A_126] : memref<64x64xf32, #tpu.memory_space<vmem>>, vector<64x1xf32>
    %broadcast_in_dim3A_128 = vector.shape_cast %get3A_127 : vector<64x1xf32> to vector<64x1xf32>
    %broadcast_in_dim3A_129 = vector.broadcast %broadcast_in_dim3A_128 : vector<64x1xf32> to vector<64x128xf32>
    %swap3A_130 = arith.constant 448 : index
    %swap3A_131 = arith.constant 0 : index
    %swap3A_132 = vector.load %arg15[%swap3A_130, %swap3A_131] : memref<4096x128xf32, #tpu.memory_space<vmem>>, vector<64x128xf32>
    tpu.vector_store %arg15[%swap3A_130, %swap3A_131], %broadcast_in_dim3A_129 {strides = array<i32>} : memref<4096x128xf32, #tpu.memory_space<vmem>>, vector<64x128xf32>,
    %get3A_133 = arith.constant 0 : index
    %get3A_134 = arith.constant 8 : index
    %get3A_135 = vector.load %arg4[%get3A_133, %get3A_134] : memref<64x64xf32, #tpu.memory_space<vmem>>, vector<64x1xf32>
    %broadcast_in_dim3A_136 = vector.shape_cast %get3A_135 : vector<64x1xf32> to vector<64x1xf32>
    %broadcast_in_dim3A_137 = vector.broadcast %broadcast_in_dim3A_136 : vector<64x1xf32> to vector<64x128xf32>
    %swap3A_138 = arith.constant 512 : index
    %swap3A_139 = arith.constant 0 : index
    %swap3A_140 = vector.load %arg15[%swap3A_138, %swap3A_139] : memref<4096x128xf32, #tpu.memory_space<vmem>>, vector<64x128xf32>
    tpu.vector_store %arg15[%swap3A_138, %swap3A_139], %broadcast_in_dim3A_137 {strides = array<i32>} : memref<4096x128xf32, #tpu.memory_space<vmem>>, vector<64x128xf32>,
    %get3A_141 = arith.constant 0 : index
    %get3A_142 = arith.constant 9 : index
    %get3A_143 = vector.load %arg4[%get3A_141, %get3A_142] : memref<64x64xf32, #tpu.memory_space<vmem>>, vector<64x1xf32>
    %broadcast_in_dim3A_144 = vector.shape_cast %get3A_143 : vector<64x1xf32> to vector<64x1xf32>
    %broadcast_in_dim3A_145 = vector.broadcast %broadcast_in_dim3A_144 : vector<64x1xf32> to vector<64x128xf32>
    %swap3A_146 = arith.constant 576 : index
    %swap3A_147 = arith.constant 0 : index
    %swap3A_148 = vector.load %arg15[%swap3A_146, %swap3A_147] : memref<4096x128xf32, #tpu.memory_space<vmem>>, vector<64x128xf32>
    tpu.vector_store %arg15[%swap3A_146, %swap3A_147], %broadcast_in_dim3A_145 {strides = array<i32>} : memref<4096x128xf32, #tpu.memory_space<vmem>>, vector<64x128xf32>,
    %get3A_149 = arith.constant 0 : index
    %get3A_150 = arith.constant 10 : index
    %get3A_151 = vector.load %arg4[%get3A_149, %get3A_150] : memref<64x64xf32, #tpu.memory_space<vmem>>, vector<64x1xf32>
    %broadcast_in_dim3A_152 = vector.shape_cast %get3A_151 : vector<64x1xf32> to vector<64x1xf32>
    %broadcast_in_dim3A_153 = vector.broadcast %broadcast_in_dim3A_152 : vector<64x1xf32> to vector<64x128xf32>
    %swap3A_154 = arith.constant 640 : index
    %swap3A_155 = arith.constant 0 : index
    %swap3A_156 = vector.load %arg15[%swap3A_154, %swap3A_155] : memref<4096x128xf32, #tpu.memory_space<vmem>>, vector<64x128xf32>
    tpu.vector_store %arg15[%swap3A_154, %swap3A_155], %broadcast_in_dim3A_153 {strides = array<i32>} : memref<4096x128xf32, #tpu.memory_space<vmem>>, vector<64x128xf32>,
    %get3A_157 = arith.constant 0 : index
    %get3A_158 = arith.constant 11 : index
    %get3A_159 = vector.load %arg4[%get3A_157, %get3A_158] : memref<64x64xf32, #tpu.memory_space<vmem>>, vector<64x1xf32>
    %broadcast_in_dim3A_160 = vector.shape_cast %get3A_159 : vector<64x1xf32> to vector<64x1xf32>
    %broadcast_in_dim3A_161 = vector.broadcast %broadcast_in_dim3A_160 : vector<64x1xf32> to vector<64x128xf32>
    %swap3A_162 = arith.constant 704 : index
    %swap3A_163 = arith.constant 0 : index
    %swap3A_164 = vector.load %arg15[%swap3A_162, %swap3A_163] : memref<4096x128xf32, #tpu.memory_space<vmem>>, vector<64x128xf32>
    tpu.vector_store %arg15[%swap3A_162, %swap3A_163], %broadcast_in_dim3A_161 {strides = array<i32>} : memref<4096x128xf32, #tpu.memory_space<vmem>>, vector<64x128xf32>,
    %get3A_165 = arith.constant 0 : index
    %get3A_166 = arith.constant 12 : index
    %get3A_167 = vector.load %arg4[%get3A_165, %get3A_166] : memref<64x64xf32, #tpu.memory_space<vmem>>, vector<64x1xf32>
    %broadcast_in_dim3A_168 = vector.shape_cast %get3A_167 : vector<64x1xf32> to vector<64x1xf32>
    %broadcast_in_dim3A_169 = vector.broadcast %broadcast_in_dim3A_168 : vector<64x1xf32> to vector<64x128xf32>
    %swap3A_170 = arith.constant 768 : index
    %swap3A_171 = arith.constant 0 : index
    %swap3A_172 = vector.load %arg15[%swap3A_170, %swap3A_171] : memref<4096x128xf32, #tpu.memory_space<vmem>>, vector<64x128xf32>
    tpu.vector_store %arg15[%swap3A_170, %swap3A_171], %broadcast_in_dim3A_169 {strides = array<i32>} : memref<4096x128xf32, #tpu.memory_space<vmem>>, vector<64x128xf32>,
    %get3A_173 = arith.constant 0 : index
    %get3A_174 = arith.constant 13 : index
    %get3A_175 = vector.load %arg4[%get3A_173, %get3A_174] : memref<64x64xf32, #tpu.memory_space<vmem>>, vector<64x1xf32>
    %broadcast_in_dim3A_176 = vector.shape_cast %get3A_175 : vector<64x1xf32> to vector<64x1xf32>
    %broadcast_in_dim3A_177 = vector.broadcast %broadcast_in_dim3A_176 : vector<64x1xf32> to vector<64x128xf32>
    %swap3A_178 = arith.constant 832 : index
    %swap3A_179 = arith.constant 0 : index
    %swap3A_180 = vector.load %arg15[%swap3A_178, %swap3A_179] : memref<4096x128xf32, #tpu.memory_space<vmem>>, vector<64x128xf32>
    tpu.vector_store %arg15[%swap3A_178, %swap3A_179], %broadcast_in_dim3A_177 {strides = array<i32>} : memref<4096x128xf32, #tpu.memory_space<vmem>>, vector<64x128xf32>,
    %get3A_181 = arith.constant 0 : index
    %get3A_182 = arith.constant 14 : index
    %get3A_183 = vector.load %arg4[%get3A_181, %get3A_182] : memref<64x64xf32, #tpu.memory_space<vmem>>, vector<64x1xf32>
    %broadcast_in_dim3A_184 = vector.shape_cast %get3A_183 : vector<64x1xf32> to vector<64x1xf32>
    %broadcast_in_dim3A_185 = vector.broadcast %broadcast_in_dim3A_184 : vector<64x1xf32> to vector<64x128xf32>
    %swap3A_186 = arith.constant 896 : index
    %swap3A_187 = arith.constant 0 : index
    %swap3A_188 = vector.load %arg15[%swap3A_186, %swap3A_187] : memref<4096x128xf32, #tpu.memory_space<vmem>>, vector<64x128xf32>
    tpu.vector_store %arg15[%swap3A_186, %swap3A_187], %broadcast_in_dim3A_185 {strides = array<i32>} : memref<4096x128xf32, #tpu.memory_space<vmem>>, vector<64x128xf32>,
    %get3A_189 = arith.constant 0 : index
    %get3A_190 = arith.constant 15 : index
    %get3A_191 = vector.load %arg4[%get3A_189, %get3A_190] : memref<64x64xf32, #tpu.memory_space<vmem>>, vector<64x1xf32>
    %broadcast_in_dim3A_192 = vector.shape_cast %get3A_191 : vector<64x1xf32> to vector<64x1xf32>
    %broadcast_in_dim3A_193 = vector.broadcast %broadcast_in_dim3A_192 : vector<64x1xf32> to vector<64x128xf32>
    %swap3A_194 = arith.constant 960 : index
    %swap3A_195 = arith.constant 0 : index
    %swap3A_196 = vector.load %arg15[%swap3A_194, %swap3A_195] : memref<4096x128xf32, #tpu.memory_space<vmem>>, vector<64x128xf32>
    tpu.vector_store %arg15[%swap3A_194, %swap3A_195], %broadcast_in_dim3A_193 {strides = array<i32>} : memref<4096x128xf32, #tpu.memory_space<vmem>>, vector<64x128xf32>,
    %get3A_197 = arith.constant 0 : index
    %get3A_198 = arith.constant 16 : index
    %get3A_199 = vector.load %arg4[%get3A_197, %get3A_198] : memref<64x64xf32, #tpu.memory_space<vmem>>, vector<64x1xf32>
    %broadcast_in_dim3A_200 = vector.shape_cast %get3A_199 : vector<64x1xf32> to vector<64x1xf32>
    %broadcast_in_dim3A_201 = vector.broadcast %broadcast_in_dim3A_200 : vector<64x1xf32> to vector<64x128xf32>
    %swap3A_202 = arith.constant 1024 : index
    %swap3A_203 = arith.constant 0 : index
    %swap3A_204 = vector.load %arg15[%swap3A_202, %swap3A_203] : memref<4096x128xf32, #tpu.memory_space<vmem>>, vector<64x128xf32>
    tpu.vector_store %arg15[%swap3A_202, %swap3A_203], %broadcast_in_dim3A_201 {strides = array<i32>} : memref<4096x128xf32, #tpu.memory_space<vmem>>, vector<64x128xf32>,
    %get3A_205 = arith.constant 0 : index
    %get3A_206 = arith.constant 17 : index
    %get3A_207 = vector.load %arg4[%get3A_205, %get3A_206] : memref<64x64xf32, #tpu.memory_space<vmem>>, vector<64x1xf32>
    %broadcast_in_dim3A_208 = vector.shape_cast %get3A_207 : vector<64x1xf32> to vector<64x1xf32>
    %broadcast_in_dim3A_209 = vector.broadcast %broadcast_in_dim3A_208 : vector<64x1xf32> to vector<64x128xf32>
    %swap3A_210 = arith.constant 1088 : index
    %swap3A_211 = arith.constant 0 : index
    %swap3A_212 = vector.load %arg15[%swap3A_210, %swap3A_211] : memref<4096x128xf32, #tpu.memory_space<vmem>>, vector<64x128xf32>
    tpu.vector_store %arg15[%swap3A_210, %swap3A_211], %broadcast_in_dim3A_209 {strides = array<i32>} : memref<4096x128xf32, #tpu.memory_space<vmem>>, vector<64x128xf32>,
    %get3A_213 = arith.constant 0 : index
    %get3A_214 = arith.constant 18 : index
    %get3A_215 = vector.load %arg4[%get3A_213, %get3A_214] : memref<64x64xf32, #tpu.memory_space<vmem>>, vector<64x1xf32>
    %broadcast_in_dim3A_216 = vector.shape_cast %get3A_215 : vector<64x1xf32> to vector<64x1xf32>
    %broadcast_in_dim3A_217 = vector.broadcast %broadcast_in_dim3A_216 : vector<64x1xf32> to vector<64x128xf32>
    %swap3A_218 = arith.constant 1152 : index
    %swap3A_219 = arith.constant 0 : index
    %swap3A_220 = vector.load %arg15[%swap3A_218, %swap3A_219] : memref<4096x128xf32, #tpu.memory_space<vmem>>, vector<64x128xf32>
    tpu.vector_store %arg15[%swap3A_218, %swap3A_219], %broadcast_in_dim3A_217 {strides = array<i32>} : memref<4096x128xf32, #tpu.memory_space<vmem>>, vector<64x128xf32>,
    %get3A_221 = arith.constant 0 : index
    %get3A_222 = arith.constant 19 : index
    %get3A_223 = vector.load %arg4[%get3A_221, %get3A_222] : memref<64x64xf32, #tpu.memory_space<vmem>>, vector<64x1xf32>
    %broadcast_in_dim3A_224 = vector.shape_cast %get3A_223 : vector<64x1xf32> to vector<64x1xf32>
    %broadcast_in_dim3A_225 = vector.broadcast %broadcast_in_dim3A_224 : vector<64x1xf32> to vector<64x128xf32>
    %swap3A_226 = arith.constant 1216 : index
    %swap3A_227 = arith.constant 0 : index
    %swap3A_228 = vector.load %arg15[%swap3A_226, %swap3A_227] : memref<4096x128xf32, #tpu.memory_space<vmem>>, vector<64x128xf32>
    tpu.vector_store %arg15[%swap3A_226, %swap3A_227], %broadcast_in_dim3A_225 {strides = array<i32>} : memref<4096x128xf32, #tpu.memory_space<vmem>>, vector<64x128xf32>,
    %get3A_229 = arith.constant 0 : index
    %get3A_230 = arith.constant 20 : index
    %get3A_231 = vector.load %arg4[%get3A_229, %get3A_230] : memref<64x64xf32, #tpu.memory_space<vmem>>, vector<64x1xf32>
    %broadcast_in_dim3A_232 = vector.shape_cast %get3A_231 : vector<64x1xf32> to vector<64x1xf32>
    %broadcast_in_dim3A_233 = vector.broadcast %broadcast_in_dim3A_232 : vector<64x1xf32> to vector<64x128xf32>
    %swap3A_234 = arith.constant 1280 : index
    %swap3A_235 = arith.constant 0 : index
    %swap3A_236 = vector.load %arg15[%swap3A_234, %swap3A_235] : memref<4096x128xf32, #tpu.memory_space<vmem>>, vector<64x128xf32>
    tpu.vector_store %arg15[%swap3A_234, %swap3A_235], %broadcast_in_dim3A_233 {strides = array<i32>} : memref<4096x128xf32, #tpu.memory_space<vmem>>, vector<64x128xf32>,
    %get3A_237 = arith.constant 0 : index
    %get3A_238 = arith.constant 21 : index
    %get3A_239 = vector.load %arg4[%get3A_237, %get3A_238] : memref<64x64xf32, #tpu.memory_space<vmem>>, vector<64x1xf32>
    %broadcast_in_dim3A_240 = vector.shape_cast %get3A_239 : vector<64x1xf32> to vector<64x1xf32>
    %broadcast_in_dim3A_241 = vector.broadcast %broadcast_in_dim3A_240 : vector<64x1xf32> to vector<64x128xf32>
    %swap3A_242 = arith.constant 1344 : index
    %swap3A_243 = arith.constant 0 : index
    %swap3A_244 = vector.load %arg15[%swap3A_242, %swap3A_243] : memref<4096x128xf32, #tpu.memory_space<vmem>>, vector<64x128xf32>
    tpu.vector_store %arg15[%swap3A_242, %swap3A_243], %broadcast_in_dim3A_241 {strides = array<i32>} : memref<4096x128xf32, #tpu.memory_space<vmem>>, vector<64x128xf32>,
    %get3A_245 = arith.constant 0 : index
    %get3A_246 = arith.constant 22 : index
    %get3A_247 = vector.load %arg4[%get3A_245, %get3A_246] : memref<64x64xf32, #tpu.memory_space<vmem>>, vector<64x1xf32>
    %broadcast_in_dim3A_248 = vector.shape_cast %get3A_247 : vector<64x1xf32> to vector<64x1xf32>
    %broadcast_in_dim3A_249 = vector.broadcast %broadcast_in_dim3A_248 : vector<64x1xf32> to vector<64x128xf32>
    %swap3A_250 = arith.constant 1408 : index
    %swap3A_251 = arith.constant 0 : index
    %swap3A_252 = vector.load %arg15[%swap3A_250, %swap3A_251] : memref<4096x128xf32, #tpu.memory_space<vmem>>, vector<64x128xf32>
    tpu.vector_store %arg15[%swap3A_250, %swap3A_251], %broadcast_in_dim3A_249 {strides = array<i32>} : memref<4096x128xf32, #tpu.memory_space<vmem>>, vector<64x128xf32>,
    %get3A_253 = arith.constant 0 : index
    %get3A_254 = arith.constant 23 : index
    %get3A_255 = vector.load %arg4[%get3A_253, %get3A_254] : memref<64x64xf32, #tpu.memory_space<vmem>>, vector<64x1xf32>
    %broadcast_in_dim3A_256 = vector.shape_cast %get3A_255 : vector<64x1xf32> to vector<64x1xf32>
    %broadcast_in_dim3A_257 = vector.broadcast %broadcast_in_dim3A_256 : vector<64x1xf32> to vector<64x128xf32>
    %swap3A_258 = arith.constant 1472 : index
    %swap3A_259 = arith.constant 0 : index
    %swap3A_260 = vector.load %arg15[%swap3A_258, %swap3A_259] : memref<4096x128xf32, #tpu.memory_space<vmem>>, vector<64x128xf32>
    tpu.vector_store %arg15[%swap3A_258, %swap3A_259], %broadcast_in_dim3A_257 {strides = array<i32>} : memref<4096x128xf32, #tpu.memory_space<vmem>>, vector<64x128xf32>,
    %get3A_261 = arith.constant 0 : index
    %get3A_262 = arith.constant 24 : index
    %get3A_263 = vector.load %arg4[%get3A_261, %get3A_262] : memref<64x64xf32, #tpu.memory_space<vmem>>, vector<64x1xf32>
    %broadcast_in_dim3A_264 = vector.shape_cast %get3A_263 : vector<64x1xf32> to vector<64x1xf32>
    %broadcast_in_dim3A_265 = vector.broadcast %broadcast_in_dim3A_264 : vector<64x1xf32> to vector<64x128xf32>
    %swap3A_266 = arith.constant 1536 : index
    %swap3A_267 = arith.constant 0 : index
    %swap3A_268 = vector.load %arg15[%swap3A_266, %swap3A_267] : memref<4096x128xf32, #tpu.memory_space<vmem>>, vector<64x128xf32>
    tpu.vector_store %arg15[%swap3A_266, %swap3A_267], %broadcast_in_dim3A_265 {strides = array<i32>} : memref<4096x128xf32, #tpu.memory_space<vmem>>, vector<64x128xf32>,
    %get3A_269 = arith.constant 0 : index
    %get3A_270 = arith.constant 25 : index
    %get3A_271 = vector.load %arg4[%get3A_269, %get3A_270] : memref<64x64xf32, #tpu.memory_space<vmem>>, vector<64x1xf32>
    %broadcast_in_dim3A_272 = vector.shape_cast %get3A_271 : vector<64x1xf32> to vector<64x1xf32>
    %broadcast_in_dim3A_273 = vector.broadcast %broadcast_in_dim3A_272 : vector<64x1xf32> to vector<64x128xf32>
    %swap3A_274 = arith.constant 1600 : index
    %swap3A_275 = arith.constant 0 : index
    %swap3A_276 = vector.load %arg15[%swap3A_274, %swap3A_275] : memref<4096x128xf32, #tpu.memory_space<vmem>>, vector<64x128xf32>
    tpu.vector_store %arg15[%swap3A_274, %swap3A_275], %broadcast_in_dim3A_273 {strides = array<i32>} : memref<4096x128xf32, #tpu.memory_space<vmem>>, vector<64x128xf32>,
    %get3A_277 = arith.constant 0 : index
    %get3A_278 = arith.constant 26 : index
    %get3A_279 = vector.load %arg4[%get3A_277, %get3A_278] : memref<64x64xf32, #tpu.memory_space<vmem>>, vector<64x1xf32>
    %broadcast_in_dim3A_280 = vector.shape_cast %get3A_279 : vector<64x1xf32> to vector<64x1xf32>
    %broadcast_in_dim3A_281 = vector.broadcast %broadcast_in_dim3A_280 : vector<64x1xf32> to vector<64x128xf32>
    %swap3A_282 = arith.constant 1664 : index
    %swap3A_283 = arith.constant 0 : index
    %swap3A_284 = vector.load %arg15[%swap3A_282, %swap3A_283] : memref<4096x128xf32, #tpu.memory_space<vmem>>, vector<64x128xf32>
    tpu.vector_store %arg15[%swap3A_282, %swap3A_283], %broadcast_in_dim3A_281 {strides = array<i32>} : memref<4096x128xf32, #tpu.memory_space<vmem>>, vector<64x128xf32>,
    %get3A_285 = arith.constant 0 : index
    %get3A_286 = arith.constant 27 : index
    %get3A_287 = vector.load %arg4[%get3A_285, %get3A_286] : memref<64x64xf32, #tpu.memory_space<vmem>>, vector<64x1xf32>
    %broadcast_in_dim3A_288 = vector.shape_cast %get3A_287 : vector<64x1xf32> to vector<64x1xf32>
    %broadcast_in_dim3A_289 = vector.broadcast %broadcast_in_dim3A_288 : vector<64x1xf32> to vector<64x128xf32>
    %swap3A_290 = arith.constant 1728 : index
    %swap3A_291 = arith.constant 0 : index
    %swap3A_292 = vector.load %arg15[%swap3A_290, %swap3A_291] : memref<4096x128xf32, #tpu.memory_space<vmem>>, vector<64x128xf32>
    tpu.vector_store %arg15[%swap3A_290, %swap3A_291], %broadcast_in_dim3A_289 {strides = array<i32>} : memref<4096x128xf32, #tpu.memory_space<vmem>>, vector<64x128xf32>,
    %get3A_293 = arith.constant 0 : index
    %get3A_294 = arith.constant 28 : index
    %get3A_295 = vector.load %arg4[%get3A_293, %get3A_294] : memref<64x64xf32, #tpu.memory_space<vmem>>, vector<64x1xf32>
    %broadcast_in_dim3A_296 = vector.shape_cast %get3A_295 : vector<64x1xf32> to vector<64x1xf32>
    %broadcast_in_dim3A_297 = vector.broadcast %broadcast_in_dim3A_296 : vector<64x1xf32> to vector<64x128xf32>
    %swap3A_298 = arith.constant 1792 : index
    %swap3A_299 = arith.constant 0 : index
    %swap3A_300 = vector.load %arg15[%swap3A_298, %swap3A_299] : memref<4096x128xf32, #tpu.memory_space<vmem>>, vector<64x128xf32>
    tpu.vector_store %arg15[%swap3A_298, %swap3A_299], %broadcast_in_dim3A_297 {strides = array<i32>} : memref<4096x128xf32, #tpu.memory_space<vmem>>, vector<64x128xf32>,
    %get3A_301 = arith.constant 0 : index
    %get3A_302 = arith.constant 29 : index
    %get3A_303 = vector.load %arg4[%get3A_301, %get3A_302] : memref<64x64xf32, #tpu.memory_space<vmem>>, vector<64x1xf32>
    %broadcast_in_dim3A_304 = vector.shape_cast %get3A_303 : vector<64x1xf32> to vector<64x1xf32>
    %broadcast_in_dim3A_305 = vector.broadcast %broadcast_in_dim3A_304 : vector<64x1xf32> to vector<64x128xf32>
    %swap3A_306 = arith.constant 1856 : index
    %swap3A_307 = arith.constant 0 : index
    %swap3A_308 = vector.load %arg15[%swap3A_306, %swap3A_307] : memref<4096x128xf32, #tpu.memory_space<vmem>>, vector<64x128xf32>
    tpu.vector_store %arg15[%swap3A_306, %swap3A_307], %broadcast_in_dim3A_305 {strides = array<i32>} : memref<4096x128xf32, #tpu.memory_space<vmem>>, vector<64x128xf32>,
    %get3A_309 = arith.constant 0 : index
    %get3A_310 = arith.constant 30 : index
    %get3A_311 = vector.load %arg4[%get3A_309, %get3A_310] : memref<64x64xf32, #tpu.memory_space<vmem>>, vector<64x1xf32>
    %broadcast_in_dim3A_312 = vector.shape_cast %get3A_311 : vector<64x1xf32> to vector<64x1xf32>
    %broadcast_in_dim3A_313 = vector.broadcast %broadcast_in_dim3A_312 : vector<64x1xf32> to vector<64x128xf32>
    %swap3A_314 = arith.constant 1920 : index
    %swap3A_315 = arith.constant 0 : index
    %swap3A_316 = vector.load %arg15[%swap3A_314, %swap3A_315] : memref<4096x128xf32, #tpu.memory_space<vmem>>, vector<64x128xf32>
    tpu.vector_store %arg15[%swap3A_314, %swap3A_315], %broadcast_in_dim3A_313 {strides = array<i32>} : memref<4096x128xf32, #tpu.memory_space<vmem>>, vector<64x128xf32>,
    %get3A_317 = arith.constant 0 : index
    %get3A_318 = arith.constant 31 : index
    %get3A_319 = vector.load %arg4[%get3A_317, %get3A_318] : memref<64x64xf32, #tpu.memory_space<vmem>>, vector<64x1xf32>
    %broadcast_in_dim3A_320 = vector.shape_cast %get3A_319 : vector<64x1xf32> to vector<64x1xf32>
    %broadcast_in_dim3A_321 = vector.broadcast %broadcast_in_dim3A_320 : vector<64x1xf32> to vector<64x128xf32>
    %swap3A_322 = arith.constant 1984 : index
    %swap3A_323 = arith.constant 0 : index
    %swap3A_324 = vector.load %arg15[%swap3A_322, %swap3A_323] : memref<4096x128xf32, #tpu.memory_space<vmem>>, vector<64x128xf32>
    tpu.vector_store %arg15[%swap3A_322, %swap3A_323], %broadcast_in_dim3A_321 {strides = array<i32>} : memref<4096x128xf32, #tpu.memory_space<vmem>>, vector<64x128xf32>,
    %get3A_325 = arith.constant 0 : index
    %get3A_326 = arith.constant 32 : index
    %get3A_327 = vector.load %arg4[%get3A_325, %get3A_326] : memref<64x64xf32, #tpu.memory_space<vmem>>, vector<64x1xf32>
    %broadcast_in_dim3A_328 = vector.shape_cast %get3A_327 : vector<64x1xf32> to vector<64x1xf32>
    %broadcast_in_dim3A_329 = vector.broadcast %broadcast_in_dim3A_328 : vector<64x1xf32> to vector<64x128xf32>
    %swap3A_330 = arith.constant 2048 : index
    %swap3A_331 = arith.constant 0 : index
    %swap3A_332 = vector.load %arg15[%swap3A_330, %swap3A_331] : memref<4096x128xf32, #tpu.memory_space<vmem>>, vector<64x128xf32>
    tpu.vector_store %arg15[%swap3A_330, %swap3A_331], %broadcast_in_dim3A_329 {strides = array<i32>} : memref<4096x128xf32, #tpu.memory_space<vmem>>, vector<64x128xf32>,
    %get3A_333 = arith.constant 0 : index
    %get3A_334 = arith.constant 33 : index
    %get3A_335 = vector.load %arg4[%get3A_333, %get3A_334] : memref<64x64xf32, #tpu.memory_space<vmem>>, vector<64x1xf32>
    %broadcast_in_dim3A_336 = vector.shape_cast %get3A_335 : vector<64x1xf32> to vector<64x1xf32>
    %broadcast_in_dim3A_337 = vector.broadcast %broadcast_in_dim3A_336 : vector<64x1xf32> to vector<64x128xf32>
    %swap3A_338 = arith.constant 2112 : index
    %swap3A_339 = arith.constant 0 : index
    %swap3A_340 = vector.load %arg15[%swap3A_338, %swap3A_339] : memref<4096x128xf32, #tpu.memory_space<vmem>>, vector<64x128xf32>
    tpu.vector_store %arg15[%swap3A_338, %swap3A_339], %broadcast_in_dim3A_337 {strides = array<i32>} : memref<4096x128xf32, #tpu.memory_space<vmem>>, vector<64x128xf32>,
    %get3A_341 = arith.constant 0 : index
    %get3A_342 = arith.constant 34 : index
    %get3A_343 = vector.load %arg4[%get3A_341, %get3A_342] : memref<64x64xf32, #tpu.memory_space<vmem>>, vector<64x1xf32>
    %broadcast_in_dim3A_344 = vector.shape_cast %get3A_343 : vector<64x1xf32> to vector<64x1xf32>
    %broadcast_in_dim3A_345 = vector.broadcast %broadcast_in_dim3A_344 : vector<64x1xf32> to vector<64x128xf32>
    %swap3A_346 = arith.constant 2176 : index
    %swap3A_347 = arith.constant 0 : index
    %swap3A_348 = vector.load %arg15[%swap3A_346, %swap3A_347] : memref<4096x128xf32, #tpu.memory_space<vmem>>, vector<64x128xf32>
    tpu.vector_store %arg15[%swap3A_346, %swap3A_347], %broadcast_in_dim3A_345 {strides = array<i32>} : memref<4096x128xf32, #tpu.memory_space<vmem>>, vector<64x128xf32>,
    %get3A_349 = arith.constant 0 : index
    %get3A_350 = arith.constant 35 : index
    %get3A_351 = vector.load %arg4[%get3A_349, %get3A_350] : memref<64x64xf32, #tpu.memory_space<vmem>>, vector<64x1xf32>
    %broadcast_in_dim3A_352 = vector.shape_cast %get3A_351 : vector<64x1xf32> to vector<64x1xf32>
    %broadcast_in_dim3A_353 = vector.broadcast %broadcast_in_dim3A_352 : vector<64x1xf32> to vector<64x128xf32>
    %swap3A_354 = arith.constant 2240 : index
    %swap3A_355 = arith.constant 0 : index
    %swap3A_356 = vector.load %arg15[%swap3A_354, %swap3A_355] : memref<4096x128xf32, #tpu.memory_space<vmem>>, vector<64x128xf32>
    tpu.vector_store %arg15[%swap3A_354, %swap3A_355], %broadcast_in_dim3A_353 {strides = array<i32>} : memref<4096x128xf32, #tpu.memory_space<vmem>>, vector<64x128xf32>,
    %get3A_357 = arith.constant 0 : index
    %get3A_358 = arith.constant 36 : index
    %get3A_359 = vector.load %arg4[%get3A_357, %get3A_358] : memref<64x64xf32, #tpu.memory_space<vmem>>, vector<64x1xf32>
    %broadcast_in_dim3A_360 = vector.shape_cast %get3A_359 : vector<64x1xf32> to vector<64x1xf32>
    %broadcast_in_dim3A_361 = vector.broadcast %broadcast_in_dim3A_360 : vector<64x1xf32> to vector<64x128xf32>
    %swap3A_362 = arith.constant 2304 : index
    %swap3A_363 = arith.constant 0 : index
    %swap3A_364 = vector.load %arg15[%swap3A_362, %swap3A_363] : memref<4096x128xf32, #tpu.memory_space<vmem>>, vector<64x128xf32>
    tpu.vector_store %arg15[%swap3A_362, %swap3A_363], %broadcast_in_dim3A_361 {strides = array<i32>} : memref<4096x128xf32, #tpu.memory_space<vmem>>, vector<64x128xf32>,
    %get3A_365 = arith.constant 0 : index
    %get3A_366 = arith.constant 37 : index
    %get3A_367 = vector.load %arg4[%get3A_365, %get3A_366] : memref<64x64xf32, #tpu.memory_space<vmem>>, vector<64x1xf32>
    %broadcast_in_dim3A_368 = vector.shape_cast %get3A_367 : vector<64x1xf32> to vector<64x1xf32>
    %broadcast_in_dim3A_369 = vector.broadcast %broadcast_in_dim3A_368 : vector<64x1xf32> to vector<64x128xf32>
    %swap3A_370 = arith.constant 2368 : index
    %swap3A_371 = arith.constant 0 : index
    %swap3A_372 = vector.load %arg15[%swap3A_370, %swap3A_371] : memref<4096x128xf32, #tpu.memory_space<vmem>>, vector<64x128xf32>
    tpu.vector_store %arg15[%swap3A_370, %swap3A_371], %broadcast_in_dim3A_369 {strides = array<i32>} : memref<4096x128xf32, #tpu.memory_space<vmem>>, vector<64x128xf32>,
    %get3A_373 = arith.constant 0 : index
    %get3A_374 = arith.constant 38 : index
    %get3A_375 = vector.load %arg4[%get3A_373, %get3A_374] : memref<64x64xf32, #tpu.memory_space<vmem>>, vector<64x1xf32>
    %broadcast_in_dim3A_376 = vector.shape_cast %get3A_375 : vector<64x1xf32> to vector<64x1xf32>
    %broadcast_in_dim3A_377 = vector.broadcast %broadcast_in_dim3A_376 : vector<64x1xf32> to vector<64x128xf32>
    %swap3A_378 = arith.constant 2432 : index
    %swap3A_379 = arith.constant 0 : index
    %swap3A_380 = vector.load %arg15[%swap3A_378, %swap3A_379] : memref<4096x128xf32, #tpu.memory_space<vmem>>, vector<64x128xf32>
    tpu.vector_store %arg15[%swap3A_378, %swap3A_379], %broadcast_in_dim3A_377 {strides = array<i32>} : memref<4096x128xf32, #tpu.memory_space<vmem>>, vector<64x128xf32>,
    %get3A_381 = arith.constant 0 : index
    %get3A_382 = arith.constant 39 : index
    %get3A_383 = vector.load %arg4[%get3A_381, %get3A_382] : memref<64x64xf32, #tpu.memory_space<vmem>>, vector<64x1xf32>
    %broadcast_in_dim3A_384 = vector.shape_cast %get3A_383 : vector<64x1xf32> to vector<64x1xf32>
    %broadcast_in_dim3A_385 = vector.broadcast %broadcast_in_dim3A_384 : vector<64x1xf32> to vector<64x128xf32>
    %swap3A_386 = arith.constant 2496 : index
    %swap3A_387 = arith.constant 0 : index
    %swap3A_388 = vector.load %arg15[%swap3A_386, %swap3A_387] : memref<4096x128xf32, #tpu.memory_space<vmem>>, vector<64x128xf32>
    tpu.vector_store %arg15[%swap3A_386, %swap3A_387], %broadcast_in_dim3A_385 {strides = array<i32>} : memref<4096x128xf32, #tpu.memory_space<vmem>>, vector<64x128xf32>,
    %get3A_389 = arith.constant 0 : index
    %get3A_390 = arith.constant 40 : index
    %get3A_391 = vector.load %arg4[%get3A_389, %get3A_390] : memref<64x64xf32, #tpu.memory_space<vmem>>, vector<64x1xf32>
    %broadcast_in_dim3A_392 = vector.shape_cast %get3A_391 : vector<64x1xf32> to vector<64x1xf32>
    %broadcast_in_dim3A_393 = vector.broadcast %broadcast_in_dim3A_392 : vector<64x1xf32> to vector<64x128xf32>
    %swap3A_394 = arith.constant 2560 : index
    %swap3A_395 = arith.constant 0 : index
    %swap3A_396 = vector.load %arg15[%swap3A_394, %swap3A_395] : memref<4096x128xf32, #tpu.memory_space<vmem>>, vector<64x128xf32>
    tpu.vector_store %arg15[%swap3A_394, %swap3A_395], %broadcast_in_dim3A_393 {strides = array<i32>} : memref<4096x128xf32, #tpu.memory_space<vmem>>, vector<64x128xf32>,
    %get3A_397 = arith.constant 0 : index
    %get3A_398 = arith.constant 41 : index
    %get3A_399 = vector.load %arg4[%get3A_397, %get3A_398] : memref<64x64xf32, #tpu.memory_space<vmem>>, vector<64x1xf32>
    %broadcast_in_dim3A_400 = vector.shape_cast %get3A_399 : vector<64x1xf32> to vector<64x1xf32>
    %broadcast_in_dim3A_401 = vector.broadcast %broadcast_in_dim3A_400 : vector<64x1xf32> to vector<64x128xf32>
    %swap3A_402 = arith.constant 2624 : index
    %swap3A_403 = arith.constant 0 : index
    %swap3A_404 = vector.load %arg15[%swap3A_402, %swap3A_403] : memref<4096x128xf32, #tpu.memory_space<vmem>>, vector<64x128xf32>
    tpu.vector_store %arg15[%swap3A_402, %swap3A_403], %broadcast_in_dim3A_401 {strides = array<i32>} : memref<4096x128xf32, #tpu.memory_space<vmem>>, vector<64x128xf32>,
    %get3A_405 = arith.constant 0 : index
    %get3A_406 = arith.constant 42 : index
    %get3A_407 = vector.load %arg4[%get3A_405, %get3A_406] : memref<64x64xf32, #tpu.memory_space<vmem>>, vector<64x1xf32>
    %broadcast_in_dim3A_408 = vector.shape_cast %get3A_407 : vector<64x1xf32> to vector<64x1xf32>
    %broadcast_in_dim3A_409 = vector.broadcast %broadcast_in_dim3A_408 : vector<64x1xf32> to vector<64x128xf32>
    %swap3A_410 = arith.constant 2688 : index
    %swap3A_411 = arith.constant 0 : index
    %swap3A_412 = vector.load %arg15[%swap3A_410, %swap3A_411] : memref<4096x128xf32, #tpu.memory_space<vmem>>, vector<64x128xf32>
    tpu.vector_store %arg15[%swap3A_410, %swap3A_411], %broadcast_in_dim3A_409 {strides = array<i32>} : memref<4096x128xf32, #tpu.memory_space<vmem>>, vector<64x128xf32>,
    %get3A_413 = arith.constant 0 : index
    %get3A_414 = arith.constant 43 : index
    %get3A_415 = vector.load %arg4[%get3A_413, %get3A_414] : memref<64x64xf32, #tpu.memory_space<vmem>>, vector<64x1xf32>
    %broadcast_in_dim3A_416 = vector.shape_cast %get3A_415 : vector<64x1xf32> to vector<64x1xf32>
    %broadcast_in_dim3A_417 = vector.broadcast %broadcast_in_dim3A_416 : vector<64x1xf32> to vector<64x128xf32>
    %swap3A_418 = arith.constant 2752 : index
    %swap3A_419 = arith.constant 0 : index
    %swap3A_420 = vector.load %arg15[%swap3A_418, %swap3A_419] : memref<4096x128xf32, #tpu.memory_space<vmem>>, vector<64x128xf32>
    tpu.vector_store %arg15[%swap3A_418, %swap3A_419], %broadcast_in_dim3A_417 {strides = array<i32>} : memref<4096x128xf32, #tpu.memory_space<vmem>>, vector<64x128xf32>,
    %get3A_421 = arith.constant 0 : index
    %get3A_422 = arith.constant 44 : index
    %get3A_423 = vector.load %arg4[%get3A_421, %get3A_422] : memref<64x64xf32, #tpu.memory_space<vmem>>, vector<64x1xf32>
    %broadcast_in_dim3A_424 = vector.shape_cast %get3A_423 : vector<64x1xf32> to vector<64x1xf32>
    %broadcast_in_dim3A_425 = vector.broadcast %broadcast_in_dim3A_424 : vector<64x1xf32> to vector<64x128xf32>
    %swap3A_426 = arith.constant 2816 : index
    %swap3A_427 = arith.constant 0 : index
    %swap3A_428 = vector.load %arg15[%swap3A_426, %swap3A_427] : memref<4096x128xf32, #tpu.memory_space<vmem>>, vector<64x128xf32>
    tpu.vector_store %arg15[%swap3A_426, %swap3A_427], %broadcast_in_dim3A_425 {strides = array<i32>} : memref<4096x128xf32, #tpu.memory_space<vmem>>, vector<64x128xf32>,
    %get3A_429 = arith.constant 0 : index
    %get3A_430 = arith.constant 45 : index
    %get3A_431 = vector.load %arg4[%get3A_429, %get3A_430] : memref<64x64xf32, #tpu.memory_space<vmem>>, vector<64x1xf32>
    %broadcast_in_dim3A_432 = vector.shape_cast %get3A_431 : vector<64x1xf32> to vector<64x1xf32>
    %broadcast_in_dim3A_433 = vector.broadcast %broadcast_in_dim3A_432 : vector<64x1xf32> to vector<64x128xf32>
    %swap3A_434 = arith.constant 2880 : index
    %swap3A_435 = arith.constant 0 : index
    %swap3A_436 = vector.load %arg15[%swap3A_434, %swap3A_435] : memref<4096x128xf32, #tpu.memory_space<vmem>>, vector<64x128xf32>
    tpu.vector_store %arg15[%swap3A_434, %swap3A_435], %broadcast_in_dim3A_433 {strides = array<i32>} : memref<4096x128xf32, #tpu.memory_space<vmem>>, vector<64x128xf32>,
    %get3A_437 = arith.constant 0 : index
    %get3A_438 = arith.constant 46 : index
    %get3A_439 = vector.load %arg4[%get3A_437, %get3A_438] : memref<64x64xf32, #tpu.memory_space<vmem>>, vector<64x1xf32>
    %broadcast_in_dim3A_440 = vector.shape_cast %get3A_439 : vector<64x1xf32> to vector<64x1xf32>
    %broadcast_in_dim3A_441 = vector.broadcast %broadcast_in_dim3A_440 : vector<64x1xf32> to vector<64x128xf32>
    %swap3A_442 = arith.constant 2944 : index
    %swap3A_443 = arith.constant 0 : index
    %swap3A_444 = vector.load %arg15[%swap3A_442, %swap3A_443] : memref<4096x128xf32, #tpu.memory_space<vmem>>, vector<64x128xf32>
    tpu.vector_store %arg15[%swap3A_442, %swap3A_443], %broadcast_in_dim3A_441 {strides = array<i32>} : memref<4096x128xf32, #tpu.memory_space<vmem>>, vector<64x128xf32>,
    %get3A_445 = arith.constant 0 : index
    %get3A_446 = arith.constant 47 : index
    %get3A_447 = vector.load %arg4[%get3A_445, %get3A_446] : memref<64x64xf32, #tpu.memory_space<vmem>>, vector<64x1xf32>
    %broadcast_in_dim3A_448 = vector.shape_cast %get3A_447 : vector<64x1xf32> to vector<64x1xf32>
    %broadcast_in_dim3A_449 = vector.broadcast %broadcast_in_dim3A_448 : vector<64x1xf32> to vector<64x128xf32>
    %swap3A_450 = arith.constant 3008 : index
    %swap3A_451 = arith.constant 0 : index
    %swap3A_452 = vector.load %arg15[%swap3A_450, %swap3A_451] : memref<4096x128xf32, #tpu.memory_space<vmem>>, vector<64x128xf32>
    tpu.vector_store %arg15[%swap3A_450, %swap3A_451], %broadcast_in_dim3A_449 {strides = array<i32>} : memref<4096x128xf32, #tpu.memory_space<vmem>>, vector<64x128xf32>,
    %get3A_453 = arith.constant 0 : index
    %get3A_454 = arith.constant 48 : index
    %get3A_455 = vector.load %arg4[%get3A_453, %get3A_454] : memref<64x64xf32, #tpu.memory_space<vmem>>, vector<64x1xf32>
    %broadcast_in_dim3A_456 = vector.shape_cast %get3A_455 : vector<64x1xf32> to vector<64x1xf32>
    %broadcast_in_dim3A_457 = vector.broadcast %broadcast_in_dim3A_456 : vector<64x1xf32> to vector<64x128xf32>
    %swap3A_458 = arith.constant 3072 : index
    %swap3A_459 = arith.constant 0 : index
    %swap3A_460 = vector.load %arg15[%swap3A_458, %swap3A_459] : memref<4096x128xf32, #tpu.memory_space<vmem>>, vector<64x128xf32>
    tpu.vector_store %arg15[%swap3A_458, %swap3A_459], %broadcast_in_dim3A_457 {strides = array<i32>} : memref<4096x128xf32, #tpu.memory_space<vmem>>, vector<64x128xf32>,
    %get3A_461 = arith.constant 0 : index
    %get3A_462 = arith.constant 49 : index
    %get3A_463 = vector.load %arg4[%get3A_461, %get3A_462] : memref<64x64xf32, #tpu.memory_space<vmem>>, vector<64x1xf32>
    %broadcast_in_dim3A_464 = vector.shape_cast %get3A_463 : vector<64x1xf32> to vector<64x1xf32>
    %broadcast_in_dim3A_465 = vector.broadcast %broadcast_in_dim3A_464 : vector<64x1xf32> to vector<64x128xf32>
    %swap3A_466 = arith.constant 3136 : index
    %swap3A_467 = arith.constant 0 : index
    %swap3A_468 = vector.load %arg15[%swap3A_466, %swap3A_467] : memref<4096x128xf32, #tpu.memory_space<vmem>>, vector<64x128xf32>
    tpu.vector_store %arg15[%swap3A_466, %swap3A_467], %broadcast_in_dim3A_465 {strides = array<i32>} : memref<4096x128xf32, #tpu.memory_space<vmem>>, vector<64x128xf32>,
    %get3A_469 = arith.constant 0 : index
    %get3A_470 = arith.constant 50 : index
    %get3A_471 = vector.load %arg4[%get3A_469, %get3A_470] : memref<64x64xf32, #tpu.memory_space<vmem>>, vector<64x1xf32>
    %broadcast_in_dim3A_472 = vector.shape_cast %get3A_471 : vector<64x1xf32> to vector<64x1xf32>
    %broadcast_in_dim3A_473 = vector.broadcast %broadcast_in_dim3A_472 : vector<64x1xf32> to vector<64x128xf32>
    %swap3A_474 = arith.constant 3200 : index
    %swap3A_475 = arith.constant 0 : index
    %swap3A_476 = vector.load %arg15[%swap3A_474, %swap3A_475] : memref<4096x128xf32, #tpu.memory_space<vmem>>, vector<64x128xf32>
    tpu.vector_store %arg15[%swap3A_474, %swap3A_475], %broadcast_in_dim3A_473 {strides = array<i32>} : memref<4096x128xf32, #tpu.memory_space<vmem>>, vector<64x128xf32>,
    %get3A_477 = arith.constant 0 : index
    %get3A_478 = arith.constant 51 : index
    %get3A_479 = vector.load %arg4[%get3A_477, %get3A_478] : memref<64x64xf32, #tpu.memory_space<vmem>>, vector<64x1xf32>
    %broadcast_in_dim3A_480 = vector.shape_cast %get3A_479 : vector<64x1xf32> to vector<64x1xf32>
    %broadcast_in_dim3A_481 = vector.broadcast %broadcast_in_dim3A_480 : vector<64x1xf32> to vector<64x128xf32>
    %swap3A_482 = arith.constant 3264 : index
    %swap3A_483 = arith.constant 0 : index
    %swap3A_484 = vector.load %arg15[%swap3A_482, %swap3A_483] : memref<4096x128xf32, #tpu.memory_space<vmem>>, vector<64x128xf32>
    tpu.vector_store %arg15[%swap3A_482, %swap3A_483], %broadcast_in_dim3A_481 {strides = array<i32>} : memref<4096x128xf32, #tpu.memory_space<vmem>>, vector<64x128xf32>,
    %get3A_485 = arith.constant 0 : index
    %get3A_486 = arith.constant 52 : index
    %get3A_487 = vector.load %arg4[%get3A_485, %get3A_486] : memref<64x64xf32, #tpu.memory_space<vmem>>, vector<64x1xf32>
    %broadcast_in_dim3A_488 = vector.shape_cast %get3A_487 : vector<64x1xf32> to vector<64x1xf32>
    %broadcast_in_dim3A_489 = vector.broadcast %broadcast_in_dim3A_488 : vector<64x1xf32> to vector<64x128xf32>
    %swap3A_490 = arith.constant 3328 : index
    %swap3A_491 = arith.constant 0 : index
    %swap3A_492 = vector.load %arg15[%swap3A_490, %swap3A_491] : memref<4096x128xf32, #tpu.memory_space<vmem>>, vector<64x128xf32>
    tpu.vector_store %arg15[%swap3A_490, %swap3A_491], %broadcast_in_dim3A_489 {strides = array<i32>} : memref<4096x128xf32, #tpu.memory_space<vmem>>, vector<64x128xf32>,
    %get3A_493 = arith.constant 0 : index
    %get3A_494 = arith.constant 53 : index
    %get3A_495 = vector.load %arg4[%get3A_493, %get3A_494] : memref<64x64xf32, #tpu.memory_space<vmem>>, vector<64x1xf32>
    %broadcast_in_dim3A_496 = vector.shape_cast %get3A_495 : vector<64x1xf32> to vector<64x1xf32>
    %broadcast_in_dim3A_497 = vector.broadcast %broadcast_in_dim3A_496 : vector<64x1xf32> to vector<64x128xf32>
    %swap3A_498 = arith.constant 3392 : index
    %swap3A_499 = arith.constant 0 : index
    %swap3A_500 = vector.load %arg15[%swap3A_498, %swap3A_499] : memref<4096x128xf32, #tpu.memory_space<vmem>>, vector<64x128xf32>
    tpu.vector_store %arg15[%swap3A_498, %swap3A_499], %broadcast_in_dim3A_497 {strides = array<i32>} : memref<4096x128xf32, #tpu.memory_space<vmem>>, vector<64x128xf32>,
    %get3A_501 = arith.constant 0 : index
    %get3A_502 = arith.constant 54 : index
    %get3A_503 = vector.load %arg4[%get3A_501, %get3A_502] : memref<64x64xf32, #tpu.memory_space<vmem>>, vector<64x1xf32>
    %broadcast_in_dim3A_504 = vector.shape_cast %get3A_503 : vector<64x1xf32> to vector<64x1xf32>
    %broadcast_in_dim3A_505 = vector.broadcast %broadcast_in_dim3A_504 : vector<64x1xf32> to vector<64x128xf32>
    %swap3A_506 = arith.constant 3456 : index
    %swap3A_507 = arith.constant 0 : index
    %swap3A_508 = vector.load %arg15[%swap3A_506, %swap3A_507] : memref<4096x128xf32, #tpu.memory_space<vmem>>, vector<64x128xf32>
    tpu.vector_store %arg15[%swap3A_506, %swap3A_507], %broadcast_in_dim3A_505 {strides = array<i32>} : memref<4096x128xf32, #tpu.memory_space<vmem>>, vector<64x128xf32>,
    %get3A_509 = arith.constant 0 : index
    %get3A_510 = arith.constant 55 : index
    %get3A_511 = vector.load %arg4[%get3A_509, %get3A_510] : memref<64x64xf32, #tpu.memory_space<vmem>>, vector<64x1xf32>
    %broadcast_in_dim3A_512 = vector.shape_cast %get3A_511 : vector<64x1xf32> to vector<64x1xf32>
    %broadcast_in_dim3A_513 = vector.broadcast %broadcast_in_dim3A_512 : vector<64x1xf32> to vector<64x128xf32>
    %swap3A_514 = arith.constant 3520 : index
    %swap3A_515 = arith.constant 0 : index
    %swap3A_516 = vector.load %arg15[%swap3A_514, %swap3A_515] : memref<4096x128xf32, #tpu.memory_space<vmem>>, vector<64x128xf32>
    tpu.vector_store %arg15[%swap3A_514, %swap3A_515], %broadcast_in_dim3A_513 {strides = array<i32>} : memref<4096x128xf32, #tpu.memory_space<vmem>>, vector<64x128xf32>,
    %get3A_517 = arith.constant 0 : index
    %get3A_518 = arith.constant 56 : index
    %get3A_519 = vector.load %arg4[%get3A_517, %get3A_518] : memref<64x64xf32, #tpu.memory_space<vmem>>, vector<64x1xf32>
    %broadcast_in_dim3A_520 = vector.shape_cast %get3A_519 : vector<64x1xf32> to vector<64x1xf32>
    %broadcast_in_dim3A_521 = vector.broadcast %broadcast_in_dim3A_520 : vector<64x1xf32> to vector<64x128xf32>
    %swap3A_522 = arith.constant 3584 : index
    %swap3A_523 = arith.constant 0 : index
    %swap3A_524 = vector.load %arg15[%swap3A_522, %swap3A_523] : memref<4096x128xf32, #tpu.memory_space<vmem>>, vector<64x128xf32>
    tpu.vector_store %arg15[%swap3A_522, %swap3A_523], %broadcast_in_dim3A_521 {strides = array<i32>} : memref<4096x128xf32, #tpu.memory_space<vmem>>, vector<64x128xf32>,
    %get3A_525 = arith.constant 0 : index
    %get3A_526 = arith.constant 57 : index
    %get3A_527 = vector.load %arg4[%get3A_525, %get3A_526] : memref<64x64xf32, #tpu.memory_space<vmem>>, vector<64x1xf32>
    %broadcast_in_dim3A_528 = vector.shape_cast %get3A_527 : vector<64x1xf32> to vector<64x1xf32>
    %broadcast_in_dim3A_529 = vector.broadcast %broadcast_in_dim3A_528 : vector<64x1xf32> to vector<64x128xf32>
    %swap3A_530 = arith.constant 3648 : index
    %swap3A_531 = arith.constant 0 : index
    %swap3A_532 = vector.load %arg15[%swap3A_530, %swap3A_531] : memref<4096x128xf32, #tpu.memory_space<vmem>>, vector<64x128xf32>
    tpu.vector_store %arg15[%swap3A_530, %swap3A_531], %broadcast_in_dim3A_529 {strides = array<i32>} : memref<4096x128xf32, #tpu.memory_space<vmem>>, vector<64x128xf32>,
    %get3A_533 = arith.constant 0 : index
    %get3A_534 = arith.constant 58 : index
    %get3A_535 = vector.load %arg4[%get3A_533, %get3A_534] : memref<64x64xf32, #tpu.memory_space<vmem>>, vector<64x1xf32>
    %broadcast_in_dim3A_536 = vector.shape_cast %get3A_535 : vector<64x1xf32> to vector<64x1xf32>
    %broadcast_in_dim3A_537 = vector.broadcast %broadcast_in_dim3A_536 : vector<64x1xf32> to vector<64x128xf32>
    %swap3A_538 = arith.constant 3712 : index
    %swap3A_539 = arith.constant 0 : index
    %swap3A_540 = vector.load %arg15[%swap3A_538, %swap3A_539] : memref<4096x128xf32, #tpu.memory_space<vmem>>, vector<64x128xf32>
    tpu.vector_store %arg15[%swap3A_538, %swap3A_539], %broadcast_in_dim3A_537 {strides = array<i32>} : memref<4096x128xf32, #tpu.memory_space<vmem>>, vector<64x128xf32>,
    %get3A_541 = arith.constant 0 : index
    %get3A_542 = arith.constant 59 : index
    %get3A_543 = vector.load %arg4[%get3A_541, %get3A_542] : memref<64x64xf32, #tpu.memory_space<vmem>>, vector<64x1xf32>
    %broadcast_in_dim3A_544 = vector.shape_cast %get3A_543 : vector<64x1xf32> to vector<64x1xf32>
    %broadcast_in_dim3A_545 = vector.broadcast %broadcast_in_dim3A_544 : vector<64x1xf32> to vector<64x128xf32>
    %swap3A_546 = arith.constant 3776 : index
    %swap3A_547 = arith.constant 0 : index
    %swap3A_548 = vector.load %arg15[%swap3A_546, %swap3A_547] : memref<4096x128xf32, #tpu.memory_space<vmem>>, vector<64x128xf32>
    tpu.vector_store %arg15[%swap3A_546, %swap3A_547], %broadcast_in_dim3A_545 {strides = array<i32>} : memref<4096x128xf32, #tpu.memory_space<vmem>>, vector<64x128xf32>,
    %get3A_549 = arith.constant 0 : index
    %get3A_550 = arith.constant 60 : index
    %get3A_551 = vector.load %arg4[%get3A_549, %get3A_550] : memref<64x64xf32, #tpu.memory_space<vmem>>, vector<64x1xf32>
    %broadcast_in_dim3A_552 = vector.shape_cast %get3A_551 : vector<64x1xf32> to vector<64x1xf32>
    %broadcast_in_dim3A_553 = vector.broadcast %broadcast_in_dim3A_552 : vector<64x1xf32> to vector<64x128xf32>
    %swap3A_554 = arith.constant 3840 : index
    %swap3A_555 = arith.constant 0 : index
    %swap3A_556 = vector.load %arg15[%swap3A_554, %swap3A_555] : memref<4096x128xf32, #tpu.memory_space<vmem>>, vector<64x128xf32>
    tpu.vector_store %arg15[%swap3A_554, %swap3A_555], %broadcast_in_dim3A_553 {strides = array<i32>} : memref<4096x128xf32, #tpu.memory_space<vmem>>, vector<64x128xf32>,
    %get3A_557 = arith.constant 0 : index
    %get3A_558 = arith.constant 61 : index
    %get3A_559 = vector.load %arg4[%get3A_557, %get3A_558] : memref<64x64xf32, #tpu.memory_space<vmem>>, vector<64x1xf32>
    %broadcast_in_dim3A_560 = vector.shape_cast %get3A_559 : vector<64x1xf32> to vector<64x1xf32>
    %broadcast_in_dim3A_561 = vector.broadcast %broadcast_in_dim3A_560 : vector<64x1xf32> to vector<64x128xf32>
    %swap3A_562 = arith.constant 3904 : index
    %swap3A_563 = arith.constant 0 : index
    %swap3A_564 = vector.load %arg15[%swap3A_562, %swap3A_563] : memref<4096x128xf32, #tpu.memory_space<vmem>>, vector<64x128xf32>
    tpu.vector_store %arg15[%swap3A_562, %swap3A_563], %broadcast_in_dim3A_561 {strides = array<i32>} : memref<4096x128xf32, #tpu.memory_space<vmem>>, vector<64x128xf32>,
    %get3A_565 = arith.constant 0 : index
    %get3A_566 = arith.constant 62 : index
    %get3A_567 = vector.load %arg4[%get3A_565, %get3A_566] : memref<64x64xf32, #tpu.memory_space<vmem>>, vector<64x1xf32>
    %broadcast_in_dim3A_568 = vector.shape_cast %get3A_567 : vector<64x1xf32> to vector<64x1xf32>
    %broadcast_in_dim3A_569 = vector.broadcast %broadcast_in_dim3A_568 : vector<64x1xf32> to vector<64x128xf32>
    %swap3A_570 = arith.constant 3968 : index
    %swap3A_571 = arith.constant 0 : index
    %swap3A_572 = vector.load %arg15[%swap3A_570, %swap3A_571] : memref<4096x128xf32, #tpu.memory_space<vmem>>, vector<64x128xf32>
    tpu.vector_store %arg15[%swap3A_570, %swap3A_571], %broadcast_in_dim3A_569 {strides = array<i32>} : memref<4096x128xf32, #tpu.memory_space<vmem>>, vector<64x128xf32>,
    %get3A_573 = arith.constant 0 : index
    %get3A_574 = arith.constant 63 : index
    %get3A_575 = vector.load %arg4[%get3A_573, %get3A_574] : memref<64x64xf32, #tpu.memory_space<vmem>>, vector<64x1xf32>
    %broadcast_in_dim3A_576 = vector.shape_cast %get3A_575 : vector<64x1xf32> to vector<64x1xf32>
    %broadcast_in_dim3A_577 = vector.broadcast %broadcast_in_dim3A_576 : vector<64x1xf32> to vector<64x128xf32>
    %swap3A_578 = arith.constant 4032 : index
    %swap3A_579 = arith.constant 0 : index
    %swap3A_580 = vector.load %arg15[%swap3A_578, %swap3A_579] : memref<4096x128xf32, #tpu.memory_space<vmem>>, vector<64x128xf32>
    tpu.vector_store %arg15[%swap3A_578, %swap3A_579], %broadcast_in_dim3A_577 {strides = array<i32>} : memref<4096x128xf32, #tpu.memory_space<vmem>>, vector<64x128xf32>,
    %get3A_581 = arith.constant 0 : index
    %get3A_582 = arith.constant 0 : index
    %get3A_583 = vector.load %arg12[%get3A_581, %get3A_582] : memref<2048x64xf32, #tpu.memory_space<vmem>>, vector<2048x64xf32>
    %transpose3A = tpu.transpose %get3A_583, [1, 0] : vector<2048x64xf32> -> vector<64x2048xf32>
    %swap3A_584 = arith.constant 0 : index
    %swap3A_585 = arith.constant 0 : index
    %swap3A_586 = vector.load %arg14[%swap3A_584, %swap3A_585] : memref<64x2048xf32, #tpu.memory_space<vmem>>, vector<64x2048xf32>
    tpu.vector_store %arg14[%swap3A_584, %swap3A_585], %transpose3A {strides = array<i32>} : memref<64x2048xf32, #tpu.memory_space<vmem>>, vector<64x2048xf32>,
    %scan3A_587 = arith.constant 0 : i32
    %scan3A_588 = arith.constant 16 : i32
    %scan3A_589 = arith.addi %scan3A_587, %scan3A_588 : i32
    %scan3A_590 = arith.constant 1 : i32
    scf.for %scan3A_626 = %scan3A_587 to %scan3A_589 step %scan3A_590  : i32 {
      %mul3A = arith.constant 128 : i32
      %mul3A_627 = arith.muli %scan3A_626, %mul3A : i32
      %multiple_of3A = tpu.assume_multiple %mul3A_627, 128 : i32
      %broadcast_in_dim3A_628 = arith.constant 0xFF800000 : f32
      %broadcast_in_dim3A_629 = vector.broadcast %broadcast_in_dim3A_628 : f32 to vector<64x128xf32>
      %broadcast_in_dim3A_630 = arith.constant 0 : i32
      %broadcast_in_dim3A_631 = vector.broadcast %broadcast_in_dim3A_630 : i32 to vector<64x128xi32>
      %get3A_632 = arith.constant 0 : index
      %get3A_633 = arith.constant 0 : index
      %get3A_634 = vector.load %arg15[%get3A_632, %get3A_633] : memref<4096x128xf32, #tpu.memory_space<vmem>>, vector<64x128xf32>
      %get3A_635 = arith.constant 0 : index
      %get3A_636 = arith.index_cast %multiple_of3A : i32 to index
      %get3A_637 = vector.load %arg14[%get3A_635, %get3A_636] : memref<64x2048xf32, #tpu.memory_space<vmem>>, vector<1x128xf32>
      %add3A_638 = vector.broadcast %get3A_637 : vector<1x128xf32> to vector<64x128xf32>
      %add3A_639 = arith.addf %get3A_634, %add3A_638 : vector<64x128xf32>
      %gt3A = arith.cmpf ogt, %add3A_639, %broadcast_in_dim3A_629 : vector<64x128xf32>
      %select_n3A_640 = arith.select %gt3A, %add3A_639, %broadcast_in_dim3A_629 : vector<64x128xi1>, vector<64x128xf32>
      %jit3A_641 = arith.constant 0 : i32
      %broadcast_in_dim3A_642 = vector.broadcast %jit3A_641 : i32 to vector<64x128xi32>
      %select_n3A_643 = arith.select %gt3A, %broadcast_in_dim3A_642, %broadcast_in_dim3A_631 : vector<64x128xi1>, vector<64x128xi32>
      %get3A_644 = arith.constant 64 : index
      %get3A_645 = arith.constant 0 : index
      %get3A_646 = vector.load %arg15[%get3A_644, %get3A_645] : memref<4096x128xf32, #tpu.memory_space<vmem>>, vector<64x128xf32>
      %get3A_647 = arith.constant 1 : index
      %get3A_648 = arith.index_cast %multiple_of3A : i32 to index
      %get3A_649 = vector.load %arg14[%get3A_647, %get3A_648] : memref<64x2048xf32, #tpu.memory_space<vmem>>, vector<1x128xf32>
      %add3A_650 = vector.broadcast %get3A_649 : vector<1x128xf32> to vector<64x128xf32>
      %add3A_651 = arith.addf %get3A_646, %add3A_650 : vector<64x128xf32>
      %gt3A_652 = arith.cmpf ogt, %add3A_651, %select_n3A_640 : vector<64x128xf32>
      %select_n3A_653 = arith.select %gt3A_652, %add3A_651, %select_n3A_640 : vector<64x128xi1>, vector<64x128xf32>
      %jit3A_654 = arith.constant 1 : i32
      %broadcast_in_dim3A_655 = vector.broadcast %jit3A_654 : i32 to vector<64x128xi32>
      %select_n3A_656 = arith.select %gt3A_652, %broadcast_in_dim3A_655, %select_n3A_643 : vector<64x128xi1>, vector<64x128xi32>
      %get3A_657 = arith.constant 128 : index
      %get3A_658 = arith.constant 0 : index
      %get3A_659 = vector.load %arg15[%get3A_657, %get3A_658] : memref<4096x128xf32, #tpu.memory_space<vmem>>, vector<64x128xf32>
      %get3A_660 = arith.constant 2 : index
      %get3A_661 = arith.index_cast %multiple_of3A : i32 to index
      %get3A_662 = vector.load %arg14[%get3A_660, %get3A_661] : memref<64x2048xf32, #tpu.memory_space<vmem>>, vector<1x128xf32>
      %add3A_663 = vector.broadcast %get3A_662 : vector<1x128xf32> to vector<64x128xf32>
      %add3A_664 = arith.addf %get3A_659, %add3A_663 : vector<64x128xf32>
      %gt3A_665 = arith.cmpf ogt, %add3A_664, %select_n3A_653 : vector<64x128xf32>
      %select_n3A_666 = arith.select %gt3A_665, %add3A_664, %select_n3A_653 : vector<64x128xi1>, vector<64x128xf32>
      %jit3A_667 = arith.constant 2 : i32
      %broadcast_in_dim3A_668 = vector.broadcast %jit3A_667 : i32 to vector<64x128xi32>
      %select_n3A_669 = arith.select %gt3A_665, %broadcast_in_dim3A_668, %select_n3A_656 : vector<64x128xi1>, vector<64x128xi32>
      %get3A_670 = arith.constant 192 : index
      %get3A_671 = arith.constant 0 : index
      %get3A_672 = vector.load %arg15[%get3A_670, %get3A_671] : memref<4096x128xf32, #tpu.memory_space<vmem>>, vector<64x128xf32>
      %get3A_673 = arith.constant 3 : index
      %get3A_674 = arith.index_cast %multiple_of3A : i32 to index
      %get3A_675 = vector.load %arg14[%get3A_673, %get3A_674] : memref<64x2048xf32, #tpu.memory_space<vmem>>, vector<1x128xf32>
      %add3A_676 = vector.broadcast %get3A_675 : vector<1x128xf32> to vector<64x128xf32>
      %add3A_677 = arith.addf %get3A_672, %add3A_676 : vector<64x128xf32>
      %gt3A_678 = arith.cmpf ogt, %add3A_677, %select_n3A_666 : vector<64x128xf32>
      %select_n3A_679 = arith.select %gt3A_678, %add3A_677, %select_n3A_666 : vector<64x128xi1>, vector<64x128xf32>
      %jit3A_680 = arith.constant 3 : i32
      %broadcast_in_dim3A_681 = vector.broadcast %jit3A_680 : i32 to vector<64x128xi32>
      %select_n3A_682 = arith.select %gt3A_678, %broadcast_in_dim3A_681, %select_n3A_669 : vector<64x128xi1>, vector<64x128xi32>
      %get3A_683 = arith.constant 256 : index
      %get3A_684 = arith.constant 0 : index
      %get3A_685 = vector.load %arg15[%get3A_683, %get3A_684] : memref<4096x128xf32, #tpu.memory_space<vmem>>, vector<64x128xf32>
      %get3A_686 = arith.constant 4 : index
      %get3A_687 = arith.index_cast %multiple_of3A : i32 to index
      %get3A_688 = vector.load %arg14[%get3A_686, %get3A_687] : memref<64x2048xf32, #tpu.memory_space<vmem>>, vector<1x128xf32>
      %add3A_689 = vector.broadcast %get3A_688 : vector<1x128xf32> to vector<64x128xf32>
      %add3A_690 = arith.addf %get3A_685, %add3A_689 : vector<64x128xf32>
      %gt3A_691 = arith.cmpf ogt, %add3A_690, %select_n3A_679 : vector<64x128xf32>
      %select_n3A_692 = arith.select %gt3A_691, %add3A_690, %select_n3A_679 : vector<64x128xi1>, vector<64x128xf32>
      %jit3A_693 = arith.constant 4 : i32
      %broadcast_in_dim3A_694 = vector.broadcast %jit3A_693 : i32 to vector<64x128xi32>
      %select_n3A_695 = arith.select %gt3A_691, %broadcast_in_dim3A_694, %select_n3A_682 : vector<64x128xi1>, vector<64x128xi32>
      %get3A_696 = arith.constant 320 : index
      %get3A_697 = arith.constant 0 : index
      %get3A_698 = vector.load %arg15[%get3A_696, %get3A_697] : memref<4096x128xf32, #tpu.memory_space<vmem>>, vector<64x128xf32>
      %get3A_699 = arith.constant 5 : index
      %get3A_700 = arith.index_cast %multiple_of3A : i32 to index
      %get3A_701 = vector.load %arg14[%get3A_699, %get3A_700] : memref<64x2048xf32, #tpu.memory_space<vmem>>, vector<1x128xf32>
      %add3A_702 = vector.broadcast %get3A_701 : vector<1x128xf32> to vector<64x128xf32>
      %add3A_703 = arith.addf %get3A_698, %add3A_702 : vector<64x128xf32>
      %gt3A_704 = arith.cmpf ogt, %add3A_703, %select_n3A_692 : vector<64x128xf32>
      %select_n3A_705 = arith.select %gt3A_704, %add3A_703, %select_n3A_692 : vector<64x128xi1>, vector<64x128xf32>
      %jit3A_706 = arith.constant 5 : i32
      %broadcast_in_dim3A_707 = vector.broadcast %jit3A_706 : i32 to vector<64x128xi32>
      %select_n3A_708 = arith.select %gt3A_704, %broadcast_in_dim3A_707, %select_n3A_695 : vector<64x128xi1>, vector<64x128xi32>
      %get3A_709 = arith.constant 384 : index
      %get3A_710 = arith.constant 0 : index
      %get3A_711 = vector.load %arg15[%get3A_709, %get3A_710] : memref<4096x128xf32, #tpu.memory_space<vmem>>, vector<64x128xf32>
      %get3A_712 = arith.constant 6 : index
      %get3A_713 = arith.index_cast %multiple_of3A : i32 to index
      %get3A_714 = vector.load %arg14[%get3A_712, %get3A_713] : memref<64x2048xf32, #tpu.memory_space<vmem>>, vector<1x128xf32>
      %add3A_715 = vector.broadcast %get3A_714 : vector<1x128xf32> to vector<64x128xf32>
      %add3A_716 = arith.addf %get3A_711, %add3A_715 : vector<64x128xf32>
      %gt3A_717 = arith.cmpf ogt, %add3A_716, %select_n3A_705 : vector<64x128xf32>
      %select_n3A_718 = arith.select %gt3A_717, %add3A_716, %select_n3A_705 : vector<64x128xi1>, vector<64x128xf32>
      %jit3A_719 = arith.constant 6 : i32
      %broadcast_in_dim3A_720 = vector.broadcast %jit3A_719 : i32 to vector<64x128xi32>
      %select_n3A_721 = arith.select %gt3A_717, %broadcast_in_dim3A_720, %select_n3A_708 : vector<64x128xi1>, vector<64x128xi32>
      %get3A_722 = arith.constant 448 : index
      %get3A_723 = arith.constant 0 : index
      %get3A_724 = vector.load %arg15[%get3A_722, %get3A_723] : memref<4096x128xf32, #tpu.memory_space<vmem>>, vector<64x128xf32>
      %get3A_725 = arith.constant 7 : index
      %get3A_726 = arith.index_cast %multiple_of3A : i32 to index
      %get3A_727 = vector.load %arg14[%get3A_725, %get3A_726] : memref<64x2048xf32, #tpu.memory_space<vmem>>, vector<1x128xf32>
      %add3A_728 = vector.broadcast %get3A_727 : vector<1x128xf32> to vector<64x128xf32>
      %add3A_729 = arith.addf %get3A_724, %add3A_728 : vector<64x128xf32>
      %gt3A_730 = arith.cmpf ogt, %add3A_729, %select_n3A_718 : vector<64x128xf32>
      %select_n3A_731 = arith.select %gt3A_730, %add3A_729, %select_n3A_718 : vector<64x128xi1>, vector<64x128xf32>
      %jit3A_732 = arith.constant 7 : i32
      %broadcast_in_dim3A_733 = vector.broadcast %jit3A_732 : i32 to vector<64x128xi32>
      %select_n3A_734 = arith.select %gt3A_730, %broadcast_in_dim3A_733, %select_n3A_721 : vector<64x128xi1>, vector<64x128xi32>
      %get3A_735 = arith.constant 512 : index
      %get3A_736 = arith.constant 0 : index
      %get3A_737 = vector.load %arg15[%get3A_735, %get3A_736] : memref<4096x128xf32, #tpu.memory_space<vmem>>, vector<64x128xf32>
      %get3A_738 = arith.constant 8 : index
      %get3A_739 = arith.index_cast %multiple_of3A : i32 to index
      %get3A_740 = vector.load %arg14[%get3A_738, %get3A_739] : memref<64x2048xf32, #tpu.memory_space<vmem>>, vector<1x128xf32>
      %add3A_741 = vector.broadcast %get3A_740 : vector<1x128xf32> to vector<64x128xf32>
      %add3A_742 = arith.addf %get3A_737, %add3A_741 : vector<64x128xf32>
      %gt3A_743 = arith.cmpf ogt, %add3A_742, %select_n3A_731 : vector<64x128xf32>
      %select_n3A_744 = arith.select %gt3A_743, %add3A_742, %select_n3A_731 : vector<64x128xi1>, vector<64x128xf32>
      %jit3A_745 = arith.constant 8 : i32
      %broadcast_in_dim3A_746 = vector.broadcast %jit3A_745 : i32 to vector<64x128xi32>
      %select_n3A_747 = arith.select %gt3A_743, %broadcast_in_dim3A_746, %select_n3A_734 : vector<64x128xi1>, vector<64x128xi32>
      %get3A_748 = arith.constant 576 : index
      %get3A_749 = arith.constant 0 : index
      %get3A_750 = vector.load %arg15[%get3A_748, %get3A_749] : memref<4096x128xf32, #tpu.memory_space<vmem>>, vector<64x128xf32>
      %get3A_751 = arith.constant 9 : index
      %get3A_752 = arith.index_cast %multiple_of3A : i32 to index
      %get3A_753 = vector.load %arg14[%get3A_751, %get3A_752] : memref<64x2048xf32, #tpu.memory_space<vmem>>, vector<1x128xf32>
      %add3A_754 = vector.broadcast %get3A_753 : vector<1x128xf32> to vector<64x128xf32>
      %add3A_755 = arith.addf %get3A_750, %add3A_754 : vector<64x128xf32>
      %gt3A_756 = arith.cmpf ogt, %add3A_755, %select_n3A_744 : vector<64x128xf32>
      %select_n3A_757 = arith.select %gt3A_756, %add3A_755, %select_n3A_744 : vector<64x128xi1>, vector<64x128xf32>
      %jit3A_758 = arith.constant 9 : i32
      %broadcast_in_dim3A_759 = vector.broadcast %jit3A_758 : i32 to vector<64x128xi32>
      %select_n3A_760 = arith.select %gt3A_756, %broadcast_in_dim3A_759, %select_n3A_747 : vector<64x128xi1>, vector<64x128xi32>
      %get3A_761 = arith.constant 640 : index
      %get3A_762 = arith.constant 0 : index
      %get3A_763 = vector.load %arg15[%get3A_761, %get3A_762] : memref<4096x128xf32, #tpu.memory_space<vmem>>, vector<64x128xf32>
      %get3A_764 = arith.constant 10 : index
      %get3A_765 = arith.index_cast %multiple_of3A : i32 to index
      %get3A_766 = vector.load %arg14[%get3A_764, %get3A_765] : memref<64x2048xf32, #tpu.memory_space<vmem>>, vector<1x128xf32>
      %add3A_767 = vector.broadcast %get3A_766 : vector<1x128xf32> to vector<64x128xf32>
      %add3A_768 = arith.addf %get3A_763, %add3A_767 : vector<64x128xf32>
      %gt3A_769 = arith.cmpf ogt, %add3A_768, %select_n3A_757 : vector<64x128xf32>
      %select_n3A_770 = arith.select %gt3A_769, %add3A_768, %select_n3A_757 : vector<64x128xi1>, vector<64x128xf32>
      %jit3A_771 = arith.constant 10 : i32
      %broadcast_in_dim3A_772 = vector.broadcast %jit3A_771 : i32 to vector<64x128xi32>
      %select_n3A_773 = arith.select %gt3A_769, %broadcast_in_dim3A_772, %select_n3A_760 : vector<64x128xi1>, vector<64x128xi32>
      %get3A_774 = arith.constant 704 : index
      %get3A_775 = arith.constant 0 : index
      %get3A_776 = vector.load %arg15[%get3A_774, %get3A_775] : memref<4096x128xf32, #tpu.memory_space<vmem>>, vector<64x128xf32>
      %get3A_777 = arith.constant 11 : index
      %get3A_778 = arith.index_cast %multiple_of3A : i32 to index
      %get3A_779 = vector.load %arg14[%get3A_777, %get3A_778] : memref<64x2048xf32, #tpu.memory_space<vmem>>, vector<1x128xf32>
      %add3A_780 = vector.broadcast %get3A_779 : vector<1x128xf32> to vector<64x128xf32>
      %add3A_781 = arith.addf %get3A_776, %add3A_780 : vector<64x128xf32>
      %gt3A_782 = arith.cmpf ogt, %add3A_781, %select_n3A_770 : vector<64x128xf32>
      %select_n3A_783 = arith.select %gt3A_782, %add3A_781, %select_n3A_770 : vector<64x128xi1>, vector<64x128xf32>
      %jit3A_784 = arith.constant 11 : i32
      %broadcast_in_dim3A_785 = vector.broadcast %jit3A_784 : i32 to vector<64x128xi32>
      %select_n3A_786 = arith.select %gt3A_782, %broadcast_in_dim3A_785, %select_n3A_773 : vector<64x128xi1>, vector<64x128xi32>
      %get3A_787 = arith.constant 768 : index
      %get3A_788 = arith.constant 0 : index
      %get3A_789 = vector.load %arg15[%get3A_787, %get3A_788] : memref<4096x128xf32, #tpu.memory_space<vmem>>, vector<64x128xf32>
      %get3A_790 = arith.constant 12 : index
      %get3A_791 = arith.index_cast %multiple_of3A : i32 to index
      %get3A_792 = vector.load %arg14[%get3A_790, %get3A_791] : memref<64x2048xf32, #tpu.memory_space<vmem>>, vector<1x128xf32>
      %add3A_793 = vector.broadcast %get3A_792 : vector<1x128xf32> to vector<64x128xf32>
      %add3A_794 = arith.addf %get3A_789, %add3A_793 : vector<64x128xf32>
      %gt3A_795 = arith.cmpf ogt, %add3A_794, %select_n3A_783 : vector<64x128xf32>
      %select_n3A_796 = arith.select %gt3A_795, %add3A_794, %select_n3A_783 : vector<64x128xi1>, vector<64x128xf32>
      %jit3A_797 = arith.constant 12 : i32
      %broadcast_in_dim3A_798 = vector.broadcast %jit3A_797 : i32 to vector<64x128xi32>
      %select_n3A_799 = arith.select %gt3A_795, %broadcast_in_dim3A_798, %select_n3A_786 : vector<64x128xi1>, vector<64x128xi32>
      %get3A_800 = arith.constant 832 : index
      %get3A_801 = arith.constant 0 : index
      %get3A_802 = vector.load %arg15[%get3A_800, %get3A_801] : memref<4096x128xf32, #tpu.memory_space<vmem>>, vector<64x128xf32>
      %get3A_803 = arith.constant 13 : index
      %get3A_804 = arith.index_cast %multiple_of3A : i32 to index
      %get3A_805 = vector.load %arg14[%get3A_803, %get3A_804] : memref<64x2048xf32, #tpu.memory_space<vmem>>, vector<1x128xf32>
      %add3A_806 = vector.broadcast %get3A_805 : vector<1x128xf32> to vector<64x128xf32>
      %add3A_807 = arith.addf %get3A_802, %add3A_806 : vector<64x128xf32>
      %gt3A_808 = arith.cmpf ogt, %add3A_807, %select_n3A_796 : vector<64x128xf32>
      %select_n3A_809 = arith.select %gt3A_808, %add3A_807, %select_n3A_796 : vector<64x128xi1>, vector<64x128xf32>
      %jit3A_810 = arith.constant 13 : i32
      %broadcast_in_dim3A_811 = vector.broadcast %jit3A_810 : i32 to vector<64x128xi32>
      %select_n3A_812 = arith.select %gt3A_808, %broadcast_in_dim3A_811, %select_n3A_799 : vector<64x128xi1>, vector<64x128xi32>
      %get3A_813 = arith.constant 896 : index
      %get3A_814 = arith.constant 0 : index
      %get3A_815 = vector.load %arg15[%get3A_813, %get3A_814] : memref<4096x128xf32, #tpu.memory_space<vmem>>, vector<64x128xf32>
      %get3A_816 = arith.constant 14 : index
      %get3A_817 = arith.index_cast %multiple_of3A : i32 to index
      %get3A_818 = vector.load %arg14[%get3A_816, %get3A_817] : memref<64x2048xf32, #tpu.memory_space<vmem>>, vector<1x128xf32>
      %add3A_819 = vector.broadcast %get3A_818 : vector<1x128xf32> to vector<64x128xf32>
      %add3A_820 = arith.addf %get3A_815, %add3A_819 : vector<64x128xf32>
      %gt3A_821 = arith.cmpf ogt, %add3A_820, %select_n3A_809 : vector<64x128xf32>
      %select_n3A_822 = arith.select %gt3A_821, %add3A_820, %select_n3A_809 : vector<64x128xi1>, vector<64x128xf32>
      %jit3A_823 = arith.constant 14 : i32
      %broadcast_in_dim3A_824 = vector.broadcast %jit3A_823 : i32 to vector<64x128xi32>
      %select_n3A_825 = arith.select %gt3A_821, %broadcast_in_dim3A_824, %select_n3A_812 : vector<64x128xi1>, vector<64x128xi32>
      %get3A_826 = arith.constant 960 : index
      %get3A_827 = arith.constant 0 : index
      %get3A_828 = vector.load %arg15[%get3A_826, %get3A_827] : memref<4096x128xf32, #tpu.memory_space<vmem>>, vector<64x128xf32>
      %get3A_829 = arith.constant 15 : index
      %get3A_830 = arith.index_cast %multiple_of3A : i32 to index
      %get3A_831 = vector.load %arg14[%get3A_829, %get3A_830] : memref<64x2048xf32, #tpu.memory_space<vmem>>, vector<1x128xf32>
      %add3A_832 = vector.broadcast %get3A_831 : vector<1x128xf32> to vector<64x128xf32>
      %add3A_833 = arith.addf %get3A_828, %add3A_832 : vector<64x128xf32>
      %gt3A_834 = arith.cmpf ogt, %add3A_833, %select_n3A_822 : vector<64x128xf32>
      %select_n3A_835 = arith.select %gt3A_834, %add3A_833, %select_n3A_822 : vector<64x128xi1>, vector<64x128xf32>
      %jit3A_836 = arith.constant 15 : i32
      %broadcast_in_dim3A_837 = vector.broadcast %jit3A_836 : i32 to vector<64x128xi32>
      %select_n3A_838 = arith.select %gt3A_834, %broadcast_in_dim3A_837, %select_n3A_825 : vector<64x128xi1>, vector<64x128xi32>
      %get3A_839 = arith.constant 1024 : index
      %get3A_840 = arith.constant 0 : index
      %get3A_841 = vector.load %arg15[%get3A_839, %get3A_840] : memref<4096x128xf32, #tpu.memory_space<vmem>>, vector<64x128xf32>
      %get3A_842 = arith.constant 16 : index
      %get3A_843 = arith.index_cast %multiple_of3A : i32 to index
      %get3A_844 = vector.load %arg14[%get3A_842, %get3A_843] : memref<64x2048xf32, #tpu.memory_space<vmem>>, vector<1x128xf32>
      %add3A_845 = vector.broadcast %get3A_844 : vector<1x128xf32> to vector<64x128xf32>
      %add3A_846 = arith.addf %get3A_841, %add3A_845 : vector<64x128xf32>
      %gt3A_847 = arith.cmpf ogt, %add3A_846, %select_n3A_835 : vector<64x128xf32>
      %select_n3A_848 = arith.select %gt3A_847, %add3A_846, %select_n3A_835 : vector<64x128xi1>, vector<64x128xf32>
      %jit3A_849 = arith.constant 16 : i32
      %broadcast_in_dim3A_850 = vector.broadcast %jit3A_849 : i32 to vector<64x128xi32>
      %select_n3A_851 = arith.select %gt3A_847, %broadcast_in_dim3A_850, %select_n3A_838 : vector<64x128xi1>, vector<64x128xi32>
      %get3A_852 = arith.constant 1088 : index
      %get3A_853 = arith.constant 0 : index
      %get3A_854 = vector.load %arg15[%get3A_852, %get3A_853] : memref<4096x128xf32, #tpu.memory_space<vmem>>, vector<64x128xf32>
      %get3A_855 = arith.constant 17 : index
      %get3A_856 = arith.index_cast %multiple_of3A : i32 to index
      %get3A_857 = vector.load %arg14[%get3A_855, %get3A_856] : memref<64x2048xf32, #tpu.memory_space<vmem>>, vector<1x128xf32>
      %add3A_858 = vector.broadcast %get3A_857 : vector<1x128xf32> to vector<64x128xf32>
      %add3A_859 = arith.addf %get3A_854, %add3A_858 : vector<64x128xf32>
      %gt3A_860 = arith.cmpf ogt, %add3A_859, %select_n3A_848 : vector<64x128xf32>
      %select_n3A_861 = arith.select %gt3A_860, %add3A_859, %select_n3A_848 : vector<64x128xi1>, vector<64x128xf32>
      %jit3A_862 = arith.constant 17 : i32
      %broadcast_in_dim3A_863 = vector.broadcast %jit3A_862 : i32 to vector<64x128xi32>
      %select_n3A_864 = arith.select %gt3A_860, %broadcast_in_dim3A_863, %select_n3A_851 : vector<64x128xi1>, vector<64x128xi32>
      %get3A_865 = arith.constant 1152 : index
      %get3A_866 = arith.constant 0 : index
      %get3A_867 = vector.load %arg15[%get3A_865, %get3A_866] : memref<4096x128xf32, #tpu.memory_space<vmem>>, vector<64x128xf32>
      %get3A_868 = arith.constant 18 : index
      %get3A_869 = arith.index_cast %multiple_of3A : i32 to index
      %get3A_870 = vector.load %arg14[%get3A_868, %get3A_869] : memref<64x2048xf32, #tpu.memory_space<vmem>>, vector<1x128xf32>
      %add3A_871 = vector.broadcast %get3A_870 : vector<1x128xf32> to vector<64x128xf32>
      %add3A_872 = arith.addf %get3A_867, %add3A_871 : vector<64x128xf32>
      %gt3A_873 = arith.cmpf ogt, %add3A_872, %select_n3A_861 : vector<64x128xf32>
      %select_n3A_874 = arith.select %gt3A_873, %add3A_872, %select_n3A_861 : vector<64x128xi1>, vector<64x128xf32>
      %jit3A_875 = arith.constant 18 : i32
      %broadcast_in_dim3A_876 = vector.broadcast %jit3A_875 : i32 to vector<64x128xi32>
      %select_n3A_877 = arith.select %gt3A_873, %broadcast_in_dim3A_876, %select_n3A_864 : vector<64x128xi1>, vector<64x128xi32>
      %get3A_878 = arith.constant 1216 : index
      %get3A_879 = arith.constant 0 : index
      %get3A_880 = vector.load %arg15[%get3A_878, %get3A_879] : memref<4096x128xf32, #tpu.memory_space<vmem>>, vector<64x128xf32>
      %get3A_881 = arith.constant 19 : index
      %get3A_882 = arith.index_cast %multiple_of3A : i32 to index
      %get3A_883 = vector.load %arg14[%get3A_881, %get3A_882] : memref<64x2048xf32, #tpu.memory_space<vmem>>, vector<1x128xf32>
      %add3A_884 = vector.broadcast %get3A_883 : vector<1x128xf32> to vector<64x128xf32>
      %add3A_885 = arith.addf %get3A_880, %add3A_884 : vector<64x128xf32>
      %gt3A_886 = arith.cmpf ogt, %add3A_885, %select_n3A_874 : vector<64x128xf32>
      %select_n3A_887 = arith.select %gt3A_886, %add3A_885, %select_n3A_874 : vector<64x128xi1>, vector<64x128xf32>
      %jit3A_888 = arith.constant 19 : i32
      %broadcast_in_dim3A_889 = vector.broadcast %jit3A_888 : i32 to vector<64x128xi32>
      %select_n3A_890 = arith.select %gt3A_886, %broadcast_in_dim3A_889, %select_n3A_877 : vector<64x128xi1>, vector<64x128xi32>
      %get3A_891 = arith.constant 1280 : index
      %get3A_892 = arith.constant 0 : index
      %get3A_893 = vector.load %arg15[%get3A_891, %get3A_892] : memref<4096x128xf32, #tpu.memory_space<vmem>>, vector<64x128xf32>
      %get3A_894 = arith.constant 20 : index
      %get3A_895 = arith.index_cast %multiple_of3A : i32 to index
      %get3A_896 = vector.load %arg14[%get3A_894, %get3A_895] : memref<64x2048xf32, #tpu.memory_space<vmem>>, vector<1x128xf32>
      %add3A_897 = vector.broadcast %get3A_896 : vector<1x128xf32> to vector<64x128xf32>
      %add3A_898 = arith.addf %get3A_893, %add3A_897 : vector<64x128xf32>
      %gt3A_899 = arith.cmpf ogt, %add3A_898, %select_n3A_887 : vector<64x128xf32>
      %select_n3A_900 = arith.select %gt3A_899, %add3A_898, %select_n3A_887 : vector<64x128xi1>, vector<64x128xf32>
      %jit3A_901 = arith.constant 20 : i32
      %broadcast_in_dim3A_902 = vector.broadcast %jit3A_901 : i32 to vector<64x128xi32>
      %select_n3A_903 = arith.select %gt3A_899, %broadcast_in_dim3A_902, %select_n3A_890 : vector<64x128xi1>, vector<64x128xi32>
      %get3A_904 = arith.constant 1344 : index
      %get3A_905 = arith.constant 0 : index
      %get3A_906 = vector.load %arg15[%get3A_904, %get3A_905] : memref<4096x128xf32, #tpu.memory_space<vmem>>, vector<64x128xf32>
      %get3A_907 = arith.constant 21 : index
      %get3A_908 = arith.index_cast %multiple_of3A : i32 to index
      %get3A_909 = vector.load %arg14[%get3A_907, %get3A_908] : memref<64x2048xf32, #tpu.memory_space<vmem>>, vector<1x128xf32>
      %add3A_910 = vector.broadcast %get3A_909 : vector<1x128xf32> to vector<64x128xf32>
      %add3A_911 = arith.addf %get3A_906, %add3A_910 : vector<64x128xf32>
      %gt3A_912 = arith.cmpf ogt, %add3A_911, %select_n3A_900 : vector<64x128xf32>
      %select_n3A_913 = arith.select %gt3A_912, %add3A_911, %select_n3A_900 : vector<64x128xi1>, vector<64x128xf32>
      %jit3A_914 = arith.constant 21 : i32
      %broadcast_in_dim3A_915 = vector.broadcast %jit3A_914 : i32 to vector<64x128xi32>
      %select_n3A_916 = arith.select %gt3A_912, %broadcast_in_dim3A_915, %select_n3A_903 : vector<64x128xi1>, vector<64x128xi32>
      %get3A_917 = arith.constant 1408 : index
      %get3A_918 = arith.constant 0 : index
      %get3A_919 = vector.load %arg15[%get3A_917, %get3A_918] : memref<4096x128xf32, #tpu.memory_space<vmem>>, vector<64x128xf32>
      %get3A_920 = arith.constant 22 : index
      %get3A_921 = arith.index_cast %multiple_of3A : i32 to index
      %get3A_922 = vector.load %arg14[%get3A_920, %get3A_921] : memref<64x2048xf32, #tpu.memory_space<vmem>>, vector<1x128xf32>
      %add3A_923 = vector.broadcast %get3A_922 : vector<1x128xf32> to vector<64x128xf32>
      %add3A_924 = arith.addf %get3A_919, %add3A_923 : vector<64x128xf32>
      %gt3A_925 = arith.cmpf ogt, %add3A_924, %select_n3A_913 : vector<64x128xf32>
      %select_n3A_926 = arith.select %gt3A_925, %add3A_924, %select_n3A_913 : vector<64x128xi1>, vector<64x128xf32>
      %jit3A_927 = arith.constant 22 : i32
      %broadcast_in_dim3A_928 = vector.broadcast %jit3A_927 : i32 to vector<64x128xi32>
      %select_n3A_929 = arith.select %gt3A_925, %broadcast_in_dim3A_928, %select_n3A_916 : vector<64x128xi1>, vector<64x128xi32>
      %get3A_930 = arith.constant 1472 : index
      %get3A_931 = arith.constant 0 : index
      %get3A_932 = vector.load %arg15[%get3A_930, %get3A_931] : memref<4096x128xf32, #tpu.memory_space<vmem>>, vector<64x128xf32>
      %get3A_933 = arith.constant 23 : index
      %get3A_934 = arith.index_cast %multiple_of3A : i32 to index
      %get3A_935 = vector.load %arg14[%get3A_933, %get3A_934] : memref<64x2048xf32, #tpu.memory_space<vmem>>, vector<1x128xf32>
      %add3A_936 = vector.broadcast %get3A_935 : vector<1x128xf32> to vector<64x128xf32>
      %add3A_937 = arith.addf %get3A_932, %add3A_936 : vector<64x128xf32>
      %gt3A_938 = arith.cmpf ogt, %add3A_937, %select_n3A_926 : vector<64x128xf32>
      %select_n3A_939 = arith.select %gt3A_938, %add3A_937, %select_n3A_926 : vector<64x128xi1>, vector<64x128xf32>
      %jit3A_940 = arith.constant 23 : i32
      %broadcast_in_dim3A_941 = vector.broadcast %jit3A_940 : i32 to vector<64x128xi32>
      %select_n3A_942 = arith.select %gt3A_938, %broadcast_in_dim3A_941, %select_n3A_929 : vector<64x128xi1>, vector<64x128xi32>
      %get3A_943 = arith.constant 1536 : index
      %get3A_944 = arith.constant 0 : index
      %get3A_945 = vector.load %arg15[%get3A_943, %get3A_944] : memref<4096x128xf32, #tpu.memory_space<vmem>>, vector<64x128xf32>
      %get3A_946 = arith.constant 24 : index
      %get3A_947 = arith.index_cast %multiple_of3A : i32 to index
      %get3A_948 = vector.load %arg14[%get3A_946, %get3A_947] : memref<64x2048xf32, #tpu.memory_space<vmem>>, vector<1x128xf32>
      %add3A_949 = vector.broadcast %get3A_948 : vector<1x128xf32> to vector<64x128xf32>
      %add3A_950 = arith.addf %get3A_945, %add3A_949 : vector<64x128xf32>
      %gt3A_951 = arith.cmpf ogt, %add3A_950, %select_n3A_939 : vector<64x128xf32>
      %select_n3A_952 = arith.select %gt3A_951, %add3A_950, %select_n3A_939 : vector<64x128xi1>, vector<64x128xf32>
      %jit3A_953 = arith.constant 24 : i32
      %broadcast_in_dim3A_954 = vector.broadcast %jit3A_953 : i32 to vector<64x128xi32>
      %select_n3A_955 = arith.select %gt3A_951, %broadcast_in_dim3A_954, %select_n3A_942 : vector<64x128xi1>, vector<64x128xi32>
      %get3A_956 = arith.constant 1600 : index
      %get3A_957 = arith.constant 0 : index
      %get3A_958 = vector.load %arg15[%get3A_956, %get3A_957] : memref<4096x128xf32, #tpu.memory_space<vmem>>, vector<64x128xf32>
      %get3A_959 = arith.constant 25 : index
      %get3A_960 = arith.index_cast %multiple_of3A : i32 to index
      %get3A_961 = vector.load %arg14[%get3A_959, %get3A_960] : memref<64x2048xf32, #tpu.memory_space<vmem>>, vector<1x128xf32>
      %add3A_962 = vector.broadcast %get3A_961 : vector<1x128xf32> to vector<64x128xf32>
      %add3A_963 = arith.addf %get3A_958, %add3A_962 : vector<64x128xf32>
      %gt3A_964 = arith.cmpf ogt, %add3A_963, %select_n3A_952 : vector<64x128xf32>
      %select_n3A_965 = arith.select %gt3A_964, %add3A_963, %select_n3A_952 : vector<64x128xi1>, vector<64x128xf32>
      %jit3A_966 = arith.constant 25 : i32
      %broadcast_in_dim3A_967 = vector.broadcast %jit3A_966 : i32 to vector<64x128xi32>
      %select_n3A_968 = arith.select %gt3A_964, %broadcast_in_dim3A_967, %select_n3A_955 : vector<64x128xi1>, vector<64x128xi32>
      %get3A_969 = arith.constant 1664 : index
      %get3A_970 = arith.constant 0 : index
      %get3A_971 = vector.load %arg15[%get3A_969, %get3A_970] : memref<4096x128xf32, #tpu.memory_space<vmem>>, vector<64x128xf32>
      %get3A_972 = arith.constant 26 : index
      %get3A_973 = arith.index_cast %multiple_of3A : i32 to index
      %get3A_974 = vector.load %arg14[%get3A_972, %get3A_973] : memref<64x2048xf32, #tpu.memory_space<vmem>>, vector<1x128xf32>
      %add3A_975 = vector.broadcast %get3A_974 : vector<1x128xf32> to vector<64x128xf32>
      %add3A_976 = arith.addf %get3A_971, %add3A_975 : vector<64x128xf32>
      %gt3A_977 = arith.cmpf ogt, %add3A_976, %select_n3A_965 : vector<64x128xf32>
      %select_n3A_978 = arith.select %gt3A_977, %add3A_976, %select_n3A_965 : vector<64x128xi1>, vector<64x128xf32>
      %jit3A_979 = arith.constant 26 : i32
      %broadcast_in_dim3A_980 = vector.broadcast %jit3A_979 : i32 to vector<64x128xi32>
      %select_n3A_981 = arith.select %gt3A_977, %broadcast_in_dim3A_980, %select_n3A_968 : vector<64x128xi1>, vector<64x128xi32>
      %get3A_982 = arith.constant 1728 : index
      %get3A_983 = arith.constant 0 : index
      %get3A_984 = vector.load %arg15[%get3A_982, %get3A_983] : memref<4096x128xf32, #tpu.memory_space<vmem>>, vector<64x128xf32>
      %get3A_985 = arith.constant 27 : index
      %get3A_986 = arith.index_cast %multiple_of3A : i32 to index
      %get3A_987 = vector.load %arg14[%get3A_985, %get3A_986] : memref<64x2048xf32, #tpu.memory_space<vmem>>, vector<1x128xf32>
      %add3A_988 = vector.broadcast %get3A_987 : vector<1x128xf32> to vector<64x128xf32>
      %add3A_989 = arith.addf %get3A_984, %add3A_988 : vector<64x128xf32>
      %gt3A_990 = arith.cmpf ogt, %add3A_989, %select_n3A_978 : vector<64x128xf32>
      %select_n3A_991 = arith.select %gt3A_990, %add3A_989, %select_n3A_978 : vector<64x128xi1>, vector<64x128xf32>
      %jit3A_992 = arith.constant 27 : i32
      %broadcast_in_dim3A_993 = vector.broadcast %jit3A_992 : i32 to vector<64x128xi32>
      %select_n3A_994 = arith.select %gt3A_990, %broadcast_in_dim3A_993, %select_n3A_981 : vector<64x128xi1>, vector<64x128xi32>
      %get3A_995 = arith.constant 1792 : index
      %get3A_996 = arith.constant 0 : index
      %get3A_997 = vector.load %arg15[%get3A_995, %get3A_996] : memref<4096x128xf32, #tpu.memory_space<vmem>>, vector<64x128xf32>
      %get3A_998 = arith.constant 28 : index
      %get3A_999 = arith.index_cast %multiple_of3A : i32 to index
      %get3A_1000 = vector.load %arg14[%get3A_998, %get3A_999] : memref<64x2048xf32, #tpu.memory_space<vmem>>, vector<1x128xf32>
      %add3A_1001 = vector.broadcast %get3A_1000 : vector<1x128xf32> to vector<64x128xf32>
      %add3A_1002 = arith.addf %get3A_997, %add3A_1001 : vector<64x128xf32>
      %gt3A_1003 = arith.cmpf ogt, %add3A_1002, %select_n3A_991 : vector<64x128xf32>
      %select_n3A_1004 = arith.select %gt3A_1003, %add3A_1002, %select_n3A_991 : vector<64x128xi1>, vector<64x128xf32>
      %jit3A_1005 = arith.constant 28 : i32
      %broadcast_in_dim3A_1006 = vector.broadcast %jit3A_1005 : i32 to vector<64x128xi32>
      %select_n3A_1007 = arith.select %gt3A_1003, %broadcast_in_dim3A_1006, %select_n3A_994 : vector<64x128xi1>, vector<64x128xi32>
      %get3A_1008 = arith.constant 1856 : index
      %get3A_1009 = arith.constant 0 : index
      %get3A_1010 = vector.load %arg15[%get3A_1008, %get3A_1009] : memref<4096x128xf32, #tpu.memory_space<vmem>>, vector<64x128xf32>
      %get3A_1011 = arith.constant 29 : index
      %get3A_1012 = arith.index_cast %multiple_of3A : i32 to index
      %get3A_1013 = vector.load %arg14[%get3A_1011, %get3A_1012] : memref<64x2048xf32, #tpu.memory_space<vmem>>, vector<1x128xf32>
      %add3A_1014 = vector.broadcast %get3A_1013 : vector<1x128xf32> to vector<64x128xf32>
      %add3A_1015 = arith.addf %get3A_1010, %add3A_1014 : vector<64x128xf32>
      %gt3A_1016 = arith.cmpf ogt, %add3A_1015, %select_n3A_1004 : vector<64x128xf32>
      %select_n3A_1017 = arith.select %gt3A_1016, %add3A_1015, %select_n3A_1004 : vector<64x128xi1>, vector<64x128xf32>
      %jit3A_1018 = arith.constant 29 : i32
      %broadcast_in_dim3A_1019 = vector.broadcast %jit3A_1018 : i32 to vector<64x128xi32>
      %select_n3A_1020 = arith.select %gt3A_1016, %broadcast_in_dim3A_1019, %select_n3A_1007 : vector<64x128xi1>, vector<64x128xi32>
      %get3A_1021 = arith.constant 1920 : index
      %get3A_1022 = arith.constant 0 : index
      %get3A_1023 = vector.load %arg15[%get3A_1021, %get3A_1022] : memref<4096x128xf32, #tpu.memory_space<vmem>>, vector<64x128xf32>
      %get3A_1024 = arith.constant 30 : index
      %get3A_1025 = arith.index_cast %multiple_of3A : i32 to index
      %get3A_1026 = vector.load %arg14[%get3A_1024, %get3A_1025] : memref<64x2048xf32, #tpu.memory_space<vmem>>, vector<1x128xf32>
      %add3A_1027 = vector.broadcast %get3A_1026 : vector<1x128xf32> to vector<64x128xf32>
      %add3A_1028 = arith.addf %get3A_1023, %add3A_1027 : vector<64x128xf32>
      %gt3A_1029 = arith.cmpf ogt, %add3A_1028, %select_n3A_1017 : vector<64x128xf32>
      %select_n3A_1030 = arith.select %gt3A_1029, %add3A_1028, %select_n3A_1017 : vector<64x128xi1>, vector<64x128xf32>
      %jit3A_1031 = arith.constant 30 : i32
      %broadcast_in_dim3A_1032 = vector.broadcast %jit3A_1031 : i32 to vector<64x128xi32>
      %select_n3A_1033 = arith.select %gt3A_1029, %broadcast_in_dim3A_1032, %select_n3A_1020 : vector<64x128xi1>, vector<64x128xi32>
      %get3A_1034 = arith.constant 1984 : index
      %get3A_1035 = arith.constant 0 : index
      %get3A_1036 = vector.load %arg15[%get3A_1034, %get3A_1035] : memref<4096x128xf32, #tpu.memory_space<vmem>>, vector<64x128xf32>
      %get3A_1037 = arith.constant 31 : index
      %get3A_1038 = arith.index_cast %multiple_of3A : i32 to index
      %get3A_1039 = vector.load %arg14[%get3A_1037, %get3A_1038] : memref<64x2048xf32, #tpu.memory_space<vmem>>, vector<1x128xf32>
      %add3A_1040 = vector.broadcast %get3A_1039 : vector<1x128xf32> to vector<64x128xf32>
      %add3A_1041 = arith.addf %get3A_1036, %add3A_1040 : vector<64x128xf32>
      %gt3A_1042 = arith.cmpf ogt, %add3A_1041, %select_n3A_1030 : vector<64x128xf32>
      %select_n3A_1043 = arith.select %gt3A_1042, %add3A_1041, %select_n3A_1030 : vector<64x128xi1>, vector<64x128xf32>
      %jit3A_1044 = arith.constant 31 : i32
      %broadcast_in_dim3A_1045 = vector.broadcast %jit3A_1044 : i32 to vector<64x128xi32>
      %select_n3A_1046 = arith.select %gt3A_1042, %broadcast_in_dim3A_1045, %select_n3A_1033 : vector<64x128xi1>, vector<64x128xi32>
      %get3A_1047 = arith.constant 2048 : index
      %get3A_1048 = arith.constant 0 : index
      %get3A_1049 = vector.load %arg15[%get3A_1047, %get3A_1048] : memref<4096x128xf32, #tpu.memory_space<vmem>>, vector<64x128xf32>
      %get3A_1050 = arith.constant 32 : index
      %get3A_1051 = arith.index_cast %multiple_of3A : i32 to index
      %get3A_1052 = vector.load %arg14[%get3A_1050, %get3A_1051] : memref<64x2048xf32, #tpu.memory_space<vmem>>, vector<1x128xf32>
      %add3A_1053 = vector.broadcast %get3A_1052 : vector<1x128xf32> to vector<64x128xf32>
      %add3A_1054 = arith.addf %get3A_1049, %add3A_1053 : vector<64x128xf32>
      %gt3A_1055 = arith.cmpf ogt, %add3A_1054, %select_n3A_1043 : vector<64x128xf32>
      %select_n3A_1056 = arith.select %gt3A_1055, %add3A_1054, %select_n3A_1043 : vector<64x128xi1>, vector<64x128xf32>
      %jit3A_1057 = arith.constant 32 : i32
      %broadcast_in_dim3A_1058 = vector.broadcast %jit3A_1057 : i32 to vector<64x128xi32>
      %select_n3A_1059 = arith.select %gt3A_1055, %broadcast_in_dim3A_1058, %select_n3A_1046 : vector<64x128xi1>, vector<64x128xi32>
      %get3A_1060 = arith.constant 2112 : index
      %get3A_1061 = arith.constant 0 : index
      %get3A_1062 = vector.load %arg15[%get3A_1060, %get3A_1061] : memref<4096x128xf32, #tpu.memory_space<vmem>>, vector<64x128xf32>
      %get3A_1063 = arith.constant 33 : index
      %get3A_1064 = arith.index_cast %multiple_of3A : i32 to index
      %get3A_1065 = vector.load %arg14[%get3A_1063, %get3A_1064] : memref<64x2048xf32, #tpu.memory_space<vmem>>, vector<1x128xf32>
      %add3A_1066 = vector.broadcast %get3A_1065 : vector<1x128xf32> to vector<64x128xf32>
      %add3A_1067 = arith.addf %get3A_1062, %add3A_1066 : vector<64x128xf32>
      %gt3A_1068 = arith.cmpf ogt, %add3A_1067, %select_n3A_1056 : vector<64x128xf32>
      %select_n3A_1069 = arith.select %gt3A_1068, %add3A_1067, %select_n3A_1056 : vector<64x128xi1>, vector<64x128xf32>
      %jit3A_1070 = arith.constant 33 : i32
      %broadcast_in_dim3A_1071 = vector.broadcast %jit3A_1070 : i32 to vector<64x128xi32>
      %select_n3A_1072 = arith.select %gt3A_1068, %broadcast_in_dim3A_1071, %select_n3A_1059 : vector<64x128xi1>, vector<64x128xi32>
      %get3A_1073 = arith.constant 2176 : index
      %get3A_1074 = arith.constant 0 : index
      %get3A_1075 = vector.load %arg15[%get3A_1073, %get3A_1074] : memref<4096x128xf32, #tpu.memory_space<vmem>>, vector<64x128xf32>
      %get3A_1076 = arith.constant 34 : index
      %get3A_1077 = arith.index_cast %multiple_of3A : i32 to index
      %get3A_1078 = vector.load %arg14[%get3A_1076, %get3A_1077] : memref<64x2048xf32, #tpu.memory_space<vmem>>, vector<1x128xf32>
      %add3A_1079 = vector.broadcast %get3A_1078 : vector<1x128xf32> to vector<64x128xf32>
      %add3A_1080 = arith.addf %get3A_1075, %add3A_1079 : vector<64x128xf32>
      %gt3A_1081 = arith.cmpf ogt, %add3A_1080, %select_n3A_1069 : vector<64x128xf32>
      %select_n3A_1082 = arith.select %gt3A_1081, %add3A_1080, %select_n3A_1069 : vector<64x128xi1>, vector<64x128xf32>
      %jit3A_1083 = arith.constant 34 : i32
      %broadcast_in_dim3A_1084 = vector.broadcast %jit3A_1083 : i32 to vector<64x128xi32>
      %select_n3A_1085 = arith.select %gt3A_1081, %broadcast_in_dim3A_1084, %select_n3A_1072 : vector<64x128xi1>, vector<64x128xi32>
      %get3A_1086 = arith.constant 2240 : index
      %get3A_1087 = arith.constant 0 : index
      %get3A_1088 = vector.load %arg15[%get3A_1086, %get3A_1087] : memref<4096x128xf32, #tpu.memory_space<vmem>>, vector<64x128xf32>
      %get3A_1089 = arith.constant 35 : index
      %get3A_1090 = arith.index_cast %multiple_of3A : i32 to index
      %get3A_1091 = vector.load %arg14[%get3A_1089, %get3A_1090] : memref<64x2048xf32, #tpu.memory_space<vmem>>, vector<1x128xf32>
      %add3A_1092 = vector.broadcast %get3A_1091 : vector<1x128xf32> to vector<64x128xf32>
      %add3A_1093 = arith.addf %get3A_1088, %add3A_1092 : vector<64x128xf32>
      %gt3A_1094 = arith.cmpf ogt, %add3A_1093, %select_n3A_1082 : vector<64x128xf32>
      %select_n3A_1095 = arith.select %gt3A_1094, %add3A_1093, %select_n3A_1082 : vector<64x128xi1>, vector<64x128xf32>
      %jit3A_1096 = arith.constant 35 : i32
      %broadcast_in_dim3A_1097 = vector.broadcast %jit3A_1096 : i32 to vector<64x128xi32>
      %select_n3A_1098 = arith.select %gt3A_1094, %broadcast_in_dim3A_1097, %select_n3A_1085 : vector<64x128xi1>, vector<64x128xi32>
      %get3A_1099 = arith.constant 2304 : index
      %get3A_1100 = arith.constant 0 : index
      %get3A_1101 = vector.load %arg15[%get3A_1099, %get3A_1100] : memref<4096x128xf32, #tpu.memory_space<vmem>>, vector<64x128xf32>
      %get3A_1102 = arith.constant 36 : index
      %get3A_1103 = arith.index_cast %multiple_of3A : i32 to index
      %get3A_1104 = vector.load %arg14[%get3A_1102, %get3A_1103] : memref<64x2048xf32, #tpu.memory_space<vmem>>, vector<1x128xf32>
      %add3A_1105 = vector.broadcast %get3A_1104 : vector<1x128xf32> to vector<64x128xf32>
      %add3A_1106 = arith.addf %get3A_1101, %add3A_1105 : vector<64x128xf32>
      %gt3A_1107 = arith.cmpf ogt, %add3A_1106, %select_n3A_1095 : vector<64x128xf32>
      %select_n3A_1108 = arith.select %gt3A_1107, %add3A_1106, %select_n3A_1095 : vector<64x128xi1>, vector<64x128xf32>
      %jit3A_1109 = arith.constant 36 : i32
      %broadcast_in_dim3A_1110 = vector.broadcast %jit3A_1109 : i32 to vector<64x128xi32>
      %select_n3A_1111 = arith.select %gt3A_1107, %broadcast_in_dim3A_1110, %select_n3A_1098 : vector<64x128xi1>, vector<64x128xi32>
      %get3A_1112 = arith.constant 2368 : index
      %get3A_1113 = arith.constant 0 : index
      %get3A_1114 = vector.load %arg15[%get3A_1112, %get3A_1113] : memref<4096x128xf32, #tpu.memory_space<vmem>>, vector<64x128xf32>
      %get3A_1115 = arith.constant 37 : index
      %get3A_1116 = arith.index_cast %multiple_of3A : i32 to index
      %get3A_1117 = vector.load %arg14[%get3A_1115, %get3A_1116] : memref<64x2048xf32, #tpu.memory_space<vmem>>, vector<1x128xf32>
      %add3A_1118 = vector.broadcast %get3A_1117 : vector<1x128xf32> to vector<64x128xf32>
      %add3A_1119 = arith.addf %get3A_1114, %add3A_1118 : vector<64x128xf32>
      %gt3A_1120 = arith.cmpf ogt, %add3A_1119, %select_n3A_1108 : vector<64x128xf32>
      %select_n3A_1121 = arith.select %gt3A_1120, %add3A_1119, %select_n3A_1108 : vector<64x128xi1>, vector<64x128xf32>
      %jit3A_1122 = arith.constant 37 : i32
      %broadcast_in_dim3A_1123 = vector.broadcast %jit3A_1122 : i32 to vector<64x128xi32>
      %select_n3A_1124 = arith.select %gt3A_1120, %broadcast_in_dim3A_1123, %select_n3A_1111 : vector<64x128xi1>, vector<64x128xi32>
      %get3A_1125 = arith.constant 2432 : index
      %get3A_1126 = arith.constant 0 : index
      %get3A_1127 = vector.load %arg15[%get3A_1125, %get3A_1126] : memref<4096x128xf32, #tpu.memory_space<vmem>>, vector<64x128xf32>
      %get3A_1128 = arith.constant 38 : index
      %get3A_1129 = arith.index_cast %multiple_of3A : i32 to index
      %get3A_1130 = vector.load %arg14[%get3A_1128, %get3A_1129] : memref<64x2048xf32, #tpu.memory_space<vmem>>, vector<1x128xf32>
      %add3A_1131 = vector.broadcast %get3A_1130 : vector<1x128xf32> to vector<64x128xf32>
      %add3A_1132 = arith.addf %get3A_1127, %add3A_1131 : vector<64x128xf32>
      %gt3A_1133 = arith.cmpf ogt, %add3A_1132, %select_n3A_1121 : vector<64x128xf32>
      %select_n3A_1134 = arith.select %gt3A_1133, %add3A_1132, %select_n3A_1121 : vector<64x128xi1>, vector<64x128xf32>
      %jit3A_1135 = arith.constant 38 : i32
      %broadcast_in_dim3A_1136 = vector.broadcast %jit3A_1135 : i32 to vector<64x128xi32>
      %select_n3A_1137 = arith.select %gt3A_1133, %broadcast_in_dim3A_1136, %select_n3A_1124 : vector<64x128xi1>, vector<64x128xi32>
      %get3A_1138 = arith.constant 2496 : index
      %get3A_1139 = arith.constant 0 : index
      %get3A_1140 = vector.load %arg15[%get3A_1138, %get3A_1139] : memref<4096x128xf32, #tpu.memory_space<vmem>>, vector<64x128xf32>
      %get3A_1141 = arith.constant 39 : index
      %get3A_1142 = arith.index_cast %multiple_of3A : i32 to index
      %get3A_1143 = vector.load %arg14[%get3A_1141, %get3A_1142] : memref<64x2048xf32, #tpu.memory_space<vmem>>, vector<1x128xf32>
      %add3A_1144 = vector.broadcast %get3A_1143 : vector<1x128xf32> to vector<64x128xf32>
      %add3A_1145 = arith.addf %get3A_1140, %add3A_1144 : vector<64x128xf32>
      %gt3A_1146 = arith.cmpf ogt, %add3A_1145, %select_n3A_1134 : vector<64x128xf32>
      %select_n3A_1147 = arith.select %gt3A_1146, %add3A_1145, %select_n3A_1134 : vector<64x128xi1>, vector<64x128xf32>
      %jit3A_1148 = arith.constant 39 : i32
      %broadcast_in_dim3A_1149 = vector.broadcast %jit3A_1148 : i32 to vector<64x128xi32>
      %select_n3A_1150 = arith.select %gt3A_1146, %broadcast_in_dim3A_1149, %select_n3A_1137 : vector<64x128xi1>, vector<64x128xi32>
      %get3A_1151 = arith.constant 2560 : index
      %get3A_1152 = arith.constant 0 : index
      %get3A_1153 = vector.load %arg15[%get3A_1151, %get3A_1152] : memref<4096x128xf32, #tpu.memory_space<vmem>>, vector<64x128xf32>
      %get3A_1154 = arith.constant 40 : index
      %get3A_1155 = arith.index_cast %multiple_of3A : i32 to index
      %get3A_1156 = vector.load %arg14[%get3A_1154, %get3A_1155] : memref<64x2048xf32, #tpu.memory_space<vmem>>, vector<1x128xf32>
      %add3A_1157 = vector.broadcast %get3A_1156 : vector<1x128xf32> to vector<64x128xf32>
      %add3A_1158 = arith.addf %get3A_1153, %add3A_1157 : vector<64x128xf32>
      %gt3A_1159 = arith.cmpf ogt, %add3A_1158, %select_n3A_1147 : vector<64x128xf32>
      %select_n3A_1160 = arith.select %gt3A_1159, %add3A_1158, %select_n3A_1147 : vector<64x128xi1>, vector<64x128xf32>
      %jit3A_1161 = arith.constant 40 : i32
      %broadcast_in_dim3A_1162 = vector.broadcast %jit3A_1161 : i32 to vector<64x128xi32>
      %select_n3A_1163 = arith.select %gt3A_1159, %broadcast_in_dim3A_1162, %select_n3A_1150 : vector<64x128xi1>, vector<64x128xi32>
      %get3A_1164 = arith.constant 2624 : index
      %get3A_1165 = arith.constant 0 : index
      %get3A_1166 = vector.load %arg15[%get3A_1164, %get3A_1165] : memref<4096x128xf32, #tpu.memory_space<vmem>>, vector<64x128xf32>
      %get3A_1167 = arith.constant 41 : index
      %get3A_1168 = arith.index_cast %multiple_of3A : i32 to index
      %get3A_1169 = vector.load %arg14[%get3A_1167, %get3A_1168] : memref<64x2048xf32, #tpu.memory_space<vmem>>, vector<1x128xf32>
      %add3A_1170 = vector.broadcast %get3A_1169 : vector<1x128xf32> to vector<64x128xf32>
      %add3A_1171 = arith.addf %get3A_1166, %add3A_1170 : vector<64x128xf32>
      %gt3A_1172 = arith.cmpf ogt, %add3A_1171, %select_n3A_1160 : vector<64x128xf32>
      %select_n3A_1173 = arith.select %gt3A_1172, %add3A_1171, %select_n3A_1160 : vector<64x128xi1>, vector<64x128xf32>
      %jit3A_1174 = arith.constant 41 : i32
      %broadcast_in_dim3A_1175 = vector.broadcast %jit3A_1174 : i32 to vector<64x128xi32>
      %select_n3A_1176 = arith.select %gt3A_1172, %broadcast_in_dim3A_1175, %select_n3A_1163 : vector<64x128xi1>, vector<64x128xi32>
      %get3A_1177 = arith.constant 2688 : index
      %get3A_1178 = arith.constant 0 : index
      %get3A_1179 = vector.load %arg15[%get3A_1177, %get3A_1178] : memref<4096x128xf32, #tpu.memory_space<vmem>>, vector<64x128xf32>
      %get3A_1180 = arith.constant 42 : index
      %get3A_1181 = arith.index_cast %multiple_of3A : i32 to index
      %get3A_1182 = vector.load %arg14[%get3A_1180, %get3A_1181] : memref<64x2048xf32, #tpu.memory_space<vmem>>, vector<1x128xf32>
      %add3A_1183 = vector.broadcast %get3A_1182 : vector<1x128xf32> to vector<64x128xf32>
      %add3A_1184 = arith.addf %get3A_1179, %add3A_1183 : vector<64x128xf32>
      %gt3A_1185 = arith.cmpf ogt, %add3A_1184, %select_n3A_1173 : vector<64x128xf32>
      %select_n3A_1186 = arith.select %gt3A_1185, %add3A_1184, %select_n3A_1173 : vector<64x128xi1>, vector<64x128xf32>
      %jit3A_1187 = arith.constant 42 : i32
      %broadcast_in_dim3A_1188 = vector.broadcast %jit3A_1187 : i32 to vector<64x128xi32>
      %select_n3A_1189 = arith.select %gt3A_1185, %broadcast_in_dim3A_1188, %select_n3A_1176 : vector<64x128xi1>, vector<64x128xi32>
      %get3A_1190 = arith.constant 2752 : index
      %get3A_1191 = arith.constant 0 : index
      %get3A_1192 = vector.load %arg15[%get3A_1190, %get3A_1191] : memref<4096x128xf32, #tpu.memory_space<vmem>>, vector<64x128xf32>
      %get3A_1193 = arith.constant 43 : index
      %get3A_1194 = arith.index_cast %multiple_of3A : i32 to index
      %get3A_1195 = vector.load %arg14[%get3A_1193, %get3A_1194] : memref<64x2048xf32, #tpu.memory_space<vmem>>, vector<1x128xf32>
      %add3A_1196 = vector.broadcast %get3A_1195 : vector<1x128xf32> to vector<64x128xf32>
      %add3A_1197 = arith.addf %get3A_1192, %add3A_1196 : vector<64x128xf32>
      %gt3A_1198 = arith.cmpf ogt, %add3A_1197, %select_n3A_1186 : vector<64x128xf32>
      %select_n3A_1199 = arith.select %gt3A_1198, %add3A_1197, %select_n3A_1186 : vector<64x128xi1>, vector<64x128xf32>
      %jit3A_1200 = arith.constant 43 : i32
      %broadcast_in_dim3A_1201 = vector.broadcast %jit3A_1200 : i32 to vector<64x128xi32>
      %select_n3A_1202 = arith.select %gt3A_1198, %broadcast_in_dim3A_1201, %select_n3A_1189 : vector<64x128xi1>, vector<64x128xi32>
      %get3A_1203 = arith.constant 2816 : index
      %get3A_1204 = arith.constant 0 : index
      %get3A_1205 = vector.load %arg15[%get3A_1203, %get3A_1204] : memref<4096x128xf32, #tpu.memory_space<vmem>>, vector<64x128xf32>
      %get3A_1206 = arith.constant 44 : index
      %get3A_1207 = arith.index_cast %multiple_of3A : i32 to index
      %get3A_1208 = vector.load %arg14[%get3A_1206, %get3A_1207] : memref<64x2048xf32, #tpu.memory_space<vmem>>, vector<1x128xf32>
      %add3A_1209 = vector.broadcast %get3A_1208 : vector<1x128xf32> to vector<64x128xf32>
      %add3A_1210 = arith.addf %get3A_1205, %add3A_1209 : vector<64x128xf32>
      %gt3A_1211 = arith.cmpf ogt, %add3A_1210, %select_n3A_1199 : vector<64x128xf32>
      %select_n3A_1212 = arith.select %gt3A_1211, %add3A_1210, %select_n3A_1199 : vector<64x128xi1>, vector<64x128xf32>
      %jit3A_1213 = arith.constant 44 : i32
      %broadcast_in_dim3A_1214 = vector.broadcast %jit3A_1213 : i32 to vector<64x128xi32>
      %select_n3A_1215 = arith.select %gt3A_1211, %broadcast_in_dim3A_1214, %select_n3A_1202 : vector<64x128xi1>, vector<64x128xi32>
      %get3A_1216 = arith.constant 2880 : index
      %get3A_1217 = arith.constant 0 : index
      %get3A_1218 = vector.load %arg15[%get3A_1216, %get3A_1217] : memref<4096x128xf32, #tpu.memory_space<vmem>>, vector<64x128xf32>
      %get3A_1219 = arith.constant 45 : index
      %get3A_1220 = arith.index_cast %multiple_of3A : i32 to index
      %get3A_1221 = vector.load %arg14[%get3A_1219, %get3A_1220] : memref<64x2048xf32, #tpu.memory_space<vmem>>, vector<1x128xf32>
      %add3A_1222 = vector.broadcast %get3A_1221 : vector<1x128xf32> to vector<64x128xf32>
      %add3A_1223 = arith.addf %get3A_1218, %add3A_1222 : vector<64x128xf32>
      %gt3A_1224 = arith.cmpf ogt, %add3A_1223, %select_n3A_1212 : vector<64x128xf32>
      %select_n3A_1225 = arith.select %gt3A_1224, %add3A_1223, %select_n3A_1212 : vector<64x128xi1>, vector<64x128xf32>
      %jit3A_1226 = arith.constant 45 : i32
      %broadcast_in_dim3A_1227 = vector.broadcast %jit3A_1226 : i32 to vector<64x128xi32>
      %select_n3A_1228 = arith.select %gt3A_1224, %broadcast_in_dim3A_1227, %select_n3A_1215 : vector<64x128xi1>, vector<64x128xi32>
      %get3A_1229 = arith.constant 2944 : index
      %get3A_1230 = arith.constant 0 : index
      %get3A_1231 = vector.load %arg15[%get3A_1229, %get3A_1230] : memref<4096x128xf32, #tpu.memory_space<vmem>>, vector<64x128xf32>
      %get3A_1232 = arith.constant 46 : index
      %get3A_1233 = arith.index_cast %multiple_of3A : i32 to index
      %get3A_1234 = vector.load %arg14[%get3A_1232, %get3A_1233] : memref<64x2048xf32, #tpu.memory_space<vmem>>, vector<1x128xf32>
      %add3A_1235 = vector.broadcast %get3A_1234 : vector<1x128xf32> to vector<64x128xf32>
      %add3A_1236 = arith.addf %get3A_1231, %add3A_1235 : vector<64x128xf32>
      %gt3A_1237 = arith.cmpf ogt, %add3A_1236, %select_n3A_1225 : vector<64x128xf32>
      %select_n3A_1238 = arith.select %gt3A_1237, %add3A_1236, %select_n3A_1225 : vector<64x128xi1>, vector<64x128xf32>
      %jit3A_1239 = arith.constant 46 : i32
      %broadcast_in_dim3A_1240 = vector.broadcast %jit3A_1239 : i32 to vector<64x128xi32>
      %select_n3A_1241 = arith.select %gt3A_1237, %broadcast_in_dim3A_1240, %select_n3A_1228 : vector<64x128xi1>, vector<64x128xi32>
      %get3A_1242 = arith.constant 3008 : index
      %get3A_1243 = arith.constant 0 : index
      %get3A_1244 = vector.load %arg15[%get3A_1242, %get3A_1243] : memref<4096x128xf32, #tpu.memory_space<vmem>>, vector<64x128xf32>
      %get3A_1245 = arith.constant 47 : index
      %get3A_1246 = arith.index_cast %multiple_of3A : i32 to index
      %get3A_1247 = vector.load %arg14[%get3A_1245, %get3A_1246] : memref<64x2048xf32, #tpu.memory_space<vmem>>, vector<1x128xf32>
      %add3A_1248 = vector.broadcast %get3A_1247 : vector<1x128xf32> to vector<64x128xf32>
      %add3A_1249 = arith.addf %get3A_1244, %add3A_1248 : vector<64x128xf32>
      %gt3A_1250 = arith.cmpf ogt, %add3A_1249, %select_n3A_1238 : vector<64x128xf32>
      %select_n3A_1251 = arith.select %gt3A_1250, %add3A_1249, %select_n3A_1238 : vector<64x128xi1>, vector<64x128xf32>
      %jit3A_1252 = arith.constant 47 : i32
      %broadcast_in_dim3A_1253 = vector.broadcast %jit3A_1252 : i32 to vector<64x128xi32>
      %select_n3A_1254 = arith.select %gt3A_1250, %broadcast_in_dim3A_1253, %select_n3A_1241 : vector<64x128xi1>, vector<64x128xi32>
      %get3A_1255 = arith.constant 3072 : index
      %get3A_1256 = arith.constant 0 : index
      %get3A_1257 = vector.load %arg15[%get3A_1255, %get3A_1256] : memref<4096x128xf32, #tpu.memory_space<vmem>>, vector<64x128xf32>
      %get3A_1258 = arith.constant 48 : index
      %get3A_1259 = arith.index_cast %multiple_of3A : i32 to index
      %get3A_1260 = vector.load %arg14[%get3A_1258, %get3A_1259] : memref<64x2048xf32, #tpu.memory_space<vmem>>, vector<1x128xf32>
      %add3A_1261 = vector.broadcast %get3A_1260 : vector<1x128xf32> to vector<64x128xf32>
      %add3A_1262 = arith.addf %get3A_1257, %add3A_1261 : vector<64x128xf32>
      %gt3A_1263 = arith.cmpf ogt, %add3A_1262, %select_n3A_1251 : vector<64x128xf32>
      %select_n3A_1264 = arith.select %gt3A_1263, %add3A_1262, %select_n3A_1251 : vector<64x128xi1>, vector<64x128xf32>
      %jit3A_1265 = arith.constant 48 : i32
      %broadcast_in_dim3A_1266 = vector.broadcast %jit3A_1265 : i32 to vector<64x128xi32>
      %select_n3A_1267 = arith.select %gt3A_1263, %broadcast_in_dim3A_1266, %select_n3A_1254 : vector<64x128xi1>, vector<64x128xi32>
      %get3A_1268 = arith.constant 3136 : index
      %get3A_1269 = arith.constant 0 : index
      %get3A_1270 = vector.load %arg15[%get3A_1268, %get3A_1269] : memref<4096x128xf32, #tpu.memory_space<vmem>>, vector<64x128xf32>
      %get3A_1271 = arith.constant 49 : index
      %get3A_1272 = arith.index_cast %multiple_of3A : i32 to index
      %get3A_1273 = vector.load %arg14[%get3A_1271, %get3A_1272] : memref<64x2048xf32, #tpu.memory_space<vmem>>, vector<1x128xf32>
      %add3A_1274 = vector.broadcast %get3A_1273 : vector<1x128xf32> to vector<64x128xf32>
      %add3A_1275 = arith.addf %get3A_1270, %add3A_1274 : vector<64x128xf32>
      %gt3A_1276 = arith.cmpf ogt, %add3A_1275, %select_n3A_1264 : vector<64x128xf32>
      %select_n3A_1277 = arith.select %gt3A_1276, %add3A_1275, %select_n3A_1264 : vector<64x128xi1>, vector<64x128xf32>
      %jit3A_1278 = arith.constant 49 : i32
      %broadcast_in_dim3A_1279 = vector.broadcast %jit3A_1278 : i32 to vector<64x128xi32>
      %select_n3A_1280 = arith.select %gt3A_1276, %broadcast_in_dim3A_1279, %select_n3A_1267 : vector<64x128xi1>, vector<64x128xi32>
      %get3A_1281 = arith.constant 3200 : index
      %get3A_1282 = arith.constant 0 : index
      %get3A_1283 = vector.load %arg15[%get3A_1281, %get3A_1282] : memref<4096x128xf32, #tpu.memory_space<vmem>>, vector<64x128xf32>
      %get3A_1284 = arith.constant 50 : index
      %get3A_1285 = arith.index_cast %multiple_of3A : i32 to index
      %get3A_1286 = vector.load %arg14[%get3A_1284, %get3A_1285] : memref<64x2048xf32, #tpu.memory_space<vmem>>, vector<1x128xf32>
      %add3A_1287 = vector.broadcast %get3A_1286 : vector<1x128xf32> to vector<64x128xf32>
      %add3A_1288 = arith.addf %get3A_1283, %add3A_1287 : vector<64x128xf32>
      %gt3A_1289 = arith.cmpf ogt, %add3A_1288, %select_n3A_1277 : vector<64x128xf32>
      %select_n3A_1290 = arith.select %gt3A_1289, %add3A_1288, %select_n3A_1277 : vector<64x128xi1>, vector<64x128xf32>
      %jit3A_1291 = arith.constant 50 : i32
      %broadcast_in_dim3A_1292 = vector.broadcast %jit3A_1291 : i32 to vector<64x128xi32>
      %select_n3A_1293 = arith.select %gt3A_1289, %broadcast_in_dim3A_1292, %select_n3A_1280 : vector<64x128xi1>, vector<64x128xi32>
      %get3A_1294 = arith.constant 3264 : index
      %get3A_1295 = arith.constant 0 : index
      %get3A_1296 = vector.load %arg15[%get3A_1294, %get3A_1295] : memref<4096x128xf32, #tpu.memory_space<vmem>>, vector<64x128xf32>
      %get3A_1297 = arith.constant 51 : index
      %get3A_1298 = arith.index_cast %multiple_of3A : i32 to index
      %get3A_1299 = vector.load %arg14[%get3A_1297, %get3A_1298] : memref<64x2048xf32, #tpu.memory_space<vmem>>, vector<1x128xf32>
      %add3A_1300 = vector.broadcast %get3A_1299 : vector<1x128xf32> to vector<64x128xf32>
      %add3A_1301 = arith.addf %get3A_1296, %add3A_1300 : vector<64x128xf32>
      %gt3A_1302 = arith.cmpf ogt, %add3A_1301, %select_n3A_1290 : vector<64x128xf32>
      %select_n3A_1303 = arith.select %gt3A_1302, %add3A_1301, %select_n3A_1290 : vector<64x128xi1>, vector<64x128xf32>
      %jit3A_1304 = arith.constant 51 : i32
      %broadcast_in_dim3A_1305 = vector.broadcast %jit3A_1304 : i32 to vector<64x128xi32>
      %select_n3A_1306 = arith.select %gt3A_1302, %broadcast_in_dim3A_1305, %select_n3A_1293 : vector<64x128xi1>, vector<64x128xi32>
      %get3A_1307 = arith.constant 3328 : index
      %get3A_1308 = arith.constant 0 : index
      %get3A_1309 = vector.load %arg15[%get3A_1307, %get3A_1308] : memref<4096x128xf32, #tpu.memory_space<vmem>>, vector<64x128xf32>
      %get3A_1310 = arith.constant 52 : index
      %get3A_1311 = arith.index_cast %multiple_of3A : i32 to index
      %get3A_1312 = vector.load %arg14[%get3A_1310, %get3A_1311] : memref<64x2048xf32, #tpu.memory_space<vmem>>, vector<1x128xf32>
      %add3A_1313 = vector.broadcast %get3A_1312 : vector<1x128xf32> to vector<64x128xf32>
      %add3A_1314 = arith.addf %get3A_1309, %add3A_1313 : vector<64x128xf32>
      %gt3A_1315 = arith.cmpf ogt, %add3A_1314, %select_n3A_1303 : vector<64x128xf32>
      %select_n3A_1316 = arith.select %gt3A_1315, %add3A_1314, %select_n3A_1303 : vector<64x128xi1>, vector<64x128xf32>
      %jit3A_1317 = arith.constant 52 : i32
      %broadcast_in_dim3A_1318 = vector.broadcast %jit3A_1317 : i32 to vector<64x128xi32>
      %select_n3A_1319 = arith.select %gt3A_1315, %broadcast_in_dim3A_1318, %select_n3A_1306 : vector<64x128xi1>, vector<64x128xi32>
      %get3A_1320 = arith.constant 3392 : index
      %get3A_1321 = arith.constant 0 : index
      %get3A_1322 = vector.load %arg15[%get3A_1320, %get3A_1321] : memref<4096x128xf32, #tpu.memory_space<vmem>>, vector<64x128xf32>
      %get3A_1323 = arith.constant 53 : index
      %get3A_1324 = arith.index_cast %multiple_of3A : i32 to index
      %get3A_1325 = vector.load %arg14[%get3A_1323, %get3A_1324] : memref<64x2048xf32, #tpu.memory_space<vmem>>, vector<1x128xf32>
      %add3A_1326 = vector.broadcast %get3A_1325 : vector<1x128xf32> to vector<64x128xf32>
      %add3A_1327 = arith.addf %get3A_1322, %add3A_1326 : vector<64x128xf32>
      %gt3A_1328 = arith.cmpf ogt, %add3A_1327, %select_n3A_1316 : vector<64x128xf32>
      %select_n3A_1329 = arith.select %gt3A_1328, %add3A_1327, %select_n3A_1316 : vector<64x128xi1>, vector<64x128xf32>
      %jit3A_1330 = arith.constant 53 : i32
      %broadcast_in_dim3A_1331 = vector.broadcast %jit3A_1330 : i32 to vector<64x128xi32>
      %select_n3A_1332 = arith.select %gt3A_1328, %broadcast_in_dim3A_1331, %select_n3A_1319 : vector<64x128xi1>, vector<64x128xi32>
      %get3A_1333 = arith.constant 3456 : index
      %get3A_1334 = arith.constant 0 : index
      %get3A_1335 = vector.load %arg15[%get3A_1333, %get3A_1334] : memref<4096x128xf32, #tpu.memory_space<vmem>>, vector<64x128xf32>
      %get3A_1336 = arith.constant 54 : index
      %get3A_1337 = arith.index_cast %multiple_of3A : i32 to index
      %get3A_1338 = vector.load %arg14[%get3A_1336, %get3A_1337] : memref<64x2048xf32, #tpu.memory_space<vmem>>, vector<1x128xf32>
      %add3A_1339 = vector.broadcast %get3A_1338 : vector<1x128xf32> to vector<64x128xf32>
      %add3A_1340 = arith.addf %get3A_1335, %add3A_1339 : vector<64x128xf32>
      %gt3A_1341 = arith.cmpf ogt, %add3A_1340, %select_n3A_1329 : vector<64x128xf32>
      %select_n3A_1342 = arith.select %gt3A_1341, %add3A_1340, %select_n3A_1329 : vector<64x128xi1>, vector<64x128xf32>
      %jit3A_1343 = arith.constant 54 : i32
      %broadcast_in_dim3A_1344 = vector.broadcast %jit3A_1343 : i32 to vector<64x128xi32>
      %select_n3A_1345 = arith.select %gt3A_1341, %broadcast_in_dim3A_1344, %select_n3A_1332 : vector<64x128xi1>, vector<64x128xi32>
      %get3A_1346 = arith.constant 3520 : index
      %get3A_1347 = arith.constant 0 : index
      %get3A_1348 = vector.load %arg15[%get3A_1346, %get3A_1347] : memref<4096x128xf32, #tpu.memory_space<vmem>>, vector<64x128xf32>
      %get3A_1349 = arith.constant 55 : index
      %get3A_1350 = arith.index_cast %multiple_of3A : i32 to index
      %get3A_1351 = vector.load %arg14[%get3A_1349, %get3A_1350] : memref<64x2048xf32, #tpu.memory_space<vmem>>, vector<1x128xf32>
      %add3A_1352 = vector.broadcast %get3A_1351 : vector<1x128xf32> to vector<64x128xf32>
      %add3A_1353 = arith.addf %get3A_1348, %add3A_1352 : vector<64x128xf32>
      %gt3A_1354 = arith.cmpf ogt, %add3A_1353, %select_n3A_1342 : vector<64x128xf32>
      %select_n3A_1355 = arith.select %gt3A_1354, %add3A_1353, %select_n3A_1342 : vector<64x128xi1>, vector<64x128xf32>
      %jit3A_1356 = arith.constant 55 : i32
      %broadcast_in_dim3A_1357 = vector.broadcast %jit3A_1356 : i32 to vector<64x128xi32>
      %select_n3A_1358 = arith.select %gt3A_1354, %broadcast_in_dim3A_1357, %select_n3A_1345 : vector<64x128xi1>, vector<64x128xi32>
      %get3A_1359 = arith.constant 3584 : index
      %get3A_1360 = arith.constant 0 : index
      %get3A_1361 = vector.load %arg15[%get3A_1359, %get3A_1360] : memref<4096x128xf32, #tpu.memory_space<vmem>>, vector<64x128xf32>
      %get3A_1362 = arith.constant 56 : index
      %get3A_1363 = arith.index_cast %multiple_of3A : i32 to index
      %get3A_1364 = vector.load %arg14[%get3A_1362, %get3A_1363] : memref<64x2048xf32, #tpu.memory_space<vmem>>, vector<1x128xf32>
      %add3A_1365 = vector.broadcast %get3A_1364 : vector<1x128xf32> to vector<64x128xf32>
      %add3A_1366 = arith.addf %get3A_1361, %add3A_1365 : vector<64x128xf32>
      %gt3A_1367 = arith.cmpf ogt, %add3A_1366, %select_n3A_1355 : vector<64x128xf32>
      %select_n3A_1368 = arith.select %gt3A_1367, %add3A_1366, %select_n3A_1355 : vector<64x128xi1>, vector<64x128xf32>
      %jit3A_1369 = arith.constant 56 : i32
      %broadcast_in_dim3A_1370 = vector.broadcast %jit3A_1369 : i32 to vector<64x128xi32>
      %select_n3A_1371 = arith.select %gt3A_1367, %broadcast_in_dim3A_1370, %select_n3A_1358 : vector<64x128xi1>, vector<64x128xi32>
      %get3A_1372 = arith.constant 3648 : index
      %get3A_1373 = arith.constant 0 : index
      %get3A_1374 = vector.load %arg15[%get3A_1372, %get3A_1373] : memref<4096x128xf32, #tpu.memory_space<vmem>>, vector<64x128xf32>
      %get3A_1375 = arith.constant 57 : index
      %get3A_1376 = arith.index_cast %multiple_of3A : i32 to index
      %get3A_1377 = vector.load %arg14[%get3A_1375, %get3A_1376] : memref<64x2048xf32, #tpu.memory_space<vmem>>, vector<1x128xf32>
      %add3A_1378 = vector.broadcast %get3A_1377 : vector<1x128xf32> to vector<64x128xf32>
      %add3A_1379 = arith.addf %get3A_1374, %add3A_1378 : vector<64x128xf32>
      %gt3A_1380 = arith.cmpf ogt, %add3A_1379, %select_n3A_1368 : vector<64x128xf32>
      %select_n3A_1381 = arith.select %gt3A_1380, %add3A_1379, %select_n3A_1368 : vector<64x128xi1>, vector<64x128xf32>
      %jit3A_1382 = arith.constant 57 : i32
      %broadcast_in_dim3A_1383 = vector.broadcast %jit3A_1382 : i32 to vector<64x128xi32>
      %select_n3A_1384 = arith.select %gt3A_1380, %broadcast_in_dim3A_1383, %select_n3A_1371 : vector<64x128xi1>, vector<64x128xi32>
      %get3A_1385 = arith.constant 3712 : index
      %get3A_1386 = arith.constant 0 : index
      %get3A_1387 = vector.load %arg15[%get3A_1385, %get3A_1386] : memref<4096x128xf32, #tpu.memory_space<vmem>>, vector<64x128xf32>
      %get3A_1388 = arith.constant 58 : index
      %get3A_1389 = arith.index_cast %multiple_of3A : i32 to index
      %get3A_1390 = vector.load %arg14[%get3A_1388, %get3A_1389] : memref<64x2048xf32, #tpu.memory_space<vmem>>, vector<1x128xf32>
      %add3A_1391 = vector.broadcast %get3A_1390 : vector<1x128xf32> to vector<64x128xf32>
      %add3A_1392 = arith.addf %get3A_1387, %add3A_1391 : vector<64x128xf32>
      %gt3A_1393 = arith.cmpf ogt, %add3A_1392, %select_n3A_1381 : vector<64x128xf32>
      %select_n3A_1394 = arith.select %gt3A_1393, %add3A_1392, %select_n3A_1381 : vector<64x128xi1>, vector<64x128xf32>
      %jit3A_1395 = arith.constant 58 : i32
      %broadcast_in_dim3A_1396 = vector.broadcast %jit3A_1395 : i32 to vector<64x128xi32>
      %select_n3A_1397 = arith.select %gt3A_1393, %broadcast_in_dim3A_1396, %select_n3A_1384 : vector<64x128xi1>, vector<64x128xi32>
      %get3A_1398 = arith.constant 3776 : index
      %get3A_1399 = arith.constant 0 : index
      %get3A_1400 = vector.load %arg15[%get3A_1398, %get3A_1399] : memref<4096x128xf32, #tpu.memory_space<vmem>>, vector<64x128xf32>
      %get3A_1401 = arith.constant 59 : index
      %get3A_1402 = arith.index_cast %multiple_of3A : i32 to index
      %get3A_1403 = vector.load %arg14[%get3A_1401, %get3A_1402] : memref<64x2048xf32, #tpu.memory_space<vmem>>, vector<1x128xf32>
      %add3A_1404 = vector.broadcast %get3A_1403 : vector<1x128xf32> to vector<64x128xf32>
      %add3A_1405 = arith.addf %get3A_1400, %add3A_1404 : vector<64x128xf32>
      %gt3A_1406 = arith.cmpf ogt, %add3A_1405, %select_n3A_1394 : vector<64x128xf32>
      %select_n3A_1407 = arith.select %gt3A_1406, %add3A_1405, %select_n3A_1394 : vector<64x128xi1>, vector<64x128xf32>
      %jit3A_1408 = arith.constant 59 : i32
      %broadcast_in_dim3A_1409 = vector.broadcast %jit3A_1408 : i32 to vector<64x128xi32>
      %select_n3A_1410 = arith.select %gt3A_1406, %broadcast_in_dim3A_1409, %select_n3A_1397 : vector<64x128xi1>, vector<64x128xi32>
      %get3A_1411 = arith.constant 3840 : index
      %get3A_1412 = arith.constant 0 : index
      %get3A_1413 = vector.load %arg15[%get3A_1411, %get3A_1412] : memref<4096x128xf32, #tpu.memory_space<vmem>>, vector<64x128xf32>
      %get3A_1414 = arith.constant 60 : index
      %get3A_1415 = arith.index_cast %multiple_of3A : i32 to index
      %get3A_1416 = vector.load %arg14[%get3A_1414, %get3A_1415] : memref<64x2048xf32, #tpu.memory_space<vmem>>, vector<1x128xf32>
      %add3A_1417 = vector.broadcast %get3A_1416 : vector<1x128xf32> to vector<64x128xf32>
      %add3A_1418 = arith.addf %get3A_1413, %add3A_1417 : vector<64x128xf32>
      %gt3A_1419 = arith.cmpf ogt, %add3A_1418, %select_n3A_1407 : vector<64x128xf32>
      %select_n3A_1420 = arith.select %gt3A_1419, %add3A_1418, %select_n3A_1407 : vector<64x128xi1>, vector<64x128xf32>
      %jit3A_1421 = arith.constant 60 : i32
      %broadcast_in_dim3A_1422 = vector.broadcast %jit3A_1421 : i32 to vector<64x128xi32>
      %select_n3A_1423 = arith.select %gt3A_1419, %broadcast_in_dim3A_1422, %select_n3A_1410 : vector<64x128xi1>, vector<64x128xi32>
      %get3A_1424 = arith.constant 3904 : index
      %get3A_1425 = arith.constant 0 : index
      %get3A_1426 = vector.load %arg15[%get3A_1424, %get3A_1425] : memref<4096x128xf32, #tpu.memory_space<vmem>>, vector<64x128xf32>
      %get3A_1427 = arith.constant 61 : index
      %get3A_1428 = arith.index_cast %multiple_of3A : i32 to index
      %get3A_1429 = vector.load %arg14[%get3A_1427, %get3A_1428] : memref<64x2048xf32, #tpu.memory_space<vmem>>, vector<1x128xf32>
      %add3A_1430 = vector.broadcast %get3A_1429 : vector<1x128xf32> to vector<64x128xf32>
      %add3A_1431 = arith.addf %get3A_1426, %add3A_1430 : vector<64x128xf32>
      %gt3A_1432 = arith.cmpf ogt, %add3A_1431, %select_n3A_1420 : vector<64x128xf32>
      %select_n3A_1433 = arith.select %gt3A_1432, %add3A_1431, %select_n3A_1420 : vector<64x128xi1>, vector<64x128xf32>
      %jit3A_1434 = arith.constant 61 : i32
      %broadcast_in_dim3A_1435 = vector.broadcast %jit3A_1434 : i32 to vector<64x128xi32>
      %select_n3A_1436 = arith.select %gt3A_1432, %broadcast_in_dim3A_1435, %select_n3A_1423 : vector<64x128xi1>, vector<64x128xi32>
      %get3A_1437 = arith.constant 3968 : index
      %get3A_1438 = arith.constant 0 : index
      %get3A_1439 = vector.load %arg15[%get3A_1437, %get3A_1438] : memref<4096x128xf32, #tpu.memory_space<vmem>>, vector<64x128xf32>
      %get3A_1440 = arith.constant 62 : index
      %get3A_1441 = arith.index_cast %multiple_of3A : i32 to index
      %get3A_1442 = vector.load %arg14[%get3A_1440, %get3A_1441] : memref<64x2048xf32, #tpu.memory_space<vmem>>, vector<1x128xf32>
      %add3A_1443 = vector.broadcast %get3A_1442 : vector<1x128xf32> to vector<64x128xf32>
      %add3A_1444 = arith.addf %get3A_1439, %add3A_1443 : vector<64x128xf32>
      %gt3A_1445 = arith.cmpf ogt, %add3A_1444, %select_n3A_1433 : vector<64x128xf32>
      %select_n3A_1446 = arith.select %gt3A_1445, %add3A_1444, %select_n3A_1433 : vector<64x128xi1>, vector<64x128xf32>
      %jit3A_1447 = arith.constant 62 : i32
      %broadcast_in_dim3A_1448 = vector.broadcast %jit3A_1447 : i32 to vector<64x128xi32>
      %select_n3A_1449 = arith.select %gt3A_1445, %broadcast_in_dim3A_1448, %select_n3A_1436 : vector<64x128xi1>, vector<64x128xi32>
      %get3A_1450 = arith.constant 4032 : index
      %get3A_1451 = arith.constant 0 : index
      %get3A_1452 = vector.load %arg15[%get3A_1450, %get3A_1451] : memref<4096x128xf32, #tpu.memory_space<vmem>>, vector<64x128xf32>
      %get3A_1453 = arith.constant 63 : index
      %get3A_1454 = arith.index_cast %multiple_of3A : i32 to index
      %get3A_1455 = vector.load %arg14[%get3A_1453, %get3A_1454] : memref<64x2048xf32, #tpu.memory_space<vmem>>, vector<1x128xf32>
      %add3A_1456 = vector.broadcast %get3A_1455 : vector<1x128xf32> to vector<64x128xf32>
      %add3A_1457 = arith.addf %get3A_1452, %add3A_1456 : vector<64x128xf32>
      %gt3A_1458 = arith.cmpf ogt, %add3A_1457, %select_n3A_1446 : vector<64x128xf32>
      %select_n3A_1459 = arith.select %gt3A_1458, %add3A_1457, %select_n3A_1446 : vector<64x128xi1>, vector<64x128xf32>
      %jit3A_1460 = arith.constant 63 : i32
      %broadcast_in_dim3A_1461 = vector.broadcast %jit3A_1460 : i32 to vector<64x128xi32>
      %select_n3A_1462 = arith.select %gt3A_1458, %broadcast_in_dim3A_1461, %select_n3A_1449 : vector<64x128xi1>, vector<64x128xi32>
      %swap3A_1463 = arith.constant 0 : index
      %swap3A_1464 = arith.index_cast %multiple_of3A : i32 to index
      %swap3A_1465 = vector.load %arg17[%swap3A_1463, %swap3A_1464] : memref<64x2048xi32, #tpu.memory_space<vmem>>, vector<64x128xi32>
      tpu.vector_store %arg17[%swap3A_1463, %swap3A_1464], %select_n3A_1462 {strides = array<i32>} : memref<64x2048xi32, #tpu.memory_space<vmem>>, vector<64x128xi32>,
      %swap3A_1466 = arith.constant 0 : index
      %swap3A_1467 = arith.index_cast %multiple_of3A : i32 to index
      %swap3A_1468 = vector.load %arg16[%swap3A_1466, %swap3A_1467] : memref<64x2048xf32, #tpu.memory_space<vmem>>, vector<64x128xf32>
      tpu.vector_store %arg16[%swap3A_1466, %swap3A_1467], %select_n3A_1459 {strides = array<i32>} : memref<64x2048xf32, #tpu.memory_space<vmem>>, vector<64x128xf32>,
    }
    %scan3A_591 = arith.constant 16 : i32
    %get3A_592 = arith.constant 0 : index
    %get3A_593 = arith.constant 0 : index
    %get3A_594 = vector.load %arg13[%get3A_592, %get3A_593] : memref<2048x64xf32, #tpu.memory_space<vmem>>, vector<2048x64xf32>
    %transpose3A_595 = tpu.transpose %get3A_594, [1, 0] : vector<2048x64xf32> -> vector<64x2048xf32>
    %get3A_596 = arith.constant 0 : index
    %get3A_597 = arith.constant 0 : index
    %get3A_598 = vector.load %arg16[%get3A_596, %get3A_597] : memref<64x2048xf32, #tpu.memory_space<vmem>>, vector<64x2048xf32>
    %add3A_599 = arith.addf %transpose3A_595, %get3A_598 : vector<64x2048xf32>
    %swap3A_600 = arith.constant 0 : index
    %swap3A_601 = arith.constant 0 : index
    %swap3A_602 = vector.load %arg14[%swap3A_600, %swap3A_601] : memref<64x2048xf32, #tpu.memory_space<vmem>>, vector<64x2048xf32>
    tpu.vector_store %arg14[%swap3A_600, %swap3A_601], %add3A_599 {strides = array<i32>} : memref<64x2048xf32, #tpu.memory_space<vmem>>, vector<64x2048xf32>,
    %scan3A_603 = arith.constant 0 : i32
    %scan3A_604 = arith.constant 16 : i32
    %scan3A_605 = arith.addi %scan3A_603, %scan3A_604 : i32
    %scan3A_606 = arith.constant 1 : i32
    scf.for %scan3A_626 = %scan3A_603 to %scan3A_605 step %scan3A_606  : i32 {
      %mul3A = arith.constant 128 : i32
      %mul3A_627 = arith.muli %scan3A_626, %mul3A : i32
      %multiple_of3A = tpu.assume_multiple %mul3A_627, 128 : i32
      %broadcast_in_dim3A_628 = arith.constant 0xFF800000 : f32
      %broadcast_in_dim3A_629 = vector.broadcast %broadcast_in_dim3A_628 : f32 to vector<64x128xf32>
      %broadcast_in_dim3A_630 = arith.constant 0 : i32
      %broadcast_in_dim3A_631 = vector.broadcast %broadcast_in_dim3A_630 : i32 to vector<64x128xi32>
      %get3A_632 = arith.constant 0 : index
      %get3A_633 = arith.constant 0 : index
      %get3A_634 = vector.load %arg15[%get3A_632, %get3A_633] : memref<4096x128xf32, #tpu.memory_space<vmem>>, vector<64x128xf32>
      %get3A_635 = arith.constant 0 : index
      %get3A_636 = arith.index_cast %multiple_of3A : i32 to index
      %get3A_637 = vector.load %arg14[%get3A_635, %get3A_636] : memref<64x2048xf32, #tpu.memory_space<vmem>>, vector<1x128xf32>
      %add3A_638 = vector.broadcast %get3A_637 : vector<1x128xf32> to vector<64x128xf32>
      %add3A_639 = arith.addf %get3A_634, %add3A_638 : vector<64x128xf32>
      %gt3A = arith.cmpf ogt, %add3A_639, %broadcast_in_dim3A_629 : vector<64x128xf32>
      %select_n3A_640 = arith.select %gt3A, %add3A_639, %broadcast_in_dim3A_629 : vector<64x128xi1>, vector<64x128xf32>
      %jit3A_641 = arith.constant 0 : i32
      %broadcast_in_dim3A_642 = vector.broadcast %jit3A_641 : i32 to vector<64x128xi32>
      %select_n3A_643 = arith.select %gt3A, %broadcast_in_dim3A_642, %broadcast_in_dim3A_631 : vector<64x128xi1>, vector<64x128xi32>
      %get3A_644 = arith.constant 64 : index
      %get3A_645 = arith.constant 0 : index
      %get3A_646 = vector.load %arg15[%get3A_644, %get3A_645] : memref<4096x128xf32, #tpu.memory_space<vmem>>, vector<64x128xf32>
      %get3A_647 = arith.constant 1 : index
      %get3A_648 = arith.index_cast %multiple_of3A : i32 to index
      %get3A_649 = vector.load %arg14[%get3A_647, %get3A_648] : memref<64x2048xf32, #tpu.memory_space<vmem>>, vector<1x128xf32>
      %add3A_650 = vector.broadcast %get3A_649 : vector<1x128xf32> to vector<64x128xf32>
      %add3A_651 = arith.addf %get3A_646, %add3A_650 : vector<64x128xf32>
      %gt3A_652 = arith.cmpf ogt, %add3A_651, %select_n3A_640 : vector<64x128xf32>
      %select_n3A_653 = arith.select %gt3A_652, %add3A_651, %select_n3A_640 : vector<64x128xi1>, vector<64x128xf32>
      %jit3A_654 = arith.constant 1 : i32
      %broadcast_in_dim3A_655 = vector.broadcast %jit3A_654 : i32 to vector<64x128xi32>
      %select_n3A_656 = arith.select %gt3A_652, %broadcast_in_dim3A_655, %select_n3A_643 : vector<64x128xi1>, vector<64x128xi32>
      %get3A_657 = arith.constant 128 : index
      %get3A_658 = arith.constant 0 : index
      %get3A_659 = vector.load %arg15[%get3A_657, %get3A_658] : memref<4096x128xf32, #tpu.memory_space<vmem>>, vector<64x128xf32>
      %get3A_660 = arith.constant 2 : index
      %get3A_661 = arith.index_cast %multiple_of3A : i32 to index
      %get3A_662 = vector.load %arg14[%get3A_660, %get3A_661] : memref<64x2048xf32, #tpu.memory_space<vmem>>, vector<1x128xf32>
      %add3A_663 = vector.broadcast %get3A_662 : vector<1x128xf32> to vector<64x128xf32>
      %add3A_664 = arith.addf %get3A_659, %add3A_663 : vector<64x128xf32>
      %gt3A_665 = arith.cmpf ogt, %add3A_664, %select_n3A_653 : vector<64x128xf32>
      %select_n3A_666 = arith.select %gt3A_665, %add3A_664, %select_n3A_653 : vector<64x128xi1>, vector<64x128xf32>
      %jit3A_667 = arith.constant 2 : i32
      %broadcast_in_dim3A_668 = vector.broadcast %jit3A_667 : i32 to vector<64x128xi32>
      %select_n3A_669 = arith.select %gt3A_665, %broadcast_in_dim3A_668, %select_n3A_656 : vector<64x128xi1>, vector<64x128xi32>
      %get3A_670 = arith.constant 192 : index
      %get3A_671 = arith.constant 0 : index
      %get3A_672 = vector.load %arg15[%get3A_670, %get3A_671] : memref<4096x128xf32, #tpu.memory_space<vmem>>, vector<64x128xf32>
      %get3A_673 = arith.constant 3 : index
      %get3A_674 = arith.index_cast %multiple_of3A : i32 to index
      %get3A_675 = vector.load %arg14[%get3A_673, %get3A_674] : memref<64x2048xf32, #tpu.memory_space<vmem>>, vector<1x128xf32>
      %add3A_676 = vector.broadcast %get3A_675 : vector<1x128xf32> to vector<64x128xf32>
      %add3A_677 = arith.addf %get3A_672, %add3A_676 : vector<64x128xf32>
      %gt3A_678 = arith.cmpf ogt, %add3A_677, %select_n3A_666 : vector<64x128xf32>
      %select_n3A_679 = arith.select %gt3A_678, %add3A_677, %select_n3A_666 : vector<64x128xi1>, vector<64x128xf32>
      %jit3A_680 = arith.constant 3 : i32
      %broadcast_in_dim3A_681 = vector.broadcast %jit3A_680 : i32 to vector<64x128xi32>
      %select_n3A_682 = arith.select %gt3A_678, %broadcast_in_dim3A_681, %select_n3A_669 : vector<64x128xi1>, vector<64x128xi32>
      %get3A_683 = arith.constant 256 : index
      %get3A_684 = arith.constant 0 : index
      %get3A_685 = vector.load %arg15[%get3A_683, %get3A_684] : memref<4096x128xf32, #tpu.memory_space<vmem>>, vector<64x128xf32>
      %get3A_686 = arith.constant 4 : index
      %get3A_687 = arith.index_cast %multiple_of3A : i32 to index
      %get3A_688 = vector.load %arg14[%get3A_686, %get3A_687] : memref<64x2048xf32, #tpu.memory_space<vmem>>, vector<1x128xf32>
      %add3A_689 = vector.broadcast %get3A_688 : vector<1x128xf32> to vector<64x128xf32>
      %add3A_690 = arith.addf %get3A_685, %add3A_689 : vector<64x128xf32>
      %gt3A_691 = arith.cmpf ogt, %add3A_690, %select_n3A_679 : vector<64x128xf32>
      %select_n3A_692 = arith.select %gt3A_691, %add3A_690, %select_n3A_679 : vector<64x128xi1>, vector<64x128xf32>
      %jit3A_693 = arith.constant 4 : i32
      %broadcast_in_dim3A_694 = vector.broadcast %jit3A_693 : i32 to vector<64x128xi32>
      %select_n3A_695 = arith.select %gt3A_691, %broadcast_in_dim3A_694, %select_n3A_682 : vector<64x128xi1>, vector<64x128xi32>
      %get3A_696 = arith.constant 320 : index
      %get3A_697 = arith.constant 0 : index
      %get3A_698 = vector.load %arg15[%get3A_696, %get3A_697] : memref<4096x128xf32, #tpu.memory_space<vmem>>, vector<64x128xf32>
      %get3A_699 = arith.constant 5 : index
      %get3A_700 = arith.index_cast %multiple_of3A : i32 to index
      %get3A_701 = vector.load %arg14[%get3A_699, %get3A_700] : memref<64x2048xf32, #tpu.memory_space<vmem>>, vector<1x128xf32>
      %add3A_702 = vector.broadcast %get3A_701 : vector<1x128xf32> to vector<64x128xf32>
      %add3A_703 = arith.addf %get3A_698, %add3A_702 : vector<64x128xf32>
      %gt3A_704 = arith.cmpf ogt, %add3A_703, %select_n3A_692 : vector<64x128xf32>
      %select_n3A_705 = arith.select %gt3A_704, %add3A_703, %select_n3A_692 : vector<64x128xi1>, vector<64x128xf32>
      %jit3A_706 = arith.constant 5 : i32
      %broadcast_in_dim3A_707 = vector.broadcast %jit3A_706 : i32 to vector<64x128xi32>
      %select_n3A_708 = arith.select %gt3A_704, %broadcast_in_dim3A_707, %select_n3A_695 : vector<64x128xi1>, vector<64x128xi32>
      %get3A_709 = arith.constant 384 : index
      %get3A_710 = arith.constant 0 : index
      %get3A_711 = vector.load %arg15[%get3A_709, %get3A_710] : memref<4096x128xf32, #tpu.memory_space<vmem>>, vector<64x128xf32>
      %get3A_712 = arith.constant 6 : index
      %get3A_713 = arith.index_cast %multiple_of3A : i32 to index
      %get3A_714 = vector.load %arg14[%get3A_712, %get3A_713] : memref<64x2048xf32, #tpu.memory_space<vmem>>, vector<1x128xf32>
      %add3A_715 = vector.broadcast %get3A_714 : vector<1x128xf32> to vector<64x128xf32>
      %add3A_716 = arith.addf %get3A_711, %add3A_715 : vector<64x128xf32>
      %gt3A_717 = arith.cmpf ogt, %add3A_716, %select_n3A_705 : vector<64x128xf32>
      %select_n3A_718 = arith.select %gt3A_717, %add3A_716, %select_n3A_705 : vector<64x128xi1>, vector<64x128xf32>
      %jit3A_719 = arith.constant 6 : i32
      %broadcast_in_dim3A_720 = vector.broadcast %jit3A_719 : i32 to vector<64x128xi32>
      %select_n3A_721 = arith.select %gt3A_717, %broadcast_in_dim3A_720, %select_n3A_708 : vector<64x128xi1>, vector<64x128xi32>
      %get3A_722 = arith.constant 448 : index
      %get3A_723 = arith.constant 0 : index
      %get3A_724 = vector.load %arg15[%get3A_722, %get3A_723] : memref<4096x128xf32, #tpu.memory_space<vmem>>, vector<64x128xf32>
      %get3A_725 = arith.constant 7 : index
      %get3A_726 = arith.index_cast %multiple_of3A : i32 to index
      %get3A_727 = vector.load %arg14[%get3A_725, %get3A_726] : memref<64x2048xf32, #tpu.memory_space<vmem>>, vector<1x128xf32>
      %add3A_728 = vector.broadcast %get3A_727 : vector<1x128xf32> to vector<64x128xf32>
      %add3A_729 = arith.addf %get3A_724, %add3A_728 : vector<64x128xf32>
      %gt3A_730 = arith.cmpf ogt, %add3A_729, %select_n3A_718 : vector<64x128xf32>
      %select_n3A_731 = arith.select %gt3A_730, %add3A_729, %select_n3A_718 : vector<64x128xi1>, vector<64x128xf32>
      %jit3A_732 = arith.constant 7 : i32
      %broadcast_in_dim3A_733 = vector.broadcast %jit3A_732 : i32 to vector<64x128xi32>
      %select_n3A_734 = arith.select %gt3A_730, %broadcast_in_dim3A_733, %select_n3A_721 : vector<64x128xi1>, vector<64x128xi32>
      %get3A_735 = arith.constant 512 : index
      %get3A_736 = arith.constant 0 : index
      %get3A_737 = vector.load %arg15[%get3A_735, %get3A_736] : memref<4096x128xf32, #tpu.memory_space<vmem>>, vector<64x128xf32>
      %get3A_738 = arith.constant 8 : index
      %get3A_739 = arith.index_cast %multiple_of3A : i32 to index
      %get3A_740 = vector.load %arg14[%get3A_738, %get3A_739] : memref<64x2048xf32, #tpu.memory_space<vmem>>, vector<1x128xf32>
      %add3A_741 = vector.broadcast %get3A_740 : vector<1x128xf32> to vector<64x128xf32>
      %add3A_742 = arith.addf %get3A_737, %add3A_741 : vector<64x128xf32>
      %gt3A_743 = arith.cmpf ogt, %add3A_742, %select_n3A_731 : vector<64x128xf32>
      %select_n3A_744 = arith.select %gt3A_743, %add3A_742, %select_n3A_731 : vector<64x128xi1>, vector<64x128xf32>
      %jit3A_745 = arith.constant 8 : i32
      %broadcast_in_dim3A_746 = vector.broadcast %jit3A_745 : i32 to vector<64x128xi32>
      %select_n3A_747 = arith.select %gt3A_743, %broadcast_in_dim3A_746, %select_n3A_734 : vector<64x128xi1>, vector<64x128xi32>
      %get3A_748 = arith.constant 576 : index
      %get3A_749 = arith.constant 0 : index
      %get3A_750 = vector.load %arg15[%get3A_748, %get3A_749] : memref<4096x128xf32, #tpu.memory_space<vmem>>, vector<64x128xf32>
      %get3A_751 = arith.constant 9 : index
      %get3A_752 = arith.index_cast %multiple_of3A : i32 to index
      %get3A_753 = vector.load %arg14[%get3A_751, %get3A_752] : memref<64x2048xf32, #tpu.memory_space<vmem>>, vector<1x128xf32>
      %add3A_754 = vector.broadcast %get3A_753 : vector<1x128xf32> to vector<64x128xf32>
      %add3A_755 = arith.addf %get3A_750, %add3A_754 : vector<64x128xf32>
      %gt3A_756 = arith.cmpf ogt, %add3A_755, %select_n3A_744 : vector<64x128xf32>
      %select_n3A_757 = arith.select %gt3A_756, %add3A_755, %select_n3A_744 : vector<64x128xi1>, vector<64x128xf32>
      %jit3A_758 = arith.constant 9 : i32
      %broadcast_in_dim3A_759 = vector.broadcast %jit3A_758 : i32 to vector<64x128xi32>
      %select_n3A_760 = arith.select %gt3A_756, %broadcast_in_dim3A_759, %select_n3A_747 : vector<64x128xi1>, vector<64x128xi32>
      %get3A_761 = arith.constant 640 : index
      %get3A_762 = arith.constant 0 : index
      %get3A_763 = vector.load %arg15[%get3A_761, %get3A_762] : memref<4096x128xf32, #tpu.memory_space<vmem>>, vector<64x128xf32>
      %get3A_764 = arith.constant 10 : index
      %get3A_765 = arith.index_cast %multiple_of3A : i32 to index
      %get3A_766 = vector.load %arg14[%get3A_764, %get3A_765] : memref<64x2048xf32, #tpu.memory_space<vmem>>, vector<1x128xf32>
      %add3A_767 = vector.broadcast %get3A_766 : vector<1x128xf32> to vector<64x128xf32>
      %add3A_768 = arith.addf %get3A_763, %add3A_767 : vector<64x128xf32>
      %gt3A_769 = arith.cmpf ogt, %add3A_768, %select_n3A_757 : vector<64x128xf32>
      %select_n3A_770 = arith.select %gt3A_769, %add3A_768, %select_n3A_757 : vector<64x128xi1>, vector<64x128xf32>
      %jit3A_771 = arith.constant 10 : i32
      %broadcast_in_dim3A_772 = vector.broadcast %jit3A_771 : i32 to vector<64x128xi32>
      %select_n3A_773 = arith.select %gt3A_769, %broadcast_in_dim3A_772, %select_n3A_760 : vector<64x128xi1>, vector<64x128xi32>
      %get3A_774 = arith.constant 704 : index
      %get3A_775 = arith.constant 0 : index
      %get3A_776 = vector.load %arg15[%get3A_774, %get3A_775] : memref<4096x128xf32, #tpu.memory_space<vmem>>, vector<64x128xf32>
      %get3A_777 = arith.constant 11 : index
      %get3A_778 = arith.index_cast %multiple_of3A : i32 to index
      %get3A_779 = vector.load %arg14[%get3A_777, %get3A_778] : memref<64x2048xf32, #tpu.memory_space<vmem>>, vector<1x128xf32>
      %add3A_780 = vector.broadcast %get3A_779 : vector<1x128xf32> to vector<64x128xf32>
      %add3A_781 = arith.addf %get3A_776, %add3A_780 : vector<64x128xf32>
      %gt3A_782 = arith.cmpf ogt, %add3A_781, %select_n3A_770 : vector<64x128xf32>
      %select_n3A_783 = arith.select %gt3A_782, %add3A_781, %select_n3A_770 : vector<64x128xi1>, vector<64x128xf32>
      %jit3A_784 = arith.constant 11 : i32
      %broadcast_in_dim3A_785 = vector.broadcast %jit3A_784 : i32 to vector<64x128xi32>
      %select_n3A_786 = arith.select %gt3A_782, %broadcast_in_dim3A_785, %select_n3A_773 : vector<64x128xi1>, vector<64x128xi32>
      %get3A_787 = arith.constant 768 : index
      %get3A_788 = arith.constant 0 : index
      %get3A_789 = vector.load %arg15[%get3A_787, %get3A_788] : memref<4096x128xf32, #tpu.memory_space<vmem>>, vector<64x128xf32>
      %get3A_790 = arith.constant 12 : index
      %get3A_791 = arith.index_cast %multiple_of3A : i32 to index
      %get3A_792 = vector.load %arg14[%get3A_790, %get3A_791] : memref<64x2048xf32, #tpu.memory_space<vmem>>, vector<1x128xf32>
      %add3A_793 = vector.broadcast %get3A_792 : vector<1x128xf32> to vector<64x128xf32>
      %add3A_794 = arith.addf %get3A_789, %add3A_793 : vector<64x128xf32>
      %gt3A_795 = arith.cmpf ogt, %add3A_794, %select_n3A_783 : vector<64x128xf32>
      %select_n3A_796 = arith.select %gt3A_795, %add3A_794, %select_n3A_783 : vector<64x128xi1>, vector<64x128xf32>
      %jit3A_797 = arith.constant 12 : i32
      %broadcast_in_dim3A_798 = vector.broadcast %jit3A_797 : i32 to vector<64x128xi32>
      %select_n3A_799 = arith.select %gt3A_795, %broadcast_in_dim3A_798, %select_n3A_786 : vector<64x128xi1>, vector<64x128xi32>
      %get3A_800 = arith.constant 832 : index
      %get3A_801 = arith.constant 0 : index
      %get3A_802 = vector.load %arg15[%get3A_800, %get3A_801] : memref<4096x128xf32, #tpu.memory_space<vmem>>, vector<64x128xf32>
      %get3A_803 = arith.constant 13 : index
      %get3A_804 = arith.index_cast %multiple_of3A : i32 to index
      %get3A_805 = vector.load %arg14[%get3A_803, %get3A_804] : memref<64x2048xf32, #tpu.memory_space<vmem>>, vector<1x128xf32>
      %add3A_806 = vector.broadcast %get3A_805 : vector<1x128xf32> to vector<64x128xf32>
      %add3A_807 = arith.addf %get3A_802, %add3A_806 : vector<64x128xf32>
      %gt3A_808 = arith.cmpf ogt, %add3A_807, %select_n3A_796 : vector<64x128xf32>
      %select_n3A_809 = arith.select %gt3A_808, %add3A_807, %select_n3A_796 : vector<64x128xi1>, vector<64x128xf32>
      %jit3A_810 = arith.constant 13 : i32
      %broadcast_in_dim3A_811 = vector.broadcast %jit3A_810 : i32 to vector<64x128xi32>
      %select_n3A_812 = arith.select %gt3A_808, %broadcast_in_dim3A_811, %select_n3A_799 : vector<64x128xi1>, vector<64x128xi32>
      %get3A_813 = arith.constant 896 : index
      %get3A_814 = arith.constant 0 : index
      %get3A_815 = vector.load %arg15[%get3A_813, %get3A_814] : memref<4096x128xf32, #tpu.memory_space<vmem>>, vector<64x128xf32>
      %get3A_816 = arith.constant 14 : index
      %get3A_817 = arith.index_cast %multiple_of3A : i32 to index
      %get3A_818 = vector.load %arg14[%get3A_816, %get3A_817] : memref<64x2048xf32, #tpu.memory_space<vmem>>, vector<1x128xf32>
      %add3A_819 = vector.broadcast %get3A_818 : vector<1x128xf32> to vector<64x128xf32>
      %add3A_820 = arith.addf %get3A_815, %add3A_819 : vector<64x128xf32>
      %gt3A_821 = arith.cmpf ogt, %add3A_820, %select_n3A_809 : vector<64x128xf32>
      %select_n3A_822 = arith.select %gt3A_821, %add3A_820, %select_n3A_809 : vector<64x128xi1>, vector<64x128xf32>
      %jit3A_823 = arith.constant 14 : i32
      %broadcast_in_dim3A_824 = vector.broadcast %jit3A_823 : i32 to vector<64x128xi32>
      %select_n3A_825 = arith.select %gt3A_821, %broadcast_in_dim3A_824, %select_n3A_812 : vector<64x128xi1>, vector<64x128xi32>
      %get3A_826 = arith.constant 960 : index
      %get3A_827 = arith.constant 0 : index
      %get3A_828 = vector.load %arg15[%get3A_826, %get3A_827] : memref<4096x128xf32, #tpu.memory_space<vmem>>, vector<64x128xf32>
      %get3A_829 = arith.constant 15 : index
      %get3A_830 = arith.index_cast %multiple_of3A : i32 to index
      %get3A_831 = vector.load %arg14[%get3A_829, %get3A_830] : memref<64x2048xf32, #tpu.memory_space<vmem>>, vector<1x128xf32>
      %add3A_832 = vector.broadcast %get3A_831 : vector<1x128xf32> to vector<64x128xf32>
      %add3A_833 = arith.addf %get3A_828, %add3A_832 : vector<64x128xf32>
      %gt3A_834 = arith.cmpf ogt, %add3A_833, %select_n3A_822 : vector<64x128xf32>
      %select_n3A_835 = arith.select %gt3A_834, %add3A_833, %select_n3A_822 : vector<64x128xi1>, vector<64x128xf32>
      %jit3A_836 = arith.constant 15 : i32
      %broadcast_in_dim3A_837 = vector.broadcast %jit3A_836 : i32 to vector<64x128xi32>
      %select_n3A_838 = arith.select %gt3A_834, %broadcast_in_dim3A_837, %select_n3A_825 : vector<64x128xi1>, vector<64x128xi32>
      %get3A_839 = arith.constant 1024 : index
      %get3A_840 = arith.constant 0 : index
      %get3A_841 = vector.load %arg15[%get3A_839, %get3A_840] : memref<4096x128xf32, #tpu.memory_space<vmem>>, vector<64x128xf32>
      %get3A_842 = arith.constant 16 : index
      %get3A_843 = arith.index_cast %multiple_of3A : i32 to index
      %get3A_844 = vector.load %arg14[%get3A_842, %get3A_843] : memref<64x2048xf32, #tpu.memory_space<vmem>>, vector<1x128xf32>
      %add3A_845 = vector.broadcast %get3A_844 : vector<1x128xf32> to vector<64x128xf32>
      %add3A_846 = arith.addf %get3A_841, %add3A_845 : vector<64x128xf32>
      %gt3A_847 = arith.cmpf ogt, %add3A_846, %select_n3A_835 : vector<64x128xf32>
      %select_n3A_848 = arith.select %gt3A_847, %add3A_846, %select_n3A_835 : vector<64x128xi1>, vector<64x128xf32>
      %jit3A_849 = arith.constant 16 : i32
      %broadcast_in_dim3A_850 = vector.broadcast %jit3A_849 : i32 to vector<64x128xi32>
      %select_n3A_851 = arith.select %gt3A_847, %broadcast_in_dim3A_850, %select_n3A_838 : vector<64x128xi1>, vector<64x128xi32>
      %get3A_852 = arith.constant 1088 : index
      %get3A_853 = arith.constant 0 : index
      %get3A_854 = vector.load %arg15[%get3A_852, %get3A_853] : memref<4096x128xf32, #tpu.memory_space<vmem>>, vector<64x128xf32>
      %get3A_855 = arith.constant 17 : index
      %get3A_856 = arith.index_cast %multiple_of3A : i32 to index
      %get3A_857 = vector.load %arg14[%get3A_855, %get3A_856] : memref<64x2048xf32, #tpu.memory_space<vmem>>, vector<1x128xf32>
      %add3A_858 = vector.broadcast %get3A_857 : vector<1x128xf32> to vector<64x128xf32>
      %add3A_859 = arith.addf %get3A_854, %add3A_858 : vector<64x128xf32>
      %gt3A_860 = arith.cmpf ogt, %add3A_859, %select_n3A_848 : vector<64x128xf32>
      %select_n3A_861 = arith.select %gt3A_860, %add3A_859, %select_n3A_848 : vector<64x128xi1>, vector<64x128xf32>
      %jit3A_862 = arith.constant 17 : i32
      %broadcast_in_dim3A_863 = vector.broadcast %jit3A_862 : i32 to vector<64x128xi32>
      %select_n3A_864 = arith.select %gt3A_860, %broadcast_in_dim3A_863, %select_n3A_851 : vector<64x128xi1>, vector<64x128xi32>
      %get3A_865 = arith.constant 1152 : index
      %get3A_866 = arith.constant 0 : index
      %get3A_867 = vector.load %arg15[%get3A_865, %get3A_866] : memref<4096x128xf32, #tpu.memory_space<vmem>>, vector<64x128xf32>
      %get3A_868 = arith.constant 18 : index
      %get3A_869 = arith.index_cast %multiple_of3A : i32 to index
      %get3A_870 = vector.load %arg14[%get3A_868, %get3A_869] : memref<64x2048xf32, #tpu.memory_space<vmem>>, vector<1x128xf32>
      %add3A_871 = vector.broadcast %get3A_870 : vector<1x128xf32> to vector<64x128xf32>
      %add3A_872 = arith.addf %get3A_867, %add3A_871 : vector<64x128xf32>
      %gt3A_873 = arith.cmpf ogt, %add3A_872, %select_n3A_861 : vector<64x128xf32>
      %select_n3A_874 = arith.select %gt3A_873, %add3A_872, %select_n3A_861 : vector<64x128xi1>, vector<64x128xf32>
      %jit3A_875 = arith.constant 18 : i32
      %broadcast_in_dim3A_876 = vector.broadcast %jit3A_875 : i32 to vector<64x128xi32>
      %select_n3A_877 = arith.select %gt3A_873, %broadcast_in_dim3A_876, %select_n3A_864 : vector<64x128xi1>, vector<64x128xi32>
      %get3A_878 = arith.constant 1216 : index
      %get3A_879 = arith.constant 0 : index
      %get3A_880 = vector.load %arg15[%get3A_878, %get3A_879] : memref<4096x128xf32, #tpu.memory_space<vmem>>, vector<64x128xf32>
      %get3A_881 = arith.constant 19 : index
      %get3A_882 = arith.index_cast %multiple_of3A : i32 to index
      %get3A_883 = vector.load %arg14[%get3A_881, %get3A_882] : memref<64x2048xf32, #tpu.memory_space<vmem>>, vector<1x128xf32>
      %add3A_884 = vector.broadcast %get3A_883 : vector<1x128xf32> to vector<64x128xf32>
      %add3A_885 = arith.addf %get3A_880, %add3A_884 : vector<64x128xf32>
      %gt3A_886 = arith.cmpf ogt, %add3A_885, %select_n3A_874 : vector<64x128xf32>
      %select_n3A_887 = arith.select %gt3A_886, %add3A_885, %select_n3A_874 : vector<64x128xi1>, vector<64x128xf32>
      %jit3A_888 = arith.constant 19 : i32
      %broadcast_in_dim3A_889 = vector.broadcast %jit3A_888 : i32 to vector<64x128xi32>
      %select_n3A_890 = arith.select %gt3A_886, %broadcast_in_dim3A_889, %select_n3A_877 : vector<64x128xi1>, vector<64x128xi32>
      %get3A_891 = arith.constant 1280 : index
      %get3A_892 = arith.constant 0 : index
      %get3A_893 = vector.load %arg15[%get3A_891, %get3A_892] : memref<4096x128xf32, #tpu.memory_space<vmem>>, vector<64x128xf32>
      %get3A_894 = arith.constant 20 : index
      %get3A_895 = arith.index_cast %multiple_of3A : i32 to index
      %get3A_896 = vector.load %arg14[%get3A_894, %get3A_895] : memref<64x2048xf32, #tpu.memory_space<vmem>>, vector<1x128xf32>
      %add3A_897 = vector.broadcast %get3A_896 : vector<1x128xf32> to vector<64x128xf32>
      %add3A_898 = arith.addf %get3A_893, %add3A_897 : vector<64x128xf32>
      %gt3A_899 = arith.cmpf ogt, %add3A_898, %select_n3A_887 : vector<64x128xf32>
      %select_n3A_900 = arith.select %gt3A_899, %add3A_898, %select_n3A_887 : vector<64x128xi1>, vector<64x128xf32>
      %jit3A_901 = arith.constant 20 : i32
      %broadcast_in_dim3A_902 = vector.broadcast %jit3A_901 : i32 to vector<64x128xi32>
      %select_n3A_903 = arith.select %gt3A_899, %broadcast_in_dim3A_902, %select_n3A_890 : vector<64x128xi1>, vector<64x128xi32>
      %get3A_904 = arith.constant 1344 : index
      %get3A_905 = arith.constant 0 : index
      %get3A_906 = vector.load %arg15[%get3A_904, %get3A_905] : memref<4096x128xf32, #tpu.memory_space<vmem>>, vector<64x128xf32>
      %get3A_907 = arith.constant 21 : index
      %get3A_908 = arith.index_cast %multiple_of3A : i32 to index
      %get3A_909 = vector.load %arg14[%get3A_907, %get3A_908] : memref<64x2048xf32, #tpu.memory_space<vmem>>, vector<1x128xf32>
      %add3A_910 = vector.broadcast %get3A_909 : vector<1x128xf32> to vector<64x128xf32>
      %add3A_911 = arith.addf %get3A_906, %add3A_910 : vector<64x128xf32>
      %gt3A_912 = arith.cmpf ogt, %add3A_911, %select_n3A_900 : vector<64x128xf32>
      %select_n3A_913 = arith.select %gt3A_912, %add3A_911, %select_n3A_900 : vector<64x128xi1>, vector<64x128xf32>
      %jit3A_914 = arith.constant 21 : i32
      %broadcast_in_dim3A_915 = vector.broadcast %jit3A_914 : i32 to vector<64x128xi32>
      %select_n3A_916 = arith.select %gt3A_912, %broadcast_in_dim3A_915, %select_n3A_903 : vector<64x128xi1>, vector<64x128xi32>
      %get3A_917 = arith.constant 1408 : index
      %get3A_918 = arith.constant 0 : index
      %get3A_919 = vector.load %arg15[%get3A_917, %get3A_918] : memref<4096x128xf32, #tpu.memory_space<vmem>>, vector<64x128xf32>
      %get3A_920 = arith.constant 22 : index
      %get3A_921 = arith.index_cast %multiple_of3A : i32 to index
      %get3A_922 = vector.load %arg14[%get3A_920, %get3A_921] : memref<64x2048xf32, #tpu.memory_space<vmem>>, vector<1x128xf32>
      %add3A_923 = vector.broadcast %get3A_922 : vector<1x128xf32> to vector<64x128xf32>
      %add3A_924 = arith.addf %get3A_919, %add3A_923 : vector<64x128xf32>
      %gt3A_925 = arith.cmpf ogt, %add3A_924, %select_n3A_913 : vector<64x128xf32>
      %select_n3A_926 = arith.select %gt3A_925, %add3A_924, %select_n3A_913 : vector<64x128xi1>, vector<64x128xf32>
      %jit3A_927 = arith.constant 22 : i32
      %broadcast_in_dim3A_928 = vector.broadcast %jit3A_927 : i32 to vector<64x128xi32>
      %select_n3A_929 = arith.select %gt3A_925, %broadcast_in_dim3A_928, %select_n3A_916 : vector<64x128xi1>, vector<64x128xi32>
      %get3A_930 = arith.constant 1472 : index
      %get3A_931 = arith.constant 0 : index
      %get3A_932 = vector.load %arg15[%get3A_930, %get3A_931] : memref<4096x128xf32, #tpu.memory_space<vmem>>, vector<64x128xf32>
      %get3A_933 = arith.constant 23 : index
      %get3A_934 = arith.index_cast %multiple_of3A : i32 to index
      %get3A_935 = vector.load %arg14[%get3A_933, %get3A_934] : memref<64x2048xf32, #tpu.memory_space<vmem>>, vector<1x128xf32>
      %add3A_936 = vector.broadcast %get3A_935 : vector<1x128xf32> to vector<64x128xf32>
      %add3A_937 = arith.addf %get3A_932, %add3A_936 : vector<64x128xf32>
      %gt3A_938 = arith.cmpf ogt, %add3A_937, %select_n3A_926 : vector<64x128xf32>
      %select_n3A_939 = arith.select %gt3A_938, %add3A_937, %select_n3A_926 : vector<64x128xi1>, vector<64x128xf32>
      %jit3A_940 = arith.constant 23 : i32
      %broadcast_in_dim3A_941 = vector.broadcast %jit3A_940 : i32 to vector<64x128xi32>
      %select_n3A_942 = arith.select %gt3A_938, %broadcast_in_dim3A_941, %select_n3A_929 : vector<64x128xi1>, vector<64x128xi32>
      %get3A_943 = arith.constant 1536 : index
      %get3A_944 = arith.constant 0 : index
      %get3A_945 = vector.load %arg15[%get3A_943, %get3A_944] : memref<4096x128xf32, #tpu.memory_space<vmem>>, vector<64x128xf32>
      %get3A_946 = arith.constant 24 : index
      %get3A_947 = arith.index_cast %multiple_of3A : i32 to index
      %get3A_948 = vector.load %arg14[%get3A_946, %get3A_947] : memref<64x2048xf32, #tpu.memory_space<vmem>>, vector<1x128xf32>
      %add3A_949 = vector.broadcast %get3A_948 : vector<1x128xf32> to vector<64x128xf32>
      %add3A_950 = arith.addf %get3A_945, %add3A_949 : vector<64x128xf32>
      %gt3A_951 = arith.cmpf ogt, %add3A_950, %select_n3A_939 : vector<64x128xf32>
      %select_n3A_952 = arith.select %gt3A_951, %add3A_950, %select_n3A_939 : vector<64x128xi1>, vector<64x128xf32>
      %jit3A_953 = arith.constant 24 : i32
      %broadcast_in_dim3A_954 = vector.broadcast %jit3A_953 : i32 to vector<64x128xi32>
      %select_n3A_955 = arith.select %gt3A_951, %broadcast_in_dim3A_954, %select_n3A_942 : vector<64x128xi1>, vector<64x128xi32>
      %get3A_956 = arith.constant 1600 : index
      %get3A_957 = arith.constant 0 : index
      %get3A_958 = vector.load %arg15[%get3A_956, %get3A_957] : memref<4096x128xf32, #tpu.memory_space<vmem>>, vector<64x128xf32>
      %get3A_959 = arith.constant 25 : index
      %get3A_960 = arith.index_cast %multiple_of3A : i32 to index
      %get3A_961 = vector.load %arg14[%get3A_959, %get3A_960] : memref<64x2048xf32, #tpu.memory_space<vmem>>, vector<1x128xf32>
      %add3A_962 = vector.broadcast %get3A_961 : vector<1x128xf32> to vector<64x128xf32>
      %add3A_963 = arith.addf %get3A_958, %add3A_962 : vector<64x128xf32>
      %gt3A_964 = arith.cmpf ogt, %add3A_963, %select_n3A_952 : vector<64x128xf32>
      %select_n3A_965 = arith.select %gt3A_964, %add3A_963, %select_n3A_952 : vector<64x128xi1>, vector<64x128xf32>
      %jit3A_966 = arith.constant 25 : i32
      %broadcast_in_dim3A_967 = vector.broadcast %jit3A_966 : i32 to vector<64x128xi32>
      %select_n3A_968 = arith.select %gt3A_964, %broadcast_in_dim3A_967, %select_n3A_955 : vector<64x128xi1>, vector<64x128xi32>
      %get3A_969 = arith.constant 1664 : index
      %get3A_970 = arith.constant 0 : index
      %get3A_971 = vector.load %arg15[%get3A_969, %get3A_970] : memref<4096x128xf32, #tpu.memory_space<vmem>>, vector<64x128xf32>
      %get3A_972 = arith.constant 26 : index
      %get3A_973 = arith.index_cast %multiple_of3A : i32 to index
      %get3A_974 = vector.load %arg14[%get3A_972, %get3A_973] : memref<64x2048xf32, #tpu.memory_space<vmem>>, vector<1x128xf32>
      %add3A_975 = vector.broadcast %get3A_974 : vector<1x128xf32> to vector<64x128xf32>
      %add3A_976 = arith.addf %get3A_971, %add3A_975 : vector<64x128xf32>
      %gt3A_977 = arith.cmpf ogt, %add3A_976, %select_n3A_965 : vector<64x128xf32>
      %select_n3A_978 = arith.select %gt3A_977, %add3A_976, %select_n3A_965 : vector<64x128xi1>, vector<64x128xf32>
      %jit3A_979 = arith.constant 26 : i32
      %broadcast_in_dim3A_980 = vector.broadcast %jit3A_979 : i32 to vector<64x128xi32>
      %select_n3A_981 = arith.select %gt3A_977, %broadcast_in_dim3A_980, %select_n3A_968 : vector<64x128xi1>, vector<64x128xi32>
      %get3A_982 = arith.constant 1728 : index
      %get3A_983 = arith.constant 0 : index
      %get3A_984 = vector.load %arg15[%get3A_982, %get3A_983] : memref<4096x128xf32, #tpu.memory_space<vmem>>, vector<64x128xf32>
      %get3A_985 = arith.constant 27 : index
      %get3A_986 = arith.index_cast %multiple_of3A : i32 to index
      %get3A_987 = vector.load %arg14[%get3A_985, %get3A_986] : memref<64x2048xf32, #tpu.memory_space<vmem>>, vector<1x128xf32>
      %add3A_988 = vector.broadcast %get3A_987 : vector<1x128xf32> to vector<64x128xf32>
      %add3A_989 = arith.addf %get3A_984, %add3A_988 : vector<64x128xf32>
      %gt3A_990 = arith.cmpf ogt, %add3A_989, %select_n3A_978 : vector<64x128xf32>
      %select_n3A_991 = arith.select %gt3A_990, %add3A_989, %select_n3A_978 : vector<64x128xi1>, vector<64x128xf32>
      %jit3A_992 = arith.constant 27 : i32
      %broadcast_in_dim3A_993 = vector.broadcast %jit3A_992 : i32 to vector<64x128xi32>
      %select_n3A_994 = arith.select %gt3A_990, %broadcast_in_dim3A_993, %select_n3A_981 : vector<64x128xi1>, vector<64x128xi32>
      %get3A_995 = arith.constant 1792 : index
      %get3A_996 = arith.constant 0 : index
      %get3A_997 = vector.load %arg15[%get3A_995, %get3A_996] : memref<4096x128xf32, #tpu.memory_space<vmem>>, vector<64x128xf32>
      %get3A_998 = arith.constant 28 : index
      %get3A_999 = arith.index_cast %multiple_of3A : i32 to index
      %get3A_1000 = vector.load %arg14[%get3A_998, %get3A_999] : memref<64x2048xf32, #tpu.memory_space<vmem>>, vector<1x128xf32>
      %add3A_1001 = vector.broadcast %get3A_1000 : vector<1x128xf32> to vector<64x128xf32>
      %add3A_1002 = arith.addf %get3A_997, %add3A_1001 : vector<64x128xf32>
      %gt3A_1003 = arith.cmpf ogt, %add3A_1002, %select_n3A_991 : vector<64x128xf32>
      %select_n3A_1004 = arith.select %gt3A_1003, %add3A_1002, %select_n3A_991 : vector<64x128xi1>, vector<64x128xf32>
      %jit3A_1005 = arith.constant 28 : i32
      %broadcast_in_dim3A_1006 = vector.broadcast %jit3A_1005 : i32 to vector<64x128xi32>
      %select_n3A_1007 = arith.select %gt3A_1003, %broadcast_in_dim3A_1006, %select_n3A_994 : vector<64x128xi1>, vector<64x128xi32>
      %get3A_1008 = arith.constant 1856 : index
      %get3A_1009 = arith.constant 0 : index
      %get3A_1010 = vector.load %arg15[%get3A_1008, %get3A_1009] : memref<4096x128xf32, #tpu.memory_space<vmem>>, vector<64x128xf32>
      %get3A_1011 = arith.constant 29 : index
      %get3A_1012 = arith.index_cast %multiple_of3A : i32 to index
      %get3A_1013 = vector.load %arg14[%get3A_1011, %get3A_1012] : memref<64x2048xf32, #tpu.memory_space<vmem>>, vector<1x128xf32>
      %add3A_1014 = vector.broadcast %get3A_1013 : vector<1x128xf32> to vector<64x128xf32>
      %add3A_1015 = arith.addf %get3A_1010, %add3A_1014 : vector<64x128xf32>
      %gt3A_1016 = arith.cmpf ogt, %add3A_1015, %select_n3A_1004 : vector<64x128xf32>
      %select_n3A_1017 = arith.select %gt3A_1016, %add3A_1015, %select_n3A_1004 : vector<64x128xi1>, vector<64x128xf32>
      %jit3A_1018 = arith.constant 29 : i32
      %broadcast_in_dim3A_1019 = vector.broadcast %jit3A_1018 : i32 to vector<64x128xi32>
      %select_n3A_1020 = arith.select %gt3A_1016, %broadcast_in_dim3A_1019, %select_n3A_1007 : vector<64x128xi1>, vector<64x128xi32>
      %get3A_1021 = arith.constant 1920 : index
      %get3A_1022 = arith.constant 0 : index
      %get3A_1023 = vector.load %arg15[%get3A_1021, %get3A_1022] : memref<4096x128xf32, #tpu.memory_space<vmem>>, vector<64x128xf32>
      %get3A_1024 = arith.constant 30 : index
      %get3A_1025 = arith.index_cast %multiple_of3A : i32 to index
      %get3A_1026 = vector.load %arg14[%get3A_1024, %get3A_1025] : memref<64x2048xf32, #tpu.memory_space<vmem>>, vector<1x128xf32>
      %add3A_1027 = vector.broadcast %get3A_1026 : vector<1x128xf32> to vector<64x128xf32>
      %add3A_1028 = arith.addf %get3A_1023, %add3A_1027 : vector<64x128xf32>
      %gt3A_1029 = arith.cmpf ogt, %add3A_1028, %select_n3A_1017 : vector<64x128xf32>
      %select_n3A_1030 = arith.select %gt3A_1029, %add3A_1028, %select_n3A_1017 : vector<64x128xi1>, vector<64x128xf32>
      %jit3A_1031 = arith.constant 30 : i32
      %broadcast_in_dim3A_1032 = vector.broadcast %jit3A_1031 : i32 to vector<64x128xi32>
      %select_n3A_1033 = arith.select %gt3A_1029, %broadcast_in_dim3A_1032, %select_n3A_1020 : vector<64x128xi1>, vector<64x128xi32>
      %get3A_1034 = arith.constant 1984 : index
      %get3A_1035 = arith.constant 0 : index
      %get3A_1036 = vector.load %arg15[%get3A_1034, %get3A_1035] : memref<4096x128xf32, #tpu.memory_space<vmem>>, vector<64x128xf32>
      %get3A_1037 = arith.constant 31 : index
      %get3A_1038 = arith.index_cast %multiple_of3A : i32 to index
      %get3A_1039 = vector.load %arg14[%get3A_1037, %get3A_1038] : memref<64x2048xf32, #tpu.memory_space<vmem>>, vector<1x128xf32>
      %add3A_1040 = vector.broadcast %get3A_1039 : vector<1x128xf32> to vector<64x128xf32>
      %add3A_1041 = arith.addf %get3A_1036, %add3A_1040 : vector<64x128xf32>
      %gt3A_1042 = arith.cmpf ogt, %add3A_1041, %select_n3A_1030 : vector<64x128xf32>
      %select_n3A_1043 = arith.select %gt3A_1042, %add3A_1041, %select_n3A_1030 : vector<64x128xi1>, vector<64x128xf32>
      %jit3A_1044 = arith.constant 31 : i32
      %broadcast_in_dim3A_1045 = vector.broadcast %jit3A_1044 : i32 to vector<64x128xi32>
      %select_n3A_1046 = arith.select %gt3A_1042, %broadcast_in_dim3A_1045, %select_n3A_1033 : vector<64x128xi1>, vector<64x128xi32>
      %get3A_1047 = arith.constant 2048 : index
      %get3A_1048 = arith.constant 0 : index
      %get3A_1049 = vector.load %arg15[%get3A_1047, %get3A_1048] : memref<4096x128xf32, #tpu.memory_space<vmem>>, vector<64x128xf32>
      %get3A_1050 = arith.constant 32 : index
      %get3A_1051 = arith.index_cast %multiple_of3A : i32 to index
      %get3A_1052 = vector.load %arg14[%get3A_1050, %get3A_1051] : memref<64x2048xf32, #tpu.memory_space<vmem>>, vector<1x128xf32>
      %add3A_1053 = vector.broadcast %get3A_1052 : vector<1x128xf32> to vector<64x128xf32>
      %add3A_1054 = arith.addf %get3A_1049, %add3A_1053 : vector<64x128xf32>
      %gt3A_1055 = arith.cmpf ogt, %add3A_1054, %select_n3A_1043 : vector<64x128xf32>
      %select_n3A_1056 = arith.select %gt3A_1055, %add3A_1054, %select_n3A_1043 : vector<64x128xi1>, vector<64x128xf32>
      %jit3A_1057 = arith.constant 32 : i32
      %broadcast_in_dim3A_1058 = vector.broadcast %jit3A_1057 : i32 to vector<64x128xi32>
      %select_n3A_1059 = arith.select %gt3A_1055, %broadcast_in_dim3A_1058, %select_n3A_1046 : vector<64x128xi1>, vector<64x128xi32>
      %get3A_1060 = arith.constant 2112 : index
      %get3A_1061 = arith.constant 0 : index
      %get3A_1062 = vector.load %arg15[%get3A_1060, %get3A_1061] : memref<4096x128xf32, #tpu.memory_space<vmem>>, vector<64x128xf32>
      %get3A_1063 = arith.constant 33 : index
      %get3A_1064 = arith.index_cast %multiple_of3A : i32 to index
      %get3A_1065 = vector.load %arg14[%get3A_1063, %get3A_1064] : memref<64x2048xf32, #tpu.memory_space<vmem>>, vector<1x128xf32>
      %add3A_1066 = vector.broadcast %get3A_1065 : vector<1x128xf32> to vector<64x128xf32>
      %add3A_1067 = arith.addf %get3A_1062, %add3A_1066 : vector<64x128xf32>
      %gt3A_1068 = arith.cmpf ogt, %add3A_1067, %select_n3A_1056 : vector<64x128xf32>
      %select_n3A_1069 = arith.select %gt3A_1068, %add3A_1067, %select_n3A_1056 : vector<64x128xi1>, vector<64x128xf32>
      %jit3A_1070 = arith.constant 33 : i32
      %broadcast_in_dim3A_1071 = vector.broadcast %jit3A_1070 : i32 to vector<64x128xi32>
      %select_n3A_1072 = arith.select %gt3A_1068, %broadcast_in_dim3A_1071, %select_n3A_1059 : vector<64x128xi1>, vector<64x128xi32>
      %get3A_1073 = arith.constant 2176 : index
      %get3A_1074 = arith.constant 0 : index
      %get3A_1075 = vector.load %arg15[%get3A_1073, %get3A_1074] : memref<4096x128xf32, #tpu.memory_space<vmem>>, vector<64x128xf32>
      %get3A_1076 = arith.constant 34 : index
      %get3A_1077 = arith.index_cast %multiple_of3A : i32 to index
      %get3A_1078 = vector.load %arg14[%get3A_1076, %get3A_1077] : memref<64x2048xf32, #tpu.memory_space<vmem>>, vector<1x128xf32>
      %add3A_1079 = vector.broadcast %get3A_1078 : vector<1x128xf32> to vector<64x128xf32>
      %add3A_1080 = arith.addf %get3A_1075, %add3A_1079 : vector<64x128xf32>
      %gt3A_1081 = arith.cmpf ogt, %add3A_1080, %select_n3A_1069 : vector<64x128xf32>
      %select_n3A_1082 = arith.select %gt3A_1081, %add3A_1080, %select_n3A_1069 : vector<64x128xi1>, vector<64x128xf32>
      %jit3A_1083 = arith.constant 34 : i32
      %broadcast_in_dim3A_1084 = vector.broadcast %jit3A_1083 : i32 to vector<64x128xi32>
      %select_n3A_1085 = arith.select %gt3A_1081, %broadcast_in_dim3A_1084, %select_n3A_1072 : vector<64x128xi1>, vector<64x128xi32>
      %get3A_1086 = arith.constant 2240 : index
      %get3A_1087 = arith.constant 0 : index
      %get3A_1088 = vector.load %arg15[%get3A_1086, %get3A_1087] : memref<4096x128xf32, #tpu.memory_space<vmem>>, vector<64x128xf32>
      %get3A_1089 = arith.constant 35 : index
      %get3A_1090 = arith.index_cast %multiple_of3A : i32 to index
      %get3A_1091 = vector.load %arg14[%get3A_1089, %get3A_1090] : memref<64x2048xf32, #tpu.memory_space<vmem>>, vector<1x128xf32>
      %add3A_1092 = vector.broadcast %get3A_1091 : vector<1x128xf32> to vector<64x128xf32>
      %add3A_1093 = arith.addf %get3A_1088, %add3A_1092 : vector<64x128xf32>
      %gt3A_1094 = arith.cmpf ogt, %add3A_1093, %select_n3A_1082 : vector<64x128xf32>
      %select_n3A_1095 = arith.select %gt3A_1094, %add3A_1093, %select_n3A_1082 : vector<64x128xi1>, vector<64x128xf32>
      %jit3A_1096 = arith.constant 35 : i32
      %broadcast_in_dim3A_1097 = vector.broadcast %jit3A_1096 : i32 to vector<64x128xi32>
      %select_n3A_1098 = arith.select %gt3A_1094, %broadcast_in_dim3A_1097, %select_n3A_1085 : vector<64x128xi1>, vector<64x128xi32>
      %get3A_1099 = arith.constant 2304 : index
      %get3A_1100 = arith.constant 0 : index
      %get3A_1101 = vector.load %arg15[%get3A_1099, %get3A_1100] : memref<4096x128xf32, #tpu.memory_space<vmem>>, vector<64x128xf32>
      %get3A_1102 = arith.constant 36 : index
      %get3A_1103 = arith.index_cast %multiple_of3A : i32 to index
      %get3A_1104 = vector.load %arg14[%get3A_1102, %get3A_1103] : memref<64x2048xf32, #tpu.memory_space<vmem>>, vector<1x128xf32>
      %add3A_1105 = vector.broadcast %get3A_1104 : vector<1x128xf32> to vector<64x128xf32>
      %add3A_1106 = arith.addf %get3A_1101, %add3A_1105 : vector<64x128xf32>
      %gt3A_1107 = arith.cmpf ogt, %add3A_1106, %select_n3A_1095 : vector<64x128xf32>
      %select_n3A_1108 = arith.select %gt3A_1107, %add3A_1106, %select_n3A_1095 : vector<64x128xi1>, vector<64x128xf32>
      %jit3A_1109 = arith.constant 36 : i32
      %broadcast_in_dim3A_1110 = vector.broadcast %jit3A_1109 : i32 to vector<64x128xi32>
      %select_n3A_1111 = arith.select %gt3A_1107, %broadcast_in_dim3A_1110, %select_n3A_1098 : vector<64x128xi1>, vector<64x128xi32>
      %get3A_1112 = arith.constant 2368 : index
      %get3A_1113 = arith.constant 0 : index
      %get3A_1114 = vector.load %arg15[%get3A_1112, %get3A_1113] : memref<4096x128xf32, #tpu.memory_space<vmem>>, vector<64x128xf32>
      %get3A_1115 = arith.constant 37 : index
      %get3A_1116 = arith.index_cast %multiple_of3A : i32 to index
      %get3A_1117 = vector.load %arg14[%get3A_1115, %get3A_1116] : memref<64x2048xf32, #tpu.memory_space<vmem>>, vector<1x128xf32>
      %add3A_1118 = vector.broadcast %get3A_1117 : vector<1x128xf32> to vector<64x128xf32>
      %add3A_1119 = arith.addf %get3A_1114, %add3A_1118 : vector<64x128xf32>
      %gt3A_1120 = arith.cmpf ogt, %add3A_1119, %select_n3A_1108 : vector<64x128xf32>
      %select_n3A_1121 = arith.select %gt3A_1120, %add3A_1119, %select_n3A_1108 : vector<64x128xi1>, vector<64x128xf32>
      %jit3A_1122 = arith.constant 37 : i32
      %broadcast_in_dim3A_1123 = vector.broadcast %jit3A_1122 : i32 to vector<64x128xi32>
      %select_n3A_1124 = arith.select %gt3A_1120, %broadcast_in_dim3A_1123, %select_n3A_1111 : vector<64x128xi1>, vector<64x128xi32>
      %get3A_1125 = arith.constant 2432 : index
      %get3A_1126 = arith.constant 0 : index
      %get3A_1127 = vector.load %arg15[%get3A_1125, %get3A_1126] : memref<4096x128xf32, #tpu.memory_space<vmem>>, vector<64x128xf32>
      %get3A_1128 = arith.constant 38 : index
      %get3A_1129 = arith.index_cast %multiple_of3A : i32 to index
      %get3A_1130 = vector.load %arg14[%get3A_1128, %get3A_1129] : memref<64x2048xf32, #tpu.memory_space<vmem>>, vector<1x128xf32>
      %add3A_1131 = vector.broadcast %get3A_1130 : vector<1x128xf32> to vector<64x128xf32>
      %add3A_1132 = arith.addf %get3A_1127, %add3A_1131 : vector<64x128xf32>
      %gt3A_1133 = arith.cmpf ogt, %add3A_1132, %select_n3A_1121 : vector<64x128xf32>
      %select_n3A_1134 = arith.select %gt3A_1133, %add3A_1132, %select_n3A_1121 : vector<64x128xi1>, vector<64x128xf32>
      %jit3A_1135 = arith.constant 38 : i32
      %broadcast_in_dim3A_1136 = vector.broadcast %jit3A_1135 : i32 to vector<64x128xi32>
      %select_n3A_1137 = arith.select %gt3A_1133, %broadcast_in_dim3A_1136, %select_n3A_1124 : vector<64x128xi1>, vector<64x128xi32>
      %get3A_1138 = arith.constant 2496 : index
      %get3A_1139 = arith.constant 0 : index
      %get3A_1140 = vector.load %arg15[%get3A_1138, %get3A_1139] : memref<4096x128xf32, #tpu.memory_space<vmem>>, vector<64x128xf32>
      %get3A_1141 = arith.constant 39 : index
      %get3A_1142 = arith.index_cast %multiple_of3A : i32 to index
      %get3A_1143 = vector.load %arg14[%get3A_1141, %get3A_1142] : memref<64x2048xf32, #tpu.memory_space<vmem>>, vector<1x128xf32>
      %add3A_1144 = vector.broadcast %get3A_1143 : vector<1x128xf32> to vector<64x128xf32>
      %add3A_1145 = arith.addf %get3A_1140, %add3A_1144 : vector<64x128xf32>
      %gt3A_1146 = arith.cmpf ogt, %add3A_1145, %select_n3A_1134 : vector<64x128xf32>
      %select_n3A_1147 = arith.select %gt3A_1146, %add3A_1145, %select_n3A_1134 : vector<64x128xi1>, vector<64x128xf32>
      %jit3A_1148 = arith.constant 39 : i32
      %broadcast_in_dim3A_1149 = vector.broadcast %jit3A_1148 : i32 to vector<64x128xi32>
      %select_n3A_1150 = arith.select %gt3A_1146, %broadcast_in_dim3A_1149, %select_n3A_1137 : vector<64x128xi1>, vector<64x128xi32>
      %get3A_1151 = arith.constant 2560 : index
      %get3A_1152 = arith.constant 0 : index
      %get3A_1153 = vector.load %arg15[%get3A_1151, %get3A_1152] : memref<4096x128xf32, #tpu.memory_space<vmem>>, vector<64x128xf32>
      %get3A_1154 = arith.constant 40 : index
      %get3A_1155 = arith.index_cast %multiple_of3A : i32 to index
      %get3A_1156 = vector.load %arg14[%get3A_1154, %get3A_1155] : memref<64x2048xf32, #tpu.memory_space<vmem>>, vector<1x128xf32>
      %add3A_1157 = vector.broadcast %get3A_1156 : vector<1x128xf32> to vector<64x128xf32>
      %add3A_1158 = arith.addf %get3A_1153, %add3A_1157 : vector<64x128xf32>
      %gt3A_1159 = arith.cmpf ogt, %add3A_1158, %select_n3A_1147 : vector<64x128xf32>
      %select_n3A_1160 = arith.select %gt3A_1159, %add3A_1158, %select_n3A_1147 : vector<64x128xi1>, vector<64x128xf32>
      %jit3A_1161 = arith.constant 40 : i32
      %broadcast_in_dim3A_1162 = vector.broadcast %jit3A_1161 : i32 to vector<64x128xi32>
      %select_n3A_1163 = arith.select %gt3A_1159, %broadcast_in_dim3A_1162, %select_n3A_1150 : vector<64x128xi1>, vector<64x128xi32>
      %get3A_1164 = arith.constant 2624 : index
      %get3A_1165 = arith.constant 0 : index
      %get3A_1166 = vector.load %arg15[%get3A_1164, %get3A_1165] : memref<4096x128xf32, #tpu.memory_space<vmem>>, vector<64x128xf32>
      %get3A_1167 = arith.constant 41 : index
      %get3A_1168 = arith.index_cast %multiple_of3A : i32 to index
      %get3A_1169 = vector.load %arg14[%get3A_1167, %get3A_1168] : memref<64x2048xf32, #tpu.memory_space<vmem>>, vector<1x128xf32>
      %add3A_1170 = vector.broadcast %get3A_1169 : vector<1x128xf32> to vector<64x128xf32>
      %add3A_1171 = arith.addf %get3A_1166, %add3A_1170 : vector<64x128xf32>
      %gt3A_1172 = arith.cmpf ogt, %add3A_1171, %select_n3A_1160 : vector<64x128xf32>
      %select_n3A_1173 = arith.select %gt3A_1172, %add3A_1171, %select_n3A_1160 : vector<64x128xi1>, vector<64x128xf32>
      %jit3A_1174 = arith.constant 41 : i32
      %broadcast_in_dim3A_1175 = vector.broadcast %jit3A_1174 : i32 to vector<64x128xi32>
      %select_n3A_1176 = arith.select %gt3A_1172, %broadcast_in_dim3A_1175, %select_n3A_1163 : vector<64x128xi1>, vector<64x128xi32>
      %get3A_1177 = arith.constant 2688 : index
      %get3A_1178 = arith.constant 0 : index
      %get3A_1179 = vector.load %arg15[%get3A_1177, %get3A_1178] : memref<4096x128xf32, #tpu.memory_space<vmem>>, vector<64x128xf32>
      %get3A_1180 = arith.constant 42 : index
      %get3A_1181 = arith.index_cast %multiple_of3A : i32 to index
      %get3A_1182 = vector.load %arg14[%get3A_1180, %get3A_1181] : memref<64x2048xf32, #tpu.memory_space<vmem>>, vector<1x128xf32>
      %add3A_1183 = vector.broadcast %get3A_1182 : vector<1x128xf32> to vector<64x128xf32>
      %add3A_1184 = arith.addf %get3A_1179, %add3A_1183 : vector<64x128xf32>
      %gt3A_1185 = arith.cmpf ogt, %add3A_1184, %select_n3A_1173 : vector<64x128xf32>
      %select_n3A_1186 = arith.select %gt3A_1185, %add3A_1184, %select_n3A_1173 : vector<64x128xi1>, vector<64x128xf32>
      %jit3A_1187 = arith.constant 42 : i32
      %broadcast_in_dim3A_1188 = vector.broadcast %jit3A_1187 : i32 to vector<64x128xi32>
      %select_n3A_1189 = arith.select %gt3A_1185, %broadcast_in_dim3A_1188, %select_n3A_1176 : vector<64x128xi1>, vector<64x128xi32>
      %get3A_1190 = arith.constant 2752 : index
      %get3A_1191 = arith.constant 0 : index
      %get3A_1192 = vector.load %arg15[%get3A_1190, %get3A_1191] : memref<4096x128xf32, #tpu.memory_space<vmem>>, vector<64x128xf32>
      %get3A_1193 = arith.constant 43 : index
      %get3A_1194 = arith.index_cast %multiple_of3A : i32 to index
      %get3A_1195 = vector.load %arg14[%get3A_1193, %get3A_1194] : memref<64x2048xf32, #tpu.memory_space<vmem>>, vector<1x128xf32>
      %add3A_1196 = vector.broadcast %get3A_1195 : vector<1x128xf32> to vector<64x128xf32>
      %add3A_1197 = arith.addf %get3A_1192, %add3A_1196 : vector<64x128xf32>
      %gt3A_1198 = arith.cmpf ogt, %add3A_1197, %select_n3A_1186 : vector<64x128xf32>
      %select_n3A_1199 = arith.select %gt3A_1198, %add3A_1197, %select_n3A_1186 : vector<64x128xi1>, vector<64x128xf32>
      %jit3A_1200 = arith.constant 43 : i32
      %broadcast_in_dim3A_1201 = vector.broadcast %jit3A_1200 : i32 to vector<64x128xi32>
      %select_n3A_1202 = arith.select %gt3A_1198, %broadcast_in_dim3A_1201, %select_n3A_1189 : vector<64x128xi1>, vector<64x128xi32>
      %get3A_1203 = arith.constant 2816 : index
      %get3A_1204 = arith.constant 0 : index
      %get3A_1205 = vector.load %arg15[%get3A_1203, %get3A_1204] : memref<4096x128xf32, #tpu.memory_space<vmem>>, vector<64x128xf32>
      %get3A_1206 = arith.constant 44 : index
      %get3A_1207 = arith.index_cast %multiple_of3A : i32 to index
      %get3A_1208 = vector.load %arg14[%get3A_1206, %get3A_1207] : memref<64x2048xf32, #tpu.memory_space<vmem>>, vector<1x128xf32>
      %add3A_1209 = vector.broadcast %get3A_1208 : vector<1x128xf32> to vector<64x128xf32>
      %add3A_1210 = arith.addf %get3A_1205, %add3A_1209 : vector<64x128xf32>
      %gt3A_1211 = arith.cmpf ogt, %add3A_1210, %select_n3A_1199 : vector<64x128xf32>
      %select_n3A_1212 = arith.select %gt3A_1211, %add3A_1210, %select_n3A_1199 : vector<64x128xi1>, vector<64x128xf32>
      %jit3A_1213 = arith.constant 44 : i32
      %broadcast_in_dim3A_1214 = vector.broadcast %jit3A_1213 : i32 to vector<64x128xi32>
      %select_n3A_1215 = arith.select %gt3A_1211, %broadcast_in_dim3A_1214, %select_n3A_1202 : vector<64x128xi1>, vector<64x128xi32>
      %get3A_1216 = arith.constant 2880 : index
      %get3A_1217 = arith.constant 0 : index
      %get3A_1218 = vector.load %arg15[%get3A_1216, %get3A_1217] : memref<4096x128xf32, #tpu.memory_space<vmem>>, vector<64x128xf32>
      %get3A_1219 = arith.constant 45 : index
      %get3A_1220 = arith.index_cast %multiple_of3A : i32 to index
      %get3A_1221 = vector.load %arg14[%get3A_1219, %get3A_1220] : memref<64x2048xf32, #tpu.memory_space<vmem>>, vector<1x128xf32>
      %add3A_1222 = vector.broadcast %get3A_1221 : vector<1x128xf32> to vector<64x128xf32>
      %add3A_1223 = arith.addf %get3A_1218, %add3A_1222 : vector<64x128xf32>
      %gt3A_1224 = arith.cmpf ogt, %add3A_1223, %select_n3A_1212 : vector<64x128xf32>
      %select_n3A_1225 = arith.select %gt3A_1224, %add3A_1223, %select_n3A_1212 : vector<64x128xi1>, vector<64x128xf32>
      %jit3A_1226 = arith.constant 45 : i32
      %broadcast_in_dim3A_1227 = vector.broadcast %jit3A_1226 : i32 to vector<64x128xi32>
      %select_n3A_1228 = arith.select %gt3A_1224, %broadcast_in_dim3A_1227, %select_n3A_1215 : vector<64x128xi1>, vector<64x128xi32>
      %get3A_1229 = arith.constant 2944 : index
      %get3A_1230 = arith.constant 0 : index
      %get3A_1231 = vector.load %arg15[%get3A_1229, %get3A_1230] : memref<4096x128xf32, #tpu.memory_space<vmem>>, vector<64x128xf32>
      %get3A_1232 = arith.constant 46 : index
      %get3A_1233 = arith.index_cast %multiple_of3A : i32 to index
      %get3A_1234 = vector.load %arg14[%get3A_1232, %get3A_1233] : memref<64x2048xf32, #tpu.memory_space<vmem>>, vector<1x128xf32>
      %add3A_1235 = vector.broadcast %get3A_1234 : vector<1x128xf32> to vector<64x128xf32>
      %add3A_1236 = arith.addf %get3A_1231, %add3A_1235 : vector<64x128xf32>
      %gt3A_1237 = arith.cmpf ogt, %add3A_1236, %select_n3A_1225 : vector<64x128xf32>
      %select_n3A_1238 = arith.select %gt3A_1237, %add3A_1236, %select_n3A_1225 : vector<64x128xi1>, vector<64x128xf32>
      %jit3A_1239 = arith.constant 46 : i32
      %broadcast_in_dim3A_1240 = vector.broadcast %jit3A_1239 : i32 to vector<64x128xi32>
      %select_n3A_1241 = arith.select %gt3A_1237, %broadcast_in_dim3A_1240, %select_n3A_1228 : vector<64x128xi1>, vector<64x128xi32>
      %get3A_1242 = arith.constant 3008 : index
      %get3A_1243 = arith.constant 0 : index
      %get3A_1244 = vector.load %arg15[%get3A_1242, %get3A_1243] : memref<4096x128xf32, #tpu.memory_space<vmem>>, vector<64x128xf32>
      %get3A_1245 = arith.constant 47 : index
      %get3A_1246 = arith.index_cast %multiple_of3A : i32 to index
      %get3A_1247 = vector.load %arg14[%get3A_1245, %get3A_1246] : memref<64x2048xf32, #tpu.memory_space<vmem>>, vector<1x128xf32>
      %add3A_1248 = vector.broadcast %get3A_1247 : vector<1x128xf32> to vector<64x128xf32>
      %add3A_1249 = arith.addf %get3A_1244, %add3A_1248 : vector<64x128xf32>
      %gt3A_1250 = arith.cmpf ogt, %add3A_1249, %select_n3A_1238 : vector<64x128xf32>
      %select_n3A_1251 = arith.select %gt3A_1250, %add3A_1249, %select_n3A_1238 : vector<64x128xi1>, vector<64x128xf32>
      %jit3A_1252 = arith.constant 47 : i32
      %broadcast_in_dim3A_1253 = vector.broadcast %jit3A_1252 : i32 to vector<64x128xi32>
      %select_n3A_1254 = arith.select %gt3A_1250, %broadcast_in_dim3A_1253, %select_n3A_1241 : vector<64x128xi1>, vector<64x128xi32>
      %get3A_1255 = arith.constant 3072 : index
      %get3A_1256 = arith.constant 0 : index
      %get3A_1257 = vector.load %arg15[%get3A_1255, %get3A_1256] : memref<4096x128xf32, #tpu.memory_space<vmem>>, vector<64x128xf32>
      %get3A_1258 = arith.constant 48 : index
      %get3A_1259 = arith.index_cast %multiple_of3A : i32 to index
      %get3A_1260 = vector.load %arg14[%get3A_1258, %get3A_1259] : memref<64x2048xf32, #tpu.memory_space<vmem>>, vector<1x128xf32>
      %add3A_1261 = vector.broadcast %get3A_1260 : vector<1x128xf32> to vector<64x128xf32>
      %add3A_1262 = arith.addf %get3A_1257, %add3A_1261 : vector<64x128xf32>
      %gt3A_1263 = arith.cmpf ogt, %add3A_1262, %select_n3A_1251 : vector<64x128xf32>
      %select_n3A_1264 = arith.select %gt3A_1263, %add3A_1262, %select_n3A_1251 : vector<64x128xi1>, vector<64x128xf32>
      %jit3A_1265 = arith.constant 48 : i32
      %broadcast_in_dim3A_1266 = vector.broadcast %jit3A_1265 : i32 to vector<64x128xi32>
      %select_n3A_1267 = arith.select %gt3A_1263, %broadcast_in_dim3A_1266, %select_n3A_1254 : vector<64x128xi1>, vector<64x128xi32>
      %get3A_1268 = arith.constant 3136 : index
      %get3A_1269 = arith.constant 0 : index
      %get3A_1270 = vector.load %arg15[%get3A_1268, %get3A_1269] : memref<4096x128xf32, #tpu.memory_space<vmem>>, vector<64x128xf32>
      %get3A_1271 = arith.constant 49 : index
      %get3A_1272 = arith.index_cast %multiple_of3A : i32 to index
      %get3A_1273 = vector.load %arg14[%get3A_1271, %get3A_1272] : memref<64x2048xf32, #tpu.memory_space<vmem>>, vector<1x128xf32>
      %add3A_1274 = vector.broadcast %get3A_1273 : vector<1x128xf32> to vector<64x128xf32>
      %add3A_1275 = arith.addf %get3A_1270, %add3A_1274 : vector<64x128xf32>
      %gt3A_1276 = arith.cmpf ogt, %add3A_1275, %select_n3A_1264 : vector<64x128xf32>
      %select_n3A_1277 = arith.select %gt3A_1276, %add3A_1275, %select_n3A_1264 : vector<64x128xi1>, vector<64x128xf32>
      %jit3A_1278 = arith.constant 49 : i32
      %broadcast_in_dim3A_1279 = vector.broadcast %jit3A_1278 : i32 to vector<64x128xi32>
      %select_n3A_1280 = arith.select %gt3A_1276, %broadcast_in_dim3A_1279, %select_n3A_1267 : vector<64x128xi1>, vector<64x128xi32>
      %get3A_1281 = arith.constant 3200 : index
      %get3A_1282 = arith.constant 0 : index
      %get3A_1283 = vector.load %arg15[%get3A_1281, %get3A_1282] : memref<4096x128xf32, #tpu.memory_space<vmem>>, vector<64x128xf32>
      %get3A_1284 = arith.constant 50 : index
      %get3A_1285 = arith.index_cast %multiple_of3A : i32 to index
      %get3A_1286 = vector.load %arg14[%get3A_1284, %get3A_1285] : memref<64x2048xf32, #tpu.memory_space<vmem>>, vector<1x128xf32>
      %add3A_1287 = vector.broadcast %get3A_1286 : vector<1x128xf32> to vector<64x128xf32>
      %add3A_1288 = arith.addf %get3A_1283, %add3A_1287 : vector<64x128xf32>
      %gt3A_1289 = arith.cmpf ogt, %add3A_1288, %select_n3A_1277 : vector<64x128xf32>
      %select_n3A_1290 = arith.select %gt3A_1289, %add3A_1288, %select_n3A_1277 : vector<64x128xi1>, vector<64x128xf32>
      %jit3A_1291 = arith.constant 50 : i32
      %broadcast_in_dim3A_1292 = vector.broadcast %jit3A_1291 : i32 to vector<64x128xi32>
      %select_n3A_1293 = arith.select %gt3A_1289, %broadcast_in_dim3A_1292, %select_n3A_1280 : vector<64x128xi1>, vector<64x128xi32>
      %get3A_1294 = arith.constant 3264 : index
      %get3A_1295 = arith.constant 0 : index
      %get3A_1296 = vector.load %arg15[%get3A_1294, %get3A_1295] : memref<4096x128xf32, #tpu.memory_space<vmem>>, vector<64x128xf32>
      %get3A_1297 = arith.constant 51 : index
      %get3A_1298 = arith.index_cast %multiple_of3A : i32 to index
      %get3A_1299 = vector.load %arg14[%get3A_1297, %get3A_1298] : memref<64x2048xf32, #tpu.memory_space<vmem>>, vector<1x128xf32>
      %add3A_1300 = vector.broadcast %get3A_1299 : vector<1x128xf32> to vector<64x128xf32>
      %add3A_1301 = arith.addf %get3A_1296, %add3A_1300 : vector<64x128xf32>
      %gt3A_1302 = arith.cmpf ogt, %add3A_1301, %select_n3A_1290 : vector<64x128xf32>
      %select_n3A_1303 = arith.select %gt3A_1302, %add3A_1301, %select_n3A_1290 : vector<64x128xi1>, vector<64x128xf32>
      %jit3A_1304 = arith.constant 51 : i32
      %broadcast_in_dim3A_1305 = vector.broadcast %jit3A_1304 : i32 to vector<64x128xi32>
      %select_n3A_1306 = arith.select %gt3A_1302, %broadcast_in_dim3A_1305, %select_n3A_1293 : vector<64x128xi1>, vector<64x128xi32>
      %get3A_1307 = arith.constant 3328 : index
      %get3A_1308 = arith.constant 0 : index
      %get3A_1309 = vector.load %arg15[%get3A_1307, %get3A_1308] : memref<4096x128xf32, #tpu.memory_space<vmem>>, vector<64x128xf32>
      %get3A_1310 = arith.constant 52 : index
      %get3A_1311 = arith.index_cast %multiple_of3A : i32 to index
      %get3A_1312 = vector.load %arg14[%get3A_1310, %get3A_1311] : memref<64x2048xf32, #tpu.memory_space<vmem>>, vector<1x128xf32>
      %add3A_1313 = vector.broadcast %get3A_1312 : vector<1x128xf32> to vector<64x128xf32>
      %add3A_1314 = arith.addf %get3A_1309, %add3A_1313 : vector<64x128xf32>
      %gt3A_1315 = arith.cmpf ogt, %add3A_1314, %select_n3A_1303 : vector<64x128xf32>
      %select_n3A_1316 = arith.select %gt3A_1315, %add3A_1314, %select_n3A_1303 : vector<64x128xi1>, vector<64x128xf32>
      %jit3A_1317 = arith.constant 52 : i32
      %broadcast_in_dim3A_1318 = vector.broadcast %jit3A_1317 : i32 to vector<64x128xi32>
      %select_n3A_1319 = arith.select %gt3A_1315, %broadcast_in_dim3A_1318, %select_n3A_1306 : vector<64x128xi1>, vector<64x128xi32>
      %get3A_1320 = arith.constant 3392 : index
      %get3A_1321 = arith.constant 0 : index
      %get3A_1322 = vector.load %arg15[%get3A_1320, %get3A_1321] : memref<4096x128xf32, #tpu.memory_space<vmem>>, vector<64x128xf32>
      %get3A_1323 = arith.constant 53 : index
      %get3A_1324 = arith.index_cast %multiple_of3A : i32 to index
      %get3A_1325 = vector.load %arg14[%get3A_1323, %get3A_1324] : memref<64x2048xf32, #tpu.memory_space<vmem>>, vector<1x128xf32>
      %add3A_1326 = vector.broadcast %get3A_1325 : vector<1x128xf32> to vector<64x128xf32>
      %add3A_1327 = arith.addf %get3A_1322, %add3A_1326 : vector<64x128xf32>
      %gt3A_1328 = arith.cmpf ogt, %add3A_1327, %select_n3A_1316 : vector<64x128xf32>
      %select_n3A_1329 = arith.select %gt3A_1328, %add3A_1327, %select_n3A_1316 : vector<64x128xi1>, vector<64x128xf32>
      %jit3A_1330 = arith.constant 53 : i32
      %broadcast_in_dim3A_1331 = vector.broadcast %jit3A_1330 : i32 to vector<64x128xi32>
      %select_n3A_1332 = arith.select %gt3A_1328, %broadcast_in_dim3A_1331, %select_n3A_1319 : vector<64x128xi1>, vector<64x128xi32>
      %get3A_1333 = arith.constant 3456 : index
      %get3A_1334 = arith.constant 0 : index
      %get3A_1335 = vector.load %arg15[%get3A_1333, %get3A_1334] : memref<4096x128xf32, #tpu.memory_space<vmem>>, vector<64x128xf32>
      %get3A_1336 = arith.constant 54 : index
      %get3A_1337 = arith.index_cast %multiple_of3A : i32 to index
      %get3A_1338 = vector.load %arg14[%get3A_1336, %get3A_1337] : memref<64x2048xf32, #tpu.memory_space<vmem>>, vector<1x128xf32>
      %add3A_1339 = vector.broadcast %get3A_1338 : vector<1x128xf32> to vector<64x128xf32>
      %add3A_1340 = arith.addf %get3A_1335, %add3A_1339 : vector<64x128xf32>
      %gt3A_1341 = arith.cmpf ogt, %add3A_1340, %select_n3A_1329 : vector<64x128xf32>
      %select_n3A_1342 = arith.select %gt3A_1341, %add3A_1340, %select_n3A_1329 : vector<64x128xi1>, vector<64x128xf32>
      %jit3A_1343 = arith.constant 54 : i32
      %broadcast_in_dim3A_1344 = vector.broadcast %jit3A_1343 : i32 to vector<64x128xi32>
      %select_n3A_1345 = arith.select %gt3A_1341, %broadcast_in_dim3A_1344, %select_n3A_1332 : vector<64x128xi1>, vector<64x128xi32>
      %get3A_1346 = arith.constant 3520 : index
      %get3A_1347 = arith.constant 0 : index
      %get3A_1348 = vector.load %arg15[%get3A_1346, %get3A_1347] : memref<4096x128xf32, #tpu.memory_space<vmem>>, vector<64x128xf32>
      %get3A_1349 = arith.constant 55 : index
      %get3A_1350 = arith.index_cast %multiple_of3A : i32 to index
      %get3A_1351 = vector.load %arg14[%get3A_1349, %get3A_1350] : memref<64x2048xf32, #tpu.memory_space<vmem>>, vector<1x128xf32>
      %add3A_1352 = vector.broadcast %get3A_1351 : vector<1x128xf32> to vector<64x128xf32>
      %add3A_1353 = arith.addf %get3A_1348, %add3A_1352 : vector<64x128xf32>
      %gt3A_1354 = arith.cmpf ogt, %add3A_1353, %select_n3A_1342 : vector<64x128xf32>
      %select_n3A_1355 = arith.select %gt3A_1354, %add3A_1353, %select_n3A_1342 : vector<64x128xi1>, vector<64x128xf32>
      %jit3A_1356 = arith.constant 55 : i32
      %broadcast_in_dim3A_1357 = vector.broadcast %jit3A_1356 : i32 to vector<64x128xi32>
      %select_n3A_1358 = arith.select %gt3A_1354, %broadcast_in_dim3A_1357, %select_n3A_1345 : vector<64x128xi1>, vector<64x128xi32>
      %get3A_1359 = arith.constant 3584 : index
      %get3A_1360 = arith.constant 0 : index
      %get3A_1361 = vector.load %arg15[%get3A_1359, %get3A_1360] : memref<4096x128xf32, #tpu.memory_space<vmem>>, vector<64x128xf32>
      %get3A_1362 = arith.constant 56 : index
      %get3A_1363 = arith.index_cast %multiple_of3A : i32 to index
      %get3A_1364 = vector.load %arg14[%get3A_1362, %get3A_1363] : memref<64x2048xf32, #tpu.memory_space<vmem>>, vector<1x128xf32>
      %add3A_1365 = vector.broadcast %get3A_1364 : vector<1x128xf32> to vector<64x128xf32>
      %add3A_1366 = arith.addf %get3A_1361, %add3A_1365 : vector<64x128xf32>
      %gt3A_1367 = arith.cmpf ogt, %add3A_1366, %select_n3A_1355 : vector<64x128xf32>
      %select_n3A_1368 = arith.select %gt3A_1367, %add3A_1366, %select_n3A_1355 : vector<64x128xi1>, vector<64x128xf32>
      %jit3A_1369 = arith.constant 56 : i32
      %broadcast_in_dim3A_1370 = vector.broadcast %jit3A_1369 : i32 to vector<64x128xi32>
      %select_n3A_1371 = arith.select %gt3A_1367, %broadcast_in_dim3A_1370, %select_n3A_1358 : vector<64x128xi1>, vector<64x128xi32>
      %get3A_1372 = arith.constant 3648 : index
      %get3A_1373 = arith.constant 0 : index
      %get3A_1374 = vector.load %arg15[%get3A_1372, %get3A_1373] : memref<4096x128xf32, #tpu.memory_space<vmem>>, vector<64x128xf32>
      %get3A_1375 = arith.constant 57 : index
      %get3A_1376 = arith.index_cast %multiple_of3A : i32 to index
      %get3A_1377 = vector.load %arg14[%get3A_1375, %get3A_1376] : memref<64x2048xf32, #tpu.memory_space<vmem>>, vector<1x128xf32>
      %add3A_1378 = vector.broadcast %get3A_1377 : vector<1x128xf32> to vector<64x128xf32>
      %add3A_1379 = arith.addf %get3A_1374, %add3A_1378 : vector<64x128xf32>
      %gt3A_1380 = arith.cmpf ogt, %add3A_1379, %select_n3A_1368 : vector<64x128xf32>
      %select_n3A_1381 = arith.select %gt3A_1380, %add3A_1379, %select_n3A_1368 : vector<64x128xi1>, vector<64x128xf32>
      %jit3A_1382 = arith.constant 57 : i32
      %broadcast_in_dim3A_1383 = vector.broadcast %jit3A_1382 : i32 to vector<64x128xi32>
      %select_n3A_1384 = arith.select %gt3A_1380, %broadcast_in_dim3A_1383, %select_n3A_1371 : vector<64x128xi1>, vector<64x128xi32>
      %get3A_1385 = arith.constant 3712 : index
      %get3A_1386 = arith.constant 0 : index
      %get3A_1387 = vector.load %arg15[%get3A_1385, %get3A_1386] : memref<4096x128xf32, #tpu.memory_space<vmem>>, vector<64x128xf32>
      %get3A_1388 = arith.constant 58 : index
      %get3A_1389 = arith.index_cast %multiple_of3A : i32 to index
      %get3A_1390 = vector.load %arg14[%get3A_1388, %get3A_1389] : memref<64x2048xf32, #tpu.memory_space<vmem>>, vector<1x128xf32>
      %add3A_1391 = vector.broadcast %get3A_1390 : vector<1x128xf32> to vector<64x128xf32>
      %add3A_1392 = arith.addf %get3A_1387, %add3A_1391 : vector<64x128xf32>
      %gt3A_1393 = arith.cmpf ogt, %add3A_1392, %select_n3A_1381 : vector<64x128xf32>
      %select_n3A_1394 = arith.select %gt3A_1393, %add3A_1392, %select_n3A_1381 : vector<64x128xi1>, vector<64x128xf32>
      %jit3A_1395 = arith.constant 58 : i32
      %broadcast_in_dim3A_1396 = vector.broadcast %jit3A_1395 : i32 to vector<64x128xi32>
      %select_n3A_1397 = arith.select %gt3A_1393, %broadcast_in_dim3A_1396, %select_n3A_1384 : vector<64x128xi1>, vector<64x128xi32>
      %get3A_1398 = arith.constant 3776 : index
      %get3A_1399 = arith.constant 0 : index
      %get3A_1400 = vector.load %arg15[%get3A_1398, %get3A_1399] : memref<4096x128xf32, #tpu.memory_space<vmem>>, vector<64x128xf32>
      %get3A_1401 = arith.constant 59 : index
      %get3A_1402 = arith.index_cast %multiple_of3A : i32 to index
      %get3A_1403 = vector.load %arg14[%get3A_1401, %get3A_1402] : memref<64x2048xf32, #tpu.memory_space<vmem>>, vector<1x128xf32>
      %add3A_1404 = vector.broadcast %get3A_1403 : vector<1x128xf32> to vector<64x128xf32>
      %add3A_1405 = arith.addf %get3A_1400, %add3A_1404 : vector<64x128xf32>
      %gt3A_1406 = arith.cmpf ogt, %add3A_1405, %select_n3A_1394 : vector<64x128xf32>
      %select_n3A_1407 = arith.select %gt3A_1406, %add3A_1405, %select_n3A_1394 : vector<64x128xi1>, vector<64x128xf32>
      %jit3A_1408 = arith.constant 59 : i32
      %broadcast_in_dim3A_1409 = vector.broadcast %jit3A_1408 : i32 to vector<64x128xi32>
      %select_n3A_1410 = arith.select %gt3A_1406, %broadcast_in_dim3A_1409, %select_n3A_1397 : vector<64x128xi1>, vector<64x128xi32>
      %get3A_1411 = arith.constant 3840 : index
      %get3A_1412 = arith.constant 0 : index
      %get3A_1413 = vector.load %arg15[%get3A_1411, %get3A_1412] : memref<4096x128xf32, #tpu.memory_space<vmem>>, vector<64x128xf32>
      %get3A_1414 = arith.constant 60 : index
      %get3A_1415 = arith.index_cast %multiple_of3A : i32 to index
      %get3A_1416 = vector.load %arg14[%get3A_1414, %get3A_1415] : memref<64x2048xf32, #tpu.memory_space<vmem>>, vector<1x128xf32>
      %add3A_1417 = vector.broadcast %get3A_1416 : vector<1x128xf32> to vector<64x128xf32>
      %add3A_1418 = arith.addf %get3A_1413, %add3A_1417 : vector<64x128xf32>
      %gt3A_1419 = arith.cmpf ogt, %add3A_1418, %select_n3A_1407 : vector<64x128xf32>
      %select_n3A_1420 = arith.select %gt3A_1419, %add3A_1418, %select_n3A_1407 : vector<64x128xi1>, vector<64x128xf32>
      %jit3A_1421 = arith.constant 60 : i32
      %broadcast_in_dim3A_1422 = vector.broadcast %jit3A_1421 : i32 to vector<64x128xi32>
      %select_n3A_1423 = arith.select %gt3A_1419, %broadcast_in_dim3A_1422, %select_n3A_1410 : vector<64x128xi1>, vector<64x128xi32>
      %get3A_1424 = arith.constant 3904 : index
      %get3A_1425 = arith.constant 0 : index
      %get3A_1426 = vector.load %arg15[%get3A_1424, %get3A_1425] : memref<4096x128xf32, #tpu.memory_space<vmem>>, vector<64x128xf32>
      %get3A_1427 = arith.constant 61 : index
      %get3A_1428 = arith.index_cast %multiple_of3A : i32 to index
      %get3A_1429 = vector.load %arg14[%get3A_1427, %get3A_1428] : memref<64x2048xf32, #tpu.memory_space<vmem>>, vector<1x128xf32>
      %add3A_1430 = vector.broadcast %get3A_1429 : vector<1x128xf32> to vector<64x128xf32>
      %add3A_1431 = arith.addf %get3A_1426, %add3A_1430 : vector<64x128xf32>
      %gt3A_1432 = arith.cmpf ogt, %add3A_1431, %select_n3A_1420 : vector<64x128xf32>
      %select_n3A_1433 = arith.select %gt3A_1432, %add3A_1431, %select_n3A_1420 : vector<64x128xi1>, vector<64x128xf32>
      %jit3A_1434 = arith.constant 61 : i32
      %broadcast_in_dim3A_1435 = vector.broadcast %jit3A_1434 : i32 to vector<64x128xi32>
      %select_n3A_1436 = arith.select %gt3A_1432, %broadcast_in_dim3A_1435, %select_n3A_1423 : vector<64x128xi1>, vector<64x128xi32>
      %get3A_1437 = arith.constant 3968 : index
      %get3A_1438 = arith.constant 0 : index
      %get3A_1439 = vector.load %arg15[%get3A_1437, %get3A_1438] : memref<4096x128xf32, #tpu.memory_space<vmem>>, vector<64x128xf32>
      %get3A_1440 = arith.constant 62 : index
      %get3A_1441 = arith.index_cast %multiple_of3A : i32 to index
      %get3A_1442 = vector.load %arg14[%get3A_1440, %get3A_1441] : memref<64x2048xf32, #tpu.memory_space<vmem>>, vector<1x128xf32>
      %add3A_1443 = vector.broadcast %get3A_1442 : vector<1x128xf32> to vector<64x128xf32>
      %add3A_1444 = arith.addf %get3A_1439, %add3A_1443 : vector<64x128xf32>
      %gt3A_1445 = arith.cmpf ogt, %add3A_1444, %select_n3A_1433 : vector<64x128xf32>
      %select_n3A_1446 = arith.select %gt3A_1445, %add3A_1444, %select_n3A_1433 : vector<64x128xi1>, vector<64x128xf32>
      %jit3A_1447 = arith.constant 62 : i32
      %broadcast_in_dim3A_1448 = vector.broadcast %jit3A_1447 : i32 to vector<64x128xi32>
      %select_n3A_1449 = arith.select %gt3A_1445, %broadcast_in_dim3A_1448, %select_n3A_1436 : vector<64x128xi1>, vector<64x128xi32>
      %get3A_1450 = arith.constant 4032 : index
      %get3A_1451 = arith.constant 0 : index
      %get3A_1452 = vector.load %arg15[%get3A_1450, %get3A_1451] : memref<4096x128xf32, #tpu.memory_space<vmem>>, vector<64x128xf32>
      %get3A_1453 = arith.constant 63 : index
      %get3A_1454 = arith.index_cast %multiple_of3A : i32 to index
      %get3A_1455 = vector.load %arg14[%get3A_1453, %get3A_1454] : memref<64x2048xf32, #tpu.memory_space<vmem>>, vector<1x128xf32>
      %add3A_1456 = vector.broadcast %get3A_1455 : vector<1x128xf32> to vector<64x128xf32>
      %add3A_1457 = arith.addf %get3A_1452, %add3A_1456 : vector<64x128xf32>
      %gt3A_1458 = arith.cmpf ogt, %add3A_1457, %select_n3A_1446 : vector<64x128xf32>
      %jit3A_1459 = arith.constant 63 : i32
      %broadcast_in_dim3A_1460 = vector.broadcast %jit3A_1459 : i32 to vector<64x128xi32>
      %select_n3A_1461 = arith.select %gt3A_1458, %broadcast_in_dim3A_1460, %select_n3A_1449 : vector<64x128xi1>, vector<64x128xi32>
      %swap3A_1462 = arith.constant 0 : index
      %swap3A_1463 = arith.index_cast %multiple_of3A : i32 to index
      %swap3A_1464 = vector.load %arg18[%swap3A_1462, %swap3A_1463] : memref<64x2048xi32, #tpu.memory_space<vmem>>, vector<64x128xi32>
      tpu.vector_store %arg18[%swap3A_1462, %swap3A_1463], %select_n3A_1461 {strides = array<i32>} : memref<64x2048xi32, #tpu.memory_space<vmem>>, vector<64x128xi32>,
    }
    %scan3A_607 = arith.constant 16 : i32
    %get3A_608 = arith.constant 0 : index
    %get3A_609 = arith.constant 0 : index
    %get3A_610 = vector.load %arg17[%get3A_608, %get3A_609] : memref<64x2048xi32, #tpu.memory_space<vmem>>, vector<64x2048xi32>
    %transpose3A_611 = tpu.transpose %get3A_610, [1, 0] : vector<64x2048xi32> -> vector<2048x64xi32>
    %swap3A_612 = arith.constant 0 : index
    %swap3A_613 = arith.constant 0 : index
    %swap3A_614 = vector.load %arg9[%swap3A_612, %swap3A_613] : memref<2048x64xi32, #tpu.memory_space<vmem>>, vector<2048x64xi32>
    tpu.vector_store %arg9[%swap3A_612, %swap3A_613], %transpose3A_611 {strides = array<i32>} : memref<2048x64xi32, #tpu.memory_space<vmem>>, vector<2048x64xi32>,
    %get3A_615 = arith.constant 0 : index
    %get3A_616 = arith.constant 0 : index
    %get3A_617 = vector.load %arg18[%get3A_615, %get3A_616] : memref<64x2048xi32, #tpu.memory_space<vmem>>, vector<64x2048xi32>
    %transpose3A_618 = tpu.transpose %get3A_617, [1, 0] : vector<64x2048xi32> -> vector<2048x64xi32>
    %swap3A_619 = arith.constant 0 : index
    %swap3A_620 = arith.constant 0 : index
    %swap3A_621 = vector.load %arg10[%swap3A_619, %swap3A_620] : memref<2048x64xi32, #tpu.memory_space<vmem>>, vector<2048x64xi32>
    tpu.vector_store %arg10[%swap3A_619, %swap3A_620], %transpose3A_618 {strides = array<i32>} : memref<2048x64xi32, #tpu.memory_space<vmem>>, vector<2048x64xi32>,
    %iota3A_622 = tpu.iota {dimensions = array<i32: 1>} : vector<1x64xi32>
    %swap3A_623 = arith.constant 2047 : index
    %swap3A_624 = arith.constant 0 : index
    %swap3A_625 = vector.load %arg10[%swap3A_623, %swap3A_624] : memref<2048x64xi32, #tpu.memory_space<vmem>>, vector<1x64xi32>
    tpu.vector_store %arg10[%swap3A_623, %swap3A_624], %iota3A_622 {strides = array<i32>} : memref<2048x64xi32, #tpu.memory_space<vmem>>, vector<1x64xi32>,
    return
  }
}

</mosaic_0001>

<sc_bundles>
// kernel: kernel.4.cloned.1.call-start
scs
__scs_entry_jumppad:
0x0: {  	(pc) =	sbr.rel $0x88, $3  }
0x1: {  	(tag) =	ssettag $0x0;
	lr =	simm.s32 $0x1  }
0x2: {  	[smem:$0x3F9B] =	sst lr;
	_ =	strace $0xD0000000  }
0x3: {  	_ = 	snop  }
0x4: {  	_ = 	snop  }
0x5: {  	_ = 	snop  }
0x6: {  	_ = 	snop  }
0x7: {  	_ = 	snop  }
__scs_overlays_trampoline_lowered:
0x8: {  	[smem:$0x3FAA] =	sst s0  }
0x9: {  	[smem:$0x3FAB] =	sst s1  }
0xa: {  	[smem:$0x3FAC] =	sst s2  }
0xb: {  	[smem:$0x3FAD] =	sst s3  }
0xc: {  	[smem:$0x3FAE] =	sst s4  }
0xd: {  	[smem:$0x3FAF] =	sst s5  }
0xe: {  	[smem:$0x3FB0] =	sst s6  }
0xf: {  	[smem:$0x3FB1] =	sst s7  }
0x10: {  	[smem:$0x3FB2] =	sst s8  }
0x11: {  	[smem:$0x3FB3] =	sst s9;
	s0 =	simm.s32 @!p0 $0x0  }
0x12: {  	s1 =	sld [smem:$0x3F99];
	s0 =	simm.s32 @p0 $0x1  }
0x13: {  	[smem:$0x3FB4] =	sst s0;
	s0 =	simm.s32 @!p1 $0x0  }
0x14: {  	s2 =	sld [smem:$0x3F98];
	s0 =	simm.s32 @p1 $0x1  }
0x15: {  	[smem:$0x3FB5] =	sst s0;
	s0 =	simm.s32 @!p2 $0x0  }
0x16: {  	s3 =	sld [smem:$0x3FDB];
	s0 =	simm.s32 @p2 $0x1  }
0x17: {  	s4 =	simm.s32 $0x1BF5;
	[smem:$0x3FB7] =	sst s0  }
0x18: {  	s0 =	sld [smem:$0x3F9A];
	_ =	swait.ge [sflag:s4], $0x0  }
0x19: {  	s7 =	sld [smem:$0x3F9B]  }
0x1a: {  	s8 =	sadd.s32 $0xFFFFE003, lr  }
0x1b: {  	s9 =	sadd.s32 $0xFFFFFEF7, lr;
	s5 =	simm.s32 $0xFFFFFFFF;
	p2 =	slt.u32 s8, $0xFFFFF086  }
0x1c: {  	p1 =	slt.u32 s9, $0xF7A;
	s5 =	simm.s32 @!p2 $0x0  }
0x1d: {  	s5 =	simm.s32 @p1 $0x1;
	p0 =	seq.s32 s7, s2  }
0x1e: {  	s7 =	smul.u32 @!p0 $0xF7A, s2;
	p2 =	seq.s32 @!p0 s5, $0x0  }
0x1f: {  	s9 =	smul.u32 $0xF7A, s1;
	s8 =	simm.s32 @!p0 $0x1BF5;
	p2 =	por !p2, p0  }
0x20: {  	[sflag:s8] =	ssyncset.s32 @!p0 $0xFFFFF086;
	s6 =	sadd.s32 @!p0 s3, s7;
	s7 =	simm.s32 @!p0 $0x108  }
0x21: {  	s3 =	sadd.s32 s3, s9;
	s6 =	sadd.s32 @!p0 $0x88, s6;
	s7 =	simm.s32 @p2 $0x1082  }
0x22: {  	[simem:s7], [sflag:s8] =	dma.local @!p0 [hbm:s6], $0xF7A  }
0x23: {  	s9 =	sor.u32 $0xD0000000, s2;
	s6 =	simm.s32 $0x108;
	_ =	swait.ge @!p0 [sflag:s8], $0x0  }
0x24: {  	s3 =	sadd.s32 $0x88, s3;
	s6 =	simm.s32 @!p1 $0x1082;
	[sflag:s4] =	ssyncset.s32 $0xFFFFF086  }
0x25: {  	[simem:s6], [sflag:s4] =	dma.local [hbm:s3], $0xF7A  }
0x26: {  	[smem:$0x3F9B] =	sst s1;
	(tag) =	ssettag s2;
	_ =	strace s9  }
0x27: {  	s1 =	sld [smem:$0x3FAB]  }
0x28: {  	s2 =	sld [smem:$0x3FAC]  }
0x29: {  	s4 =	sld [smem:$0x3FAE]  }
0x2a: {  	p0 =	seq.s32 s5, $0x0;
	s5 =	sld [smem:$0x3FAF]  }
0x2b: {  	s6 =	sld [smem:$0x3FB0]  }
0x2c: {  	s7 =	sld [smem:$0x3FB1]  }
0x2d: {  	s3 =	simm.s32 $0x108;
	s8 =	sld [smem:$0x3FB2]  }
0x2e: {  	s3 =	simm.s32 @!p0 $0x1082;
	s9 =	sld [smem:$0x3FB3]  }
0x2f: {  	lr =	sadd.s32 s0, s3;
	s0 =	sld [smem:$0x3FAA]  }
0x30: {  	s3 =	sld [smem:$0x3FAD]  }
0x31: {  	[smem:$0x3FB6] =	sst s10  }
0x32: {  	s10 =	sld [smem:$0x3FB4];
	_ =	sdelay $0x3  }
0x33: {  	p0 =	seq.s32 s10, $0x1;
	s10 =	sld [smem:$0x3FB6];
	_ =	sdelay $0x3  }
0x34: {  	[smem:$0x3FB6] =	sst s10  }
0x35: {  	s10 =	sld [smem:$0x3FB5];
	_ =	sdelay $0x3  }
0x36: {  	p1 =	seq.s32 s10, $0x1;
	s10 =	sld [smem:$0x3FB6];
	_ =	sdelay $0x3  }
0x37: {  	[smem:$0x3FB6] =	sst s10  }
0x38: {  	s10 =	sld [smem:$0x3FB7]  }
0x39: {  	_ = 	snop;
	(pc) =	sbr.ind lr, $3  }
0x3a: {  	_ = 	snop  }
0x3b: {  	_ = 	snop  }
0x3c: {  	p2 =	seq.s32 s10, $0x1;
	s10 =	sld [smem:$0x3FB6]  }
0x3d: {  	_ =	shalt  }
0x3e: {  	_ =	shalt  }
0x3f: {  	_ =	shalt  }
0x40: {  	_ =	shalt  }
0x41: {  	_ =	shalt  }
0x42: {  	_ =	shalt  }
0x43: {  	_ =	shalt  }
0x44: {  	_ =	shalt  }
0x45: {  	_ =	shalt  }
0x46: {  	_ =	shalt  }
0x47: {  	_ =	shalt  }
0x48: {  	_ =	shalt  }
0x49: {  	_ =	shalt  }
0x4a: {  	_ =	shalt  }
0x4b: {  	_ =	shalt  }
0x4c: {  	_ =	shalt  }
0x4d: {  	_ =	shalt  }
0x4e: {  	_ =	shalt  }
0x4f: {  	_ =	shalt  }
0x50: {  	_ =	shalt  }
0x51: {  	_ =	shalt  }
0x52: {  	_ =	shalt  }
0x53: {  	_ =	shalt  }
0x54: {  	_ =	shalt  }
0x55: {  	_ =	shalt  }
0x56: {  	_ =	shalt  }
0x57: {  	_ =	shalt  }
0x58: {  	_ =	shalt  }
0x59: {  	_ =	shalt  }
0x5a: {  	_ =	shalt  }
0x5b: {  	_ =	shalt  }
0x5c: {  	_ =	shalt  }
0x5d: {  	_ =	shalt  }
0x5e: {  	_ =	shalt  }
0x5f: {  	_ =	shalt  }
0x60: {  	_ =	shalt  }
0x61: {  	_ =	shalt  }
0x62: {  	_ =	shalt  }
0x63: {  	_ =	shalt  }
0x64: {  	_ =	shalt  }
0x65: {  	_ =	shalt  }
0x66: {  	_ =	shalt  }
0x67: {  	_ =	shalt  }
0x68: {  	_ =	shalt  }
0x69: {  	_ =	shalt  }
0x6a: {  	_ =	shalt  }
0x6b: {  	_ =	shalt  }
0x6c: {  	_ =	shalt  }
0x6d: {  	_ =	shalt  }
0x6e: {  	_ =	shalt  }
0x6f: {  	_ =	shalt  }
0x70: {  	_ =	shalt  }
0x71: {  	_ =	shalt  }
0x72: {  	_ =	shalt  }
0x73: {  	_ =	shalt  }
0x74: {  	_ =	shalt  }
0x75: {  	_ =	shalt  }
0x76: {  	_ =	shalt  }
0x77: {  	_ =	shalt  }
0x78: {  	_ =	shalt  }
0x79: {  	_ =	shalt  }
0x7a: {  	_ =	shalt  }
0x7b: {  	_ =	shalt  }
0x7c: {  	_ =	shalt  }
0x7d: {  	_ =	shalt  }
0x7e: {  	_ =	shalt  }
0x7f: {  	_ =	shalt  }
0x80: {  	_ =	shalt  }
0x81: {  	_ =	shalt  }
0x82: {  	_ =	shalt  }
0x83: {  	_ =	shalt  }
0x84: {  	_ =	shalt  }
0x85: {  	_ =	shalt  }
0x86: {  	_ =	shalt  }
0x87: {  	_ =	shalt  }
.Lfunc_end0:
.L_simem_size_0:
called_computation_lowered:
.L_overlay_start_0:
0x88: {  	s0 =	sld [smem:$0x3FD9]  }
0x89: {  	s1 =	sld [smem:$0x3FFE];
	_ =	sdelay $0x3  }
0x8a: {  	s0 =	sadd.s32 s1, s0  }
0x8b: {  	[smem:$0x3FC2] =	sst s0  }
0x8c: {  	_ = 	snop  }
0x8d: {  	s0 =	sld [smem:$0x3FD0];
	_ =	sdelay $0x2  }
0x8e: {  	s13 =	simm.s32 $0xA;
	s2 =	simm.s32 $0x10  }
0x8f: {  	[smem:s2], [sflag:s13] =	dma.local [hbm:s0], $0x1  }
0x90: {  	_ =	swait.eq [sflag:s13], $0x1  }
0x91: {  	[sflag:s13] =	ssyncset.done $0x0  }
0x92: {  	[sflag:s13] =	ssyncadd.s32 $0xFFFFFFFF  }
0x93: {  	s14 =	sld [smem:$0x11];
	(tm) =	ssettm $0x1  }
0x94: {  	s15 =	sld [smem:$0x3FFB];
	_ =	sdelay $0x3  }
0x95: {  	_ =	strace s15  }
0x96: {  	s1 =	sld [smem:$0x3FFC];
	_ =	sdelay $0x3  }
0x97: {  	_ =	strace s1  }
0x98: {  	s1 =	sld [smem:$0x3FFD];
	_ =	sdelay $0x3  }
0x99: {  	_ =	strace s1  }
0x9a: {  	_ =	strace $0x8FFFFFFF  }
0x9b: {  	s16 =	sld [smem:$0x3FDB];
	_ =	sdelay $0x1  }
0x9c: {  	s17 =	simm.s32 $_scs_section_size  }
0x9d: {  	s3 =	simm.s32 $_size__tile_overlayer_lowered;
	s4 =	simm.s32 $_tile_overlayer_lowered  }
0x9e: {  	s20 =	simm.s32 $0x1BFF;
	s19 =	sshll.u32 s4, $0x1;
	s1 =	sadd.s32 s17, s16  }
0x9f: {  	s5 =	simm.s32 $0x0;
	s18 =	sshll.u32 s3, $0x1;
	s3 =	sadd.s32 s19, s1  }
0xa0: {  	[timem:s5], [sflag:s20] =	dma.local [hbm:s3], s18  }
0xa1: {  	_ =	swait.ge [sflag:s20], s18  }
0xa2: {  	s2 =	ssub.s32 $0x0, s18;
	[sflag:s20] =	ssyncset.done $0x0  }
0xa3: {  	[sflag:s20] =	ssyncadd.s32 s2;
	_ =	sdelay $0x1  }
0xa4: {  	s21 =	simm.s32 $0x1B8B  }
0xa5: {  	_ =	swait.ge [sflag:s21], $0x1  }
0xa6: {  	[sflag:s21] =	ssyncset.done $0x0  }
0xa7: {  	s23 =	simm.s32 $0x1B8E;
	s22 =	sld [smem:$0x3FFE];
	[sflag:s21] =	ssyncadd.s32 $0xFFFFFFFF  }
0xa8: {  	s24 =	simm.s32 $execute0_lowered;
	[smem:$0x3FD2] =	sst s23  }
0xa9: {  	s3 =	sshll.u32 s24, $0x1;
	_ =	strace $0x80000046;
	[dreg:$0x1] =	wrdreg $0xFFFFFFFF  }
0xaa: {  	s25 =	simm.s32 $_size_execute0_lowered;
	s1 =	sadd.s32 s1, s3;
	[dreg:$0x0] =	wrdreg $0x0  }
0xab: {  	s3 =	sshll.u32 s25, $0x1;
	[dreg:$0x2] =	wrdreg s1  }
0xac: {  	[dreg:$0x3] =	wrdreg s3  }
0xad: {  	[dreg:$0x4] =	wrdreg $0xC0  }
0xae: {  	_ =	task [dreg:s5], $0x5FFFF  }
0xaf: {  	[dreg:$0x1] =	wrdreg $0xFFFFFFFF  }
0xb0: {  	[dreg:$0x0] =	wrdreg $0x60  }
0xb1: {  	[dreg:$0x2] =	wrdreg s22  }
0xb2: {  	[dreg:$0x3] =	wrdreg s14  }
0xb3: {  	[dreg:$0x4] =	wrdreg $0x87000  }
0xb4: {  	[dreg:$0x5] =	wrdreg $0x87400  }
0xb5: {  	[dreg:$0x6] =	wrdreg $0x9  }
0xb6: {  	_ =	task.clear_ibuf [dreg:s5], $0x7FFFF;
	_ =	strace $0x90000046  }
0xb7: {  	s26 =	simm.s32 $0x9;
	_ =	strace $0x80000048  }
0xb8: {  	_ =	swait.ge [sflag:s26], $0x1  }
0xb9: {  	[sflag:s26] =	ssyncadd.s32 $0xFFFFFFFF  }
0xba: {  	_ =	strace $0x90000048  }
0xbb: {  	_ =	sfence  }
0xbc: {  	s28 =	sld [smem:$0x0];
	_ =	sdelay $0x1  }
0xbd: {  	s29 =	srdreg.scid  }
0xbe: {  	s30 =	sshll.u32 s29, $0xD;
	s31 =	sshrl.u32 s29, $0x2  }
0xbf: {  	s2 =	sand.u32 $0x4000, s30;
	s1 =	sand.u32 $0x1, s29;
	s0 =	sadd.s32 s31, s28  }
0xc0: {  	s1 =	sor.u32 s2, s1;
	s0 =	sshll.u32 s0, $0x11  }
0xc1: {  	s0 =	sor.u32 s0, s1  }
0xc2: {  	s0 =	sadd.s32 $0x8F2B, s0  }
0xc3: {  	[sflag:s0] =	ssyncadd.remote.s32 $0x1  }
0xc4: {  	_ =	sfence.sel $0xFFFF  }
0xc5: {  	[dreg:$0x0] =	wrdreg $0xFFFFFFFF;
	(pc) =	sbr.abs _section_cstart, $3  }
0xc6: {  	[dreg:$0x1] =	wrdreg $0xFFFFFFFF  }
0xc7: {  	_ =	task.clear_ibuf [dreg:s5], $0x2FFFF;
	_ =	strace $0x9FFFFFFF  }
0xc8: {  	(tm) =	ssettm $0x7FFFFFFF  }
0xc9: {  	_ =	shalt  }
tec
execute0_lowered:
.L_overlay_start_1:
0x0: {  	(tag) =	ssettag $0x1  }
0x1: {  	s6 =	rddreg [dreg:$0x0]  }
0x2: {  	s3 =	rddreg [dreg:$0x1]  }
0x3: {  	s2 =	rddreg [dreg:$0x2]  }
0x4: {  	s1 =	rddreg [dreg:$0x3];
	s5 =	stileid.u32  }
0x5: {  	s0 =	rddreg [dreg:$0x4];
	s4 =	simm.s32 $0x0;
	s7 =	sshll.u32 s5, $0xB  }
0x6: {  	[smem:$0x7FF] =	sst s4;
	s7 =	sadd.s32 s7, s6  }
0x7: {  	s31 =	simm.s32 $0x1;
	_ =	strace $0x80000047;
	s7 =	sadd.s32 $0x1200, s7  }
0x8: {  	[tilespmem:s4], [sflag:$0x1] =	stream.linear.gather [hbm4b:s7+s4], $0x4000, $0x38;
	[tilespmem:$0x8750] =	vst v63  }
0x9: {  	_ =	swait.ge [sflag:s31], $0x4000  }
0xa: {  	v0 =	vlaneseq.u32;
	s8 =	simm.s32 $0x3FC0;
	[sflag:s31] =	ssyncset.done $0x0  }
0xb: {  	s9 =	simm.s32 $0x8080;
	v1 =	vadd.s32 s8, v0;
	s6 =	sadd.s32 $0x1000, s6;
	[sflag:s31] =	ssyncadd.s32 $0xFFFFC000  }
0xc: {  	[tilespmem:s9], [sflag:$0x1] =	stream.linear.gather [hbm4b:s6+s4], $0x80, $0x38;
	[tilespmem:$0x8750] =	vst v63  }
0xd: {  	_ =	swait.ge [sflag:s31], $0x80  }
0xe: {  	[sflag:s31] =	ssyncset.done $0x0  }
0xf: {  	[sflag:s31] =	ssyncadd.s32 $0xFFFFFF80  }
0x10: {  	v2 =	vor.u32 $0x10, v0;
	v1 =	vld.idx.msk [tilespmem:v1+s4+$0x0], $0xffff  }
0x11: {  	v2 =	vadd.s32 s8, v2;
	_ =	sdelay $0x2  }
0x12: {  	s6 =	simm.s32 $0x7FF0  }
0x13: {  	[tilespmem:s6+$0xFFFFFFD0] =	vst v1  }
0x14: {  	v3 =	vor.u32 $0x20, v0;
	v4 =	vld.idx.msk [tilespmem:v2+s4+$0x0], $0xffff  }
0x15: {  	v2 =	vadd.s32 s8, v3;
	_ =	sdelay $0x3  }
0x16: {  	[tilespmem:s6+$0xFFFFFFE0] =	vst v4  }
0x17: {  	v0 =	vor.u32 $0x30, v0;
	v3 =	vld.idx.msk [tilespmem:v2+s4+$0x0], $0xffff  }
0x18: {  	v5 =	vadd.s32 s8, v0;
	_ =	sdelay $0x3  }
0x19: {  	s7 =	simm.s32 $0x3F80;
	[tilespmem:s6+$0xFFFFFFF0] =	vst v3  }
0x1a: {  	v0 =	vadd.s32 s7, v3;
	v3 =	vld.idx.msk [tilespmem:v5+s4+$0x0], $0xffff;
	_ =	sdelay $0x1  }
0x1b: {  	s8 =	simm.s32 $0x3F40;
	v2 =	vadd.s32 s7, v1;
	v1 =	vadd.s32 s7, v4  }
.LBB2_1:
0x1c: {  	p0 =	sne.s32 s8, $0x0;
	_ =	sdelay $0x1  }
0x1d: {  	v4 =	vadd.s32 s7, v3;
	s7 =	smov.u32 s8  }
0x1e: {  	[tilespmem:s6+$0x0] =	vst v3  }
0x1f: {  	v3 =	vld.idx.msk [tilespmem:v2+s4+$0x0], $0xffff;
	_ =	sdelay $0x4  }
0x20: {  	s6 =	sadd.s32 $0xFFFFFFC0, s6;
	v2 =	vadd.s32 s8, v3  }
0x21: {  	[tilespmem:s6+$0xFFFFFFD0] =	vst v3  }
0x22: {  	v3 =	vld.idx.msk [tilespmem:v1+s4+$0x0], $0xffff;
	_ =	sdelay $0x4  }
0x23: {  	v1 =	vadd.s32 s8, v3  }
0x24: {  	[tilespmem:s6+$0xFFFFFFE0] =	vst v3  }
0x25: {  	v3 =	vld.idx.msk [tilespmem:v0+s4+$0x0], $0xffff;
	_ =	sdelay $0x4  }
.Ltmp0:
0x26: {  	v0 =	vadd.s32 s8, v3;
	(pc) =	sbr.rel @p0 .LBB2_1-.Ltmp0, $3  }
0x27: {  	[tilespmem:s6+$0xFFFFFFF0] =	vst v3  }
0x28: {  	v3 =	vld.idx.msk [tilespmem:v4+s4+$0x0], $0xffff;
	_ =	sdelay $0x1  }
0x29: {  	s8 =	sadd.s32 $0xFFFFFFC0, s8  }
0x2a: {  	_ =	sdelay $0x2  }
0x2b: {  	[tilespmem:s6+$0x0] =	vst v3  }
0x2c: {  	v2 =	vld.idx.msk [tilespmem:v2+s4+$0x0], $0xffff;
	_ =	sdelay $0x3  }
0x2d: {  	s26 =	sadd.s32 $0xFFFFFFC0, s6  }
0x2e: {  	[tilespmem:s26+$0xFFFFFFD0] =	vst v2  }
0x2f: {  	v1 =	vld.idx.msk [tilespmem:v1+s4+$0x0], $0xffff;
	_ =	sdelay $0x4  }
0x30: {  	[tilespmem:s26+$0xFFFFFFE0] =	vst v1  }
0x31: {  	v0 =	vld.idx.msk [tilespmem:v0+s4+$0x0], $0xffff  }
0x32: {  	v63 =	vadd.s32 s7, v3;
	_ =	sdelay $0x3  }
0x33: {  	[tilespmem:s26+$0xFFFFFFF0] =	vst v0  }
0x34: {  	v3 =	vld.idx.msk [tilespmem:v63+s4+$0x0], $0xffff;
	_ =	sdelay $0x4  }
0x35: {  	[tilespmem:s26+$0x0] =	vst v3  }
0x36: {  	[tilespmem:$0x8000] =	vst v2  }
0x37: {  	[tilespmem:$0x8010] =	vst v1  }
0x38: {  	s28 =	sshll.u32 s5, $0x6;
	[tilespmem:$0x8020] =	vst v0  }
0x39: {  	s29 =	simm.s32 $0x8000;
	s4 =	sadd.s32 s28, s2;
	[tilespmem:$0x8030] =	vst v3  }
0x3a: {  	[spmem:s4] =	stream.linear.scatter [tilespmem:s29], [sflag:$0x1], $0x40, $0x38;
	[tilespmem:$0x8750] =	vst v63  }
0x3b: {  	p0 =	sne.s32 s5, $0x0;
	s4 =	simm.s32 $0x1  }
.Ltmp1:
0x3c: {  	_ =	swait.ge [sflag:s4], $0x40;
	(pc) =	sbr.rel @p0 .LBB2_6-.Ltmp1, $4  }
0x3d: {  	[sflag:s4] =	ssyncset.done $0x0  }
0x3e: {  	[sflag:s4] =	ssyncadd.s32 $0xFFFFFFC0  }
0x3f: {  	s30 =	sshll.u32 s5, $0x4;
	s31 =	sshll.u32 s5, $0x5;
	[bflag:$0x0] =	sbarrier.arrive $0xFFFF  }
0x40: {  	s5 =	sadd.s32 s30, s1;
	s3 =	sadd.s32 s3, s31  }
0x41: {  	s6 =	simm.s32 $0x8100  }
0x42: {  	[tilespmem:s6], [sflag:$0x1] =	stream.linear.gather [spmem:s2], $0x400, $0x38;
	[tilespmem:$0x8750] =	vst v63  }
0x43: {  	_ =	swait.ge [sflag:s4], $0x400  }
0x44: {  	[sflag:s4] =	ssyncset.done $0x0  }
0x45: {  	[sflag:s4] =	ssyncadd.s32 $0xFFFFFC00  }
0x46: {  	s2 =	simm.s32 $0x3C0;
	v0 =	vld [tilespmem:$0x8080]  }
.LBB2_4:
0x47: {  	_ =	sdelay $0x3  }
0x48: {  	p1 =	sne.s32 s2, $0x0;
	v1 =	vadd.s32 s2, v0  }
.Ltmp2:
0x49: {  	_ = 	snop;
	(pc) =	sbr.rel @p1 .LBB2_4-.Ltmp2, $4  }
0x4a: {  	_ = 	snop  }
0x4b: {  	s7 =	sshra.s32 s2, $0x2  }
0x4c: {  	[tilespmem:s7+$0x8500] =	vst v0  }
0x4d: {  	s2 =	sadd.s32 $0xFFFFFFC0, s2;
	v0 =	vld.idx.msk [tilespmem:v1+s6+$0x0], $0xffff  }
0x4e: {  	s2 =	simm.s32 $0x8500;
	s31 =	simm.s32 $0x1  }
0x4f: {  	[spmem:s1] =	stream.linear.scatter [tilespmem:s2], [sflag:$0x1], $0x100, $0x38;
	[tilespmem:$0x8750] =	vst v63  }
0x50: {  	_ =	swait.ge [sflag:s31], $0x100  }
0x51: {  	[sflag:s31] =	ssyncset.done $0x0  }
0x52: {  	[sflag:s31] =	ssyncadd.s32 $0xFFFFFF00  }
.LBB2_6:
0x53: {  	[bflag:$0x0] =	sbarrier.arrive $0xFFFF;
	s1 =	simm.s32 $0x8080  }
0x54: {  	[tilespmem:s1], [sflag:$0x1] =	stream.linear.gather [spmem:s5], $0x10, $0x38;
	[tilespmem:$0x8750] =	vst v63  }
0x55: {  	_ =	swait.ge [sflag:s4], $0x10  }
0x56: {  	[sflag:s4] =	ssyncset.done $0x0  }
0x57: {  	[sflag:s4] =	ssyncadd.s32 $0xFFFFFFF0  }
0x58: {  	v0 =	vld [tilespmem:$0x8080];
	_ =	sdelay $0x1  }
0x59: {  	v1 =	vlaneseq.u32  }
0x5a: {  	v1 =	vmul.u32 $0x40, v1;
	_ =	sdelay $0x1  }
0x5b: {  	v2 =	vadd.s32 v1, v0;
	_ =	sdelay $0x3  }
0x5c: {  	s30 =	simm.s32 $0x4000  }
0x5d: {  	v3 =	vor.u32 $0x400, v1;
	v2 =	vld.idx.msk [tilespmem:v2+s30+$0x0], $0xffff  }
0x5e: {  	v3 =	vadd.s32 v3, v0;
	_ =	sdelay $0x3  }
0x5f: {  	[tilespmem:$0x8600] =	vst v2  }
0x60: {  	v51 =	vor.u32 $0x800, v1;
	v2 =	vld.idx.msk [tilespmem:v3+s30+$0x0], $0xffff  }
0x61: {  	v3 =	vadd.s32 v51, v0;
	_ =	sdelay $0x3  }
0x62: {  	[tilespmem:$0x8610] =	vst v2  }
0x63: {  	v52 =	vor.u32 $0xC00, v1;
	v2 =	vld.idx.msk [tilespmem:v3+s30+$0x0], $0xffff  }
0x64: {  	v3 =	vadd.s32 v52, v0;
	_ =	sdelay $0x3  }
0x65: {  	[tilespmem:$0x8620] =	vst v2  }
0x66: {  	v53 =	vor.u32 $0x1000, v1;
	v2 =	vld.idx.msk [tilespmem:v3+s30+$0x0], $0xffff  }
0x67: {  	v3 =	vadd.s32 v53, v0;
	_ =	sdelay $0x3  }
0x68: {  	[tilespmem:$0x8630] =	vst v2  }
0x69: {  	v54 =	vor.u32 $0x1400, v1;
	v2 =	vld.idx.msk [tilespmem:v3+s30+$0x0], $0xffff  }
0x6a: {  	v3 =	vadd.s32 v54, v0;
	_ =	sdelay $0x3  }
0x6b: {  	[tilespmem:$0x8640] =	vst v2  }
0x6c: {  	v55 =	vor.u32 $0x1800, v1;
	v2 =	vld.idx.msk [tilespmem:v3+s30+$0x0], $0xffff  }
0x6d: {  	v3 =	vadd.s32 v55, v0;
	_ =	sdelay $0x3  }
0x6e: {  	[tilespmem:$0x8650] =	vst v2  }
0x6f: {  	v56 =	vor.u32 $0x1C00, v1;
	v2 =	vld.idx.msk [tilespmem:v3+s30+$0x0], $0xffff  }
0x70: {  	v3 =	vadd.s32 v56, v0;
	_ =	sdelay $0x3  }
0x71: {  	[tilespmem:$0x8660] =	vst v2  }
0x72: {  	v57 =	vor.u32 $0x2000, v1;
	v2 =	vld.idx.msk [tilespmem:v3+s30+$0x0], $0xffff  }
0x73: {  	v3 =	vadd.s32 v57, v0;
	_ =	sdelay $0x3  }
0x74: {  	[tilespmem:$0x8670] =	vst v2  }
0x75: {  	v58 =	vor.u32 $0x2400, v1;
	v2 =	vld.idx.msk [tilespmem:v3+s30+$0x0], $0xffff  }
0x76: {  	v3 =	vadd.s32 v58, v0;
	_ =	sdelay $0x3  }
0x77: {  	[tilespmem:$0x8680] =	vst v2  }
0x78: {  	v59 =	vor.u32 $0x2800, v1;
	v2 =	vld.idx.msk [tilespmem:v3+s30+$0x0], $0xffff  }
0x79: {  	v3 =	vadd.s32 v59, v0;
	_ =	sdelay $0x3  }
0x7a: {  	[tilespmem:$0x8690] =	vst v2  }
0x7b: {  	v60 =	vor.u32 $0x2C00, v1;
	v2 =	vld.idx.msk [tilespmem:v3+s30+$0x0], $0xffff  }
0x7c: {  	v3 =	vadd.s32 v60, v0;
	_ =	sdelay $0x3  }
0x7d: {  	[tilespmem:$0x86A0] =	vst v2  }
0x7e: {  	v61 =	vor.u32 $0x3000, v1;
	v2 =	vld.idx.msk [tilespmem:v3+s30+$0x0], $0xffff  }
0x7f: {  	v3 =	vadd.s32 v61, v0;
	_ =	sdelay $0x3  }
0x80: {  	[tilespmem:$0x86B0] =	vst v2  }
0x81: {  	v62 =	vor.u32 $0x3400, v1;
	v2 =	vld.idx.msk [tilespmem:v3+s30+$0x0], $0xffff  }
0x82: {  	v3 =	vadd.s32 v62, v0;
	_ =	sdelay $0x3  }
0x83: {  	[tilespmem:$0x86C0] =	vst v2  }
0x84: {  	v63 =	vor.u32 $0x3800, v1;
	v2 =	vld.idx.msk [tilespmem:v3+s30+$0x0], $0xffff  }
0x85: {  	v3 =	vadd.s32 v63, v0;
	_ =	sdelay $0x3  }
0x86: {  	[tilespmem:$0x86D0] =	vst v2  }
0x87: {  	v1 =	vor.u32 $0x3C00, v1;
	v2 =	vld.idx.msk [tilespmem:v3+s30+$0x0], $0xffff  }
0x88: {  	v0 =	vadd.s32 v1, v0;
	_ =	sdelay $0x3  }
0x89: {  	[tilespmem:$0x86E0] =	vst v2  }
0x8a: {  	v0 =	vld.idx.msk [tilespmem:v0+s30+$0x0], $0xffff;
	_ =	sdelay $0x4  }
0x8b: {  	s31 =	simm.s32 $0x0;
	s2 =	simm.s32 $0x8600;
	[tilespmem:$0x86F0] =	vst v0  }
0x8c: {  	[hbm4b:s3+s31] =	stream.linear.scatter [tilespmem:s2], [sflag:$0x1], $0x100, $0x38;
	[tilespmem:$0x8750] =	vst v63  }
0x8d: {  	_ =	swait.ge [sflag:s4], $0x100  }
0x8e: {  	[sflag:s4] =	ssyncset.done $0x0  }
0x8f: {  	[sflag:s4] =	ssyncadd.s32 $0xFFFFFF00  }
0x90: {  	_ =	sfence.sel $0x180000  }
0x91: {  	[bflag:$0x0] =	sbarrier.arrive $0xFFFF  }
0x92: {  	_ =	strace $0x90000047  }
0x93: {  	s0 =	sadd.s32 @!p0 $0x100000, s0;
	[bflag:$0x2] =	sbarrier.arrive $0xFFFF  }
0x94: {  	[sflag:s0] =	ssyncadd.tile.s32 @!p0 $0x1;
	_ =	shalt  }
.Lfunc_end2:
_tile_overlayer_lowered:
.L_overlay_start_2:
0x95: {  	(tag) =	ssettag $0x2  }
0x96: {  	s0 =	rddreg [dreg:$0x0];
	s2 =	stileid.u32  }
0x97: {  	s1 =	rddreg [dreg:$0x1];
	p0 =	sne.s32 s2, $0x0  }
0x98: {  	s3 =	rddreg [dreg:$0x2];
	[bflag:$0x3] =	sbarrier.arrive $0xFFFF;
	s2 =	simm.s32 @!p0 $0x1C01  }
0x99: {  	[timem:s3], [sflag:s2] =	dma.local @!p0 [hbm:s0], s1  }
0x9a: {  	s0 =	simm.s32 @!p0 $0x1  }
0x9b: {  	_ =	swait.ge @!p0 [sflag:s0], s1  }
0x9c: {  	s1 =	ssub.s32 @!p0 $0x0, s1;
	[sflag:s0] =	ssyncset.done @!p0 $0x0  }
0x9d: {  	[sflag:s0] =	ssyncadd.s32 @!p0 s1  }
0x9e: {  	[bflag:$0x3] =	sbarrier.arrive $0xFFFF  }
0x9f: {  	_ =	shalt  }

</sc_bundles>
